<compile_context>
chip_gen: v7x
topology: tpu7x:2x2x1
jax: 0.10.2.dev20260603
libtpu: 0.0.44.dev20260713+nightly
codegen_flags: <defaults>
</compile_context>

<pallas_src>
import jax
import jax.numpy as jnp
from jax import lax
from jax.experimental import pallas as pl
from jax.experimental.pallas import tpu as pltpu
from jax.experimental.pallas import tpu_sc as plsc

B = 16384
D = 128
EPS = 1e-6
L = 16

_info = plsc.get_sparse_core_info()
NC = _info.num_cores
NS = _info.num_subcores
NW = NC * NS
BPW = B // NW
CH = 32
NCHUNK = BPW // CH
GROUPS = CH // L
JD = D // L


def _sqrt16(a):
    bits = plsc.bitcast(a, jnp.int32)
    x = plsc.bitcast((bits >> 1) + 0x1FBD1DF5, jnp.float32)
    x = 0.5 * (x + a / x)
    x = 0.5 * (x + a / x)
    return x


def _sc_body(sub_hbm, obj_hbm, idx_hbm, tab_hbm, out_hbm,
             idx_v, s_big, o_big, res_big,
             sem_s, sem_o, sem_g, sem_out):
    wid = lax.axis_index("s") * NC + lax.axis_index("c")
    base = wid * BPW
    lane = lax.iota(jnp.int32, L)

    def s_slice(par):
        return s_big.at[pl.ds(par * CH, CH)]

    def o_slice(par):
        return o_big.at[pl.ds(par * CH, CH)]

    def res_slice(par):
        return res_big.at[pl.ds(par * CH, CH)]

    def sub_src(c):
        return sub_hbm.at[pl.ds(base + c * CH, CH)]

    def obj_src(c):
        return obj_hbm.at[pl.ds(base + c * CH, CH)]

    def gad_src(c):
        return tab_hbm.at[idx_v.at[pl.ds(c * CH, CH)]]

    def start_lin(c, par):
        pltpu.async_copy(sub_src(c), s_slice(par), sem_s)
        pltpu.async_copy(obj_src(c), o_slice(par), sem_o)

    start_lin(0, 0)
    start_lin(1, 1)
    pltpu.sync_copy(idx_hbm.at[pl.ds(base, BPW)], idx_v)
    pltpu.make_async_copy(sub_src(0), s_slice(0), sem_s).wait()
    pltpu.async_copy(gad_src(0), s_slice(0), sem_g, add=True)
    start_lin(2, 2)

    def chunk_body(c, carry):
        par = lax.rem(c, 3)
        npar = lax.rem(c + 1, 3)

        @pl.when(c + 1 < NCHUNK)
        def _():
            pltpu.make_async_copy(sub_src(c + 1), s_slice(npar), sem_s).wait()
            pltpu.async_copy(gad_src(c + 1), s_slice(npar), sem_g, add=True)

        pltpu.make_async_copy(gad_src(c), s_slice(par), sem_g).wait()
        pltpu.make_async_copy(obj_src(c), o_slice(par), sem_o).wait()

        dbase = par * CH
        rbase = c * CH

        @plsc.parallel_loop(0, GROUPS, unroll=1)
        def group_body(g):
            tots = [jnp.zeros((L,), jnp.float32) for _ in range(4)]
            for rr in range(L):
                r = dbase + g * L + rr
                acc0 = jnp.zeros((L,), jnp.float32)
                acc1 = jnp.zeros((L,), jnp.float32)
                for j in range(JD):
                    cs = pl.ds(j * L, L)
                    dv = s_big[r, cs] - o_big[r, cs] + EPS
                    if j % 2 == 0:
                        acc0 = acc0 + dv * dv
                    else:
                        acc1 = acc1 + dv * dv
                k = rr % 4
                tots[k] = jnp.where(lane == rr, jnp.sum(acc0 + acc1), tots[k])
            tot = (tots[0] + tots[1]) + (tots[2] + tots[3])
            res_big[pl.ds(rbase + g * L, L)] = _sqrt16(tot)

        pltpu.async_copy(res_slice(c),
                         out_hbm.at[pl.ds(base + c * CH, CH)], sem_out)

        @pl.when(c + 3 < NCHUNK)
        def _():
            start_lin(c + 3, par)

        return carry

    lax.fori_loop(0, NCHUNK, chunk_body, 0)

    for c in range(NCHUNK):
        pltpu.make_async_copy(res_slice(c),
                              out_hbm.at[pl.ds(base + c * CH, CH)],
                              sem_out).wait()


_sc_call = pl.kernel(
    _sc_body,
    out_type=jax.ShapeDtypeStruct((B,), jnp.float32),
    mesh=plsc.VectorSubcoreMesh(core_axis_name="c", subcore_axis_name="s"),
    compiler_params=pltpu.CompilerParams(needs_layout_passes=False),
    scratch_types=[
        pltpu.VMEM((BPW,), jnp.int32),
        pltpu.VMEM((3 * CH, D), jnp.float32),
        pltpu.VMEM((3 * CH, D), jnp.float32),
        pltpu.VMEM((BPW,), jnp.float32),
        pltpu.SemaphoreType.DMA,
        pltpu.SemaphoreType.DMA,
        pltpu.SemaphoreType.DMA,
        pltpu.SemaphoreType.DMA,
    ],
)


@jax.jit
def kernel(subject_embeddings, object_embeddings, relations, relation_weight):
    rel = relations.astype(jnp.int32)
    return _sc_call(subject_embeddings, object_embeddings, rel,
                    relation_weight)

# --- scband reference (transcript-rebuilt; emitter-appended) ---
"""Pipeline reference for scband-trans-edecoder-64407329571718 (READ-ONLY COPY).

The authoritative reference and input builder live on the scoring server;
editing this copy changes nothing except your own understanding.
"""

import jax, jax.numpy as jnp
import numpy as np

B = 16384
D = 128
R = 1000
EPS = 1e-6

def setup_inputs(seed: int = 0) -> dict:
    key = jax.random.key(seed)
    k1, k2, k3, k4 = jax.random.split(key, 4)
    subject_embeddings = jax.random.normal(k1, (B, D), dtype=jnp.float32)
    object_embeddings = jax.random.normal(k2, (B, D), dtype=jnp.float32)
    relations = jax.random.randint(k3, (B,), 0, R, dtype=jnp.int64)
    # xavier_normal init for relation embedding table: std = sqrt(2/(fan_in+fan_out))
    std = float(np.sqrt(2.0 / (R + D)))
    relation_weight = jax.random.normal(k4, (R, D), dtype=jnp.float32) * std
    return {
        'subject_embeddings': subject_embeddings,
        'object_embeddings': object_embeddings,
        'relations': relations,
        'relation_weight': relation_weight,
    }

def reference(subject_embeddings, object_embeddings, relations, relation_weight):
    # dropout p=0 -> identity
    relation_embeddings = jnp.take(relation_weight, relations, axis=0)
    # torch.nn.PairwiseDistance(p=2): ||x1 - x2 + eps||_2 along last dim
    diff = (subject_embeddings + relation_embeddings) - object_embeddings + EPS
    scores = jnp.sqrt(jnp.sum(diff * diff, axis=-1))
    return scores

if __name__ == "__main__":
    import jax
    _d = setup_inputs()
    print(jax.jit(kernel)(*tuple(_d.values())))

</pallas_src>

<mosaic_0001>
#map = affine_map<(d0, d1) -> (0, 0)>
#map1 = affine_map<(d0, d1) -> (0)>
module attributes {stable_mosaic.version = 14 : i64} {
  func.func @_sc_body(%arg0: i32, %arg1: i32, %arg2: memref<16384x128xf32, #tpu.memory_space<hbm>>, %arg3: memref<16384x128xf32, #tpu.memory_space<hbm>>, %arg4: memref<16384xi32, #tpu.memory_space<hbm>>, %arg5: memref<1000x128xf32, #tpu.memory_space<hbm>>, %arg6: memref<16384xf32, #tpu.memory_space<hbm>>, %arg7: memref<512xi32, #tpu.memory_space<vmem>>, %arg8: memref<96x128xf32, #tpu.memory_space<vmem>>, %arg9: memref<96x128xf32, #tpu.memory_space<vmem>>, %arg10: memref<512xf32, #tpu.memory_space<vmem>>, %arg11: memref<!tpu.dma_semaphore, #tpu.memory_space<semaphore_mem>>, %arg12: memref<!tpu.dma_semaphore, #tpu.memory_space<semaphore_mem>>, %arg13: memref<!tpu.dma_semaphore, #tpu.memory_space<semaphore_mem>>, %arg14: memref<!tpu.dma_semaphore, #tpu.memory_space<semaphore_mem>>) attributes {dimension_semantics = [#tpu.dimension_semantics<core_parallel>, #tpu.dimension_semantics<subcore_parallel>], iteration_bounds = array<i64: 2, 16>, scalar_prefetch = 0 : i64, scratch_operands = 8 : i64, tpu.core_type = #tpu.core_type<sc_vector_subcore>, window_params = [{transform_indices = #map}, {transform_indices = #map}, {transform_indices = #map1}, {transform_indices = #map}, {transform_indices = #map1}]} {
    %mul3A = arith.constant 2 : i32
    %mul3A_0 = arith.muli %arg1, %mul3A : i32
    %add3A = arith.addi %mul3A_0, %arg0 : i32
    %mul3A_1 = arith.constant 512 : i32
    %mul3A_2 = arith.muli %add3A, %mul3A_1 : i32
    %iota3A = tpu.iota {dimensions = array<i32: 0>} : vector<16xi32>
    %add3A_3 = arith.constant 0 : i32
    %add3A_4 = arith.addi %mul3A_2, %add3A_3 : i32
    %dma_start3A = arith.constant 0 : i32
    %dma_start3A_5 = arith.constant 0 : i32
    %dma_start3A_6 = tpu.memref_slice %arg8[%dma_start3A, %dma_start3A_5] : memref<96x128xf32, #tpu.memory_space<vmem>> -> memref<32x128xf32, #tpu.memory_space<vmem>>
    %dma_start3A_7 = arith.constant 0 : i32
    %dma_start3A_8 = tpu.memref_slice %arg2[%add3A_4, %dma_start3A_7] : memref<16384x128xf32, #tpu.memory_space<hbm>> -> memref<32x128xf32, #tpu.memory_space<hbm>>
    %dma_start3A_9 = arith.constant 0 : i32
    %dma_start3A_10 = arith.constant 0 : i32
    %dma_start3A_11 = tpu.memref_slice %arg8[%dma_start3A_9, %dma_start3A_10] : memref<96x128xf32, #tpu.memory_space<vmem>> -> memref<32x128xf32, #tpu.memory_space<vmem>>
    %dma_start3A_12 = arith.constant 0 : i32
    %dma_start3A_13 = tpu.memref_slice %arg2[%add3A_4, %dma_start3A_12] : memref<16384x128xf32, #tpu.memory_space<hbm>> -> memref<32x128xf32, #tpu.memory_space<hbm>>
    tpu.enqueue_dma source(%dma_start3A_13 : memref<32x128xf32, #tpu.memory_space<hbm>>) target(%dma_start3A_11 : memref<32x128xf32, #tpu.memory_space<vmem>>) target_semaphore(%arg11 : memref<!tpu.dma_semaphore, #tpu.memory_space<semaphore_mem>>)
    %add3A_14 = arith.constant 0 : i32
    %add3A_15 = arith.addi %mul3A_2, %add3A_14 : i32
    %dma_start3A_16 = arith.constant 0 : i32
    %dma_start3A_17 = arith.constant 0 : i32
    %dma_start3A_18 = tpu.memref_slice %arg9[%dma_start3A_16, %dma_start3A_17] : memref<96x128xf32, #tpu.memory_space<vmem>> -> memref<32x128xf32, #tpu.memory_space<vmem>>
    %dma_start3A_19 = arith.constant 0 : i32
    %dma_start3A_20 = tpu.memref_slice %arg3[%add3A_15, %dma_start3A_19] : memref<16384x128xf32, #tpu.memory_space<hbm>> -> memref<32x128xf32, #tpu.memory_space<hbm>>
    %dma_start3A_21 = arith.constant 0 : i32
    %dma_start3A_22 = arith.constant 0 : i32
    %dma_start3A_23 = tpu.memref_slice %arg9[%dma_start3A_21, %dma_start3A_22] : memref<96x128xf32, #tpu.memory_space<vmem>> -> memref<32x128xf32, #tpu.memory_space<vmem>>
    %dma_start3A_24 = arith.constant 0 : i32
    %dma_start3A_25 = tpu.memref_slice %arg3[%add3A_15, %dma_start3A_24] : memref<16384x128xf32, #tpu.memory_space<hbm>> -> memref<32x128xf32, #tpu.memory_space<hbm>>
    tpu.enqueue_dma source(%dma_start3A_25 : memref<32x128xf32, #tpu.memory_space<hbm>>) target(%dma_start3A_23 : memref<32x128xf32, #tpu.memory_space<vmem>>) target_semaphore(%arg12 : memref<!tpu.dma_semaphore, #tpu.memory_space<semaphore_mem>>)
    %add3A_26 = arith.constant 32 : i32
    %add3A_27 = arith.addi %mul3A_2, %add3A_26 : i32
    %dma_start3A_28 = arith.constant 32 : i32
    %dma_start3A_29 = arith.constant 0 : i32
    %dma_start3A_30 = tpu.memref_slice %arg8[%dma_start3A_28, %dma_start3A_29] : memref<96x128xf32, #tpu.memory_space<vmem>> -> memref<32x128xf32, #tpu.memory_space<vmem>>
    %dma_start3A_31 = arith.constant 0 : i32
    %dma_start3A_32 = tpu.memref_slice %arg2[%add3A_27, %dma_start3A_31] : memref<16384x128xf32, #tpu.memory_space<hbm>> -> memref<32x128xf32, #tpu.memory_space<hbm>>
    %dma_start3A_33 = arith.constant 32 : i32
    %dma_start3A_34 = arith.constant 0 : i32
    %dma_start3A_35 = tpu.memref_slice %arg8[%dma_start3A_33, %dma_start3A_34] : memref<96x128xf32, #tpu.memory_space<vmem>> -> memref<32x128xf32, #tpu.memory_space<vmem>>
    %dma_start3A_36 = arith.constant 0 : i32
    %dma_start3A_37 = tpu.memref_slice %arg2[%add3A_27, %dma_start3A_36] : memref<16384x128xf32, #tpu.memory_space<hbm>> -> memref<32x128xf32, #tpu.memory_space<hbm>>
    tpu.enqueue_dma source(%dma_start3A_37 : memref<32x128xf32, #tpu.memory_space<hbm>>) target(%dma_start3A_35 : memref<32x128xf32, #tpu.memory_space<vmem>>) target_semaphore(%arg11 : memref<!tpu.dma_semaphore, #tpu.memory_space<semaphore_mem>>)
    %add3A_38 = arith.constant 32 : i32
    %add3A_39 = arith.addi %mul3A_2, %add3A_38 : i32
    %dma_start3A_40 = arith.constant 32 : i32
    %dma_start3A_41 = arith.constant 0 : i32
    %dma_start3A_42 = tpu.memref_slice %arg9[%dma_start3A_40, %dma_start3A_41] : memref<96x128xf32, #tpu.memory_space<vmem>> -> memref<32x128xf32, #tpu.memory_space<vmem>>
    %dma_start3A_43 = arith.constant 0 : i32
    %dma_start3A_44 = tpu.memref_slice %arg3[%add3A_39, %dma_start3A_43] : memref<16384x128xf32, #tpu.memory_space<hbm>> -> memref<32x128xf32, #tpu.memory_space<hbm>>
    %dma_start3A_45 = arith.constant 32 : i32
    %dma_start3A_46 = arith.constant 0 : i32
    %dma_start3A_47 = tpu.memref_slice %arg9[%dma_start3A_45, %dma_start3A_46] : memref<96x128xf32, #tpu.memory_space<vmem>> -> memref<32x128xf32, #tpu.memory_space<vmem>>
    %dma_start3A_48 = arith.constant 0 : i32
    %dma_start3A_49 = tpu.memref_slice %arg3[%add3A_39, %dma_start3A_48] : memref<16384x128xf32, #tpu.memory_space<hbm>> -> memref<32x128xf32, #tpu.memory_space<hbm>>
    tpu.enqueue_dma source(%dma_start3A_49 : memref<32x128xf32, #tpu.memory_space<hbm>>) target(%dma_start3A_47 : memref<32x128xf32, #tpu.memory_space<vmem>>) target_semaphore(%arg12 : memref<!tpu.dma_semaphore, #tpu.memory_space<semaphore_mem>>)
    "tpu.region"() ({
      %run_scoped3A = tpu.sem_alloc : memref<!tpu.dma_semaphore, #tpu.memory_space<semaphore_mem>>
      %dma_start3A_226 = tpu.memref_slice %arg4[%mul3A_2] : memref<16384xi32, #tpu.memory_space<hbm>> -> memref<512xi32, #tpu.memory_space<hbm>>
      %dma_start3A_227 = tpu.memref_slice %arg4[%mul3A_2] : memref<16384xi32, #tpu.memory_space<hbm>> -> memref<512xi32, #tpu.memory_space<hbm>>
      tpu.enqueue_dma source(%dma_start3A_227 : memref<512xi32, #tpu.memory_space<hbm>>) target(%arg7 : memref<512xi32, #tpu.memory_space<vmem>>) target_semaphore(%run_scoped3A : memref<!tpu.dma_semaphore, #tpu.memory_space<semaphore_mem>>)
      %dma_wait3A_228 = tpu.memref_slice %arg4[%mul3A_2] : memref<16384xi32, #tpu.memory_space<hbm>> -> memref<512xi32, #tpu.memory_space<hbm>>
      %dma_wait3A_229 = tpu.memref_slice %arg4[%mul3A_2] : memref<16384xi32, #tpu.memory_space<hbm>> -> memref<512xi32, #tpu.memory_space<hbm>>
      tpu.wait_dma2 semaphore(%run_scoped3A : memref<!tpu.dma_semaphore, #tpu.memory_space<semaphore_mem>>) src(%dma_wait3A_229 : memref<512xi32, #tpu.memory_space<hbm>>) dst(%arg7 : memref<512xi32, #tpu.memory_space<vmem>>)
      tpu.yield
    }) : () -> ()
    %add3A_50 = arith.constant 0 : i32
    %add3A_51 = arith.addi %mul3A_2, %add3A_50 : i32
    %dma_wait3A = arith.constant 0 : i32
    %dma_wait3A_52 = arith.constant 0 : i32
    %dma_wait3A_53 = tpu.memref_slice %arg8[%dma_wait3A, %dma_wait3A_52] : memref<96x128xf32, #tpu.memory_space<vmem>> -> memref<32x128xf32, #tpu.memory_space<vmem>>
    %dma_wait3A_54 = arith.constant 0 : i32
    %dma_wait3A_55 = tpu.memref_slice %arg2[%add3A_51, %dma_wait3A_54] : memref<16384x128xf32, #tpu.memory_space<hbm>> -> memref<32x128xf32, #tpu.memory_space<hbm>>
    %dma_wait3A_56 = arith.constant 0 : i32
    %dma_wait3A_57 = arith.constant 0 : i32
    %dma_wait3A_58 = tpu.memref_slice %arg8[%dma_wait3A_56, %dma_wait3A_57] : memref<96x128xf32, #tpu.memory_space<vmem>> -> memref<32x128xf32, #tpu.memory_space<vmem>>
    %dma_wait3A_59 = arith.constant 0 : i32
    %dma_wait3A_60 = tpu.memref_slice %arg2[%add3A_51, %dma_wait3A_59] : memref<16384x128xf32, #tpu.memory_space<hbm>> -> memref<32x128xf32, #tpu.memory_space<hbm>>
    tpu.wait_dma2 semaphore(%arg11 : memref<!tpu.dma_semaphore, #tpu.memory_space<semaphore_mem>>) src(%dma_wait3A_60 : memref<32x128xf32, #tpu.memory_space<hbm>>) dst(%dma_wait3A_58 : memref<32x128xf32, #tpu.memory_space<vmem>>)
    %dma_start3A_61 = arith.constant 0 : i32
    %dma_start3A_62 = arith.constant 0 : i32
    %dma_start3A_63 = tpu.memref_slice %arg8[%dma_start3A_61, %dma_start3A_62] : memref<96x128xf32, #tpu.memory_space<vmem>> -> memref<32x128xf32, #tpu.memory_space<vmem>>
    %dma_start3A_64 = arith.constant 0 : i32
    %dma_start3A_65 = tpu.memref_slice %arg7[%dma_start3A_64] : memref<512xi32, #tpu.memory_space<vmem>> -> memref<32xi32, #tpu.memory_space<vmem>>
    %dma_start3A_66 = arith.constant 0 : i32
    %dma_start3A_67 = arith.constant 0 : i32
    %dma_start3A_68 = tpu.memref_slice %arg5[%dma_start3A_66, %dma_start3A_67] : memref<1000x128xf32, #tpu.memory_space<hbm>> -> memref<1000x128xf32, #tpu.memory_space<hbm>>
    tpu.enqueue_indirect_dma source(%dma_start3A_68 : memref<1000x128xf32, #tpu.memory_space<hbm>>) target(%dma_start3A_63 : memref<32x128xf32, #tpu.memory_space<vmem>>) offsets(%dma_start3A_65 : memref<32xi32, #tpu.memory_space<vmem>>) semaphore(%arg13 : memref<!tpu.dma_semaphore, #tpu.memory_space<semaphore_mem>>) {add = true}
    %add3A_69 = arith.constant 64 : i32
    %add3A_70 = arith.addi %mul3A_2, %add3A_69 : i32
    %dma_start3A_71 = arith.constant 64 : i32
    %dma_start3A_72 = arith.constant 0 : i32
    %dma_start3A_73 = tpu.memref_slice %arg8[%dma_start3A_71, %dma_start3A_72] : memref<96x128xf32, #tpu.memory_space<vmem>> -> memref<32x128xf32, #tpu.memory_space<vmem>>
    %dma_start3A_74 = arith.constant 0 : i32
    %dma_start3A_75 = tpu.memref_slice %arg2[%add3A_70, %dma_start3A_74] : memref<16384x128xf32, #tpu.memory_space<hbm>> -> memref<32x128xf32, #tpu.memory_space<hbm>>
    %dma_start3A_76 = arith.constant 64 : i32
    %dma_start3A_77 = arith.constant 0 : i32
    %dma_start3A_78 = tpu.memref_slice %arg8[%dma_start3A_76, %dma_start3A_77] : memref<96x128xf32, #tpu.memory_space<vmem>> -> memref<32x128xf32, #tpu.memory_space<vmem>>
    %dma_start3A_79 = arith.constant 0 : i32
    %dma_start3A_80 = tpu.memref_slice %arg2[%add3A_70, %dma_start3A_79] : memref<16384x128xf32, #tpu.memory_space<hbm>> -> memref<32x128xf32, #tpu.memory_space<hbm>>
    tpu.enqueue_dma source(%dma_start3A_80 : memref<32x128xf32, #tpu.memory_space<hbm>>) target(%dma_start3A_78 : memref<32x128xf32, #tpu.memory_space<vmem>>) target_semaphore(%arg11 : memref<!tpu.dma_semaphore, #tpu.memory_space<semaphore_mem>>)
    %add3A_81 = arith.constant 64 : i32
    %add3A_82 = arith.addi %mul3A_2, %add3A_81 : i32
    %dma_start3A_83 = arith.constant 64 : i32
    %dma_start3A_84 = arith.constant 0 : i32
    %dma_start3A_85 = tpu.memref_slice %arg9[%dma_start3A_83, %dma_start3A_84] : memref<96x128xf32, #tpu.memory_space<vmem>> -> memref<32x128xf32, #tpu.memory_space<vmem>>
    %dma_start3A_86 = arith.constant 0 : i32
    %dma_start3A_87 = tpu.memref_slice %arg3[%add3A_82, %dma_start3A_86] : memref<16384x128xf32, #tpu.memory_space<hbm>> -> memref<32x128xf32, #tpu.memory_space<hbm>>
    %dma_start3A_88 = arith.constant 64 : i32
    %dma_start3A_89 = arith.constant 0 : i32
    %dma_start3A_90 = tpu.memref_slice %arg9[%dma_start3A_88, %dma_start3A_89] : memref<96x128xf32, #tpu.memory_space<vmem>> -> memref<32x128xf32, #tpu.memory_space<vmem>>
    %dma_start3A_91 = arith.constant 0 : i32
    %dma_start3A_92 = tpu.memref_slice %arg3[%add3A_82, %dma_start3A_91] : memref<16384x128xf32, #tpu.memory_space<hbm>> -> memref<32x128xf32, #tpu.memory_space<hbm>>
    tpu.enqueue_dma source(%dma_start3A_92 : memref<32x128xf32, #tpu.memory_space<hbm>>) target(%dma_start3A_90 : memref<32x128xf32, #tpu.memory_space<vmem>>) target_semaphore(%arg12 : memref<!tpu.dma_semaphore, #tpu.memory_space<semaphore_mem>>)
    %scan3A = arith.constant 0 : i32
    %scan3A_93 = arith.constant 0 : i32
    %scan3A_94 = arith.constant 16 : i32
    %scan3A_95 = arith.addi %scan3A_93, %scan3A_94 : i32
    %scan3A_96 = arith.constant 1 : i32
    scf.for %scan3A_226 = %scan3A_93 to %scan3A_95 step %scan3A_96  : i32 {
      %rem3A = arith.constant 3 : i32
      %rem3A_227 = arith.remsi %scan3A_226, %rem3A : i32
      %add3A_228 = arith.constant 1 : i32
      %add3A_229 = arith.addi %scan3A_226, %add3A_228 : i32
      %rem3A_230 = arith.constant 3 : i32
      %rem3A_231 = arith.remsi %add3A_229, %rem3A_230 : i32
      %add3A_232 = arith.constant 1 : i32
      %add3A_233 = arith.addi %scan3A_226, %add3A_232 : i32
      %lt3A = arith.constant 16 : i32
      %lt3A_234 = arith.cmpi slt, %add3A_233, %lt3A : i32
      %convert_element_type3A = arith.extui %lt3A_234 : i1 to i32
      %cond3A = arith.constant 0 : i32
      %cond3A_235 = arith.cmpi ne, %convert_element_type3A, %cond3A : i32
      scf.if %cond3A_235 {
        %add3A_281 = arith.constant 1 : i32
        %add3A_282 = arith.addi %scan3A_226, %add3A_281 : i32
        %mul3A_283 = arith.constant 32 : i32
        %mul3A_284 = arith.muli %add3A_282, %mul3A_283 : i32
        %add3A_285 = arith.addi %mul3A_2, %mul3A_284 : i32
        %mul3A_286 = arith.constant 32 : i32
        %mul3A_287 = arith.muli %rem3A_231, %mul3A_286 : i32
        %dma_wait3A_288 = arith.constant 0 : i32
        %dma_wait3A_289 = tpu.memref_slice %arg8[%mul3A_287, %dma_wait3A_288] : memref<96x128xf32, #tpu.memory_space<vmem>> -> memref<32x128xf32, #tpu.memory_space<vmem>>
        %dma_wait3A_290 = arith.constant 0 : i32
        %dma_wait3A_291 = tpu.memref_slice %arg2[%add3A_285, %dma_wait3A_290] : memref<16384x128xf32, #tpu.memory_space<hbm>> -> memref<32x128xf32, #tpu.memory_space<hbm>>
        %dma_wait3A_292 = arith.constant 0 : i32
        %dma_wait3A_293 = tpu.memref_slice %arg8[%mul3A_287, %dma_wait3A_292] : memref<96x128xf32, #tpu.memory_space<vmem>> -> memref<32x128xf32, #tpu.memory_space<vmem>>
        %dma_wait3A_294 = arith.constant 0 : i32
        %dma_wait3A_295 = tpu.memref_slice %arg2[%add3A_285, %dma_wait3A_294] : memref<16384x128xf32, #tpu.memory_space<hbm>> -> memref<32x128xf32, #tpu.memory_space<hbm>>
        tpu.wait_dma2 semaphore(%arg11 : memref<!tpu.dma_semaphore, #tpu.memory_space<semaphore_mem>>) src(%dma_wait3A_295 : memref<32x128xf32, #tpu.memory_space<hbm>>) dst(%dma_wait3A_293 : memref<32x128xf32, #tpu.memory_space<vmem>>)
        %add3A_296 = arith.constant 1 : i32
        %add3A_297 = arith.addi %scan3A_226, %add3A_296 : i32
        %mul3A_298 = arith.constant 32 : i32
        %mul3A_299 = arith.muli %add3A_297, %mul3A_298 : i32
        %mul3A_300 = arith.constant 32 : i32
        %mul3A_301 = arith.muli %rem3A_231, %mul3A_300 : i32
        %dma_start3A_302 = arith.constant 0 : i32
        %dma_start3A_303 = tpu.memref_slice %arg8[%mul3A_301, %dma_start3A_302] : memref<96x128xf32, #tpu.memory_space<vmem>> -> memref<32x128xf32, #tpu.memory_space<vmem>>
        %dma_start3A_304 = tpu.memref_slice %arg7[%mul3A_299] : memref<512xi32, #tpu.memory_space<vmem>> -> memref<32xi32, #tpu.memory_space<vmem>>
        %dma_start3A_305 = arith.constant 0 : i32
        %dma_start3A_306 = arith.constant 0 : i32
        %dma_start3A_307 = tpu.memref_slice %arg5[%dma_start3A_305, %dma_start3A_306] : memref<1000x128xf32, #tpu.memory_space<hbm>> -> memref<1000x128xf32, #tpu.memory_space<hbm>>
        tpu.enqueue_indirect_dma source(%dma_start3A_307 : memref<1000x128xf32, #tpu.memory_space<hbm>>) target(%dma_start3A_303 : memref<32x128xf32, #tpu.memory_space<vmem>>) offsets(%dma_start3A_304 : memref<32xi32, #tpu.memory_space<vmem>>) semaphore(%arg13 : memref<!tpu.dma_semaphore, #tpu.memory_space<semaphore_mem>>) {add = true}
      } else {
      }
      %mul3A_236 = arith.constant 32 : i32
      %mul3A_237 = arith.muli %scan3A_226, %mul3A_236 : i32
      %mul3A_238 = arith.constant 32 : i32
      %mul3A_239 = arith.muli %rem3A_227, %mul3A_238 : i32
      %dma_wait3A_240 = arith.constant 0 : i32
      %dma_wait3A_241 = tpu.memref_slice %arg8[%mul3A_239, %dma_wait3A_240] : memref<96x128xf32, #tpu.memory_space<vmem>> -> memref<32x128xf32, #tpu.memory_space<vmem>>
      %dma_wait3A_242 = tpu.memref_slice %arg7[%mul3A_237] : memref<512xi32, #tpu.memory_space<vmem>> -> memref<32xi32, #tpu.memory_space<vmem>>
      %dma_wait3A_243 = arith.constant 0 : i32
      %dma_wait3A_244 = arith.constant 0 : i32
      %dma_wait3A_245 = tpu.memref_slice %arg5[%dma_wait3A_243, %dma_wait3A_244] : memref<1000x128xf32, #tpu.memory_space<hbm>> -> memref<1000x128xf32, #tpu.memory_space<hbm>>
      tpu.wait_indirect_dma semaphore(%arg13 : memref<!tpu.dma_semaphore, #tpu.memory_space<semaphore_mem>>) src(%dma_wait3A_245 : memref<1000x128xf32, #tpu.memory_space<hbm>>) dst(%dma_wait3A_241 : memref<32x128xf32, #tpu.memory_space<vmem>>)
      %mul3A_246 = arith.constant 32 : i32
      %mul3A_247 = arith.muli %scan3A_226, %mul3A_246 : i32
      %add3A_248 = arith.addi %mul3A_2, %mul3A_247 : i32
      %mul3A_249 = arith.constant 32 : i32
      %mul3A_250 = arith.muli %rem3A_227, %mul3A_249 : i32
      %dma_wait3A_251 = arith.constant 0 : i32
      %dma_wait3A_252 = tpu.memref_slice %arg9[%mul3A_250, %dma_wait3A_251] : memref<96x128xf32, #tpu.memory_space<vmem>> -> memref<32x128xf32, #tpu.memory_space<vmem>>
      %dma_wait3A_253 = arith.constant 0 : i32
      %dma_wait3A_254 = tpu.memref_slice %arg3[%add3A_248, %dma_wait3A_253] : memref<16384x128xf32, #tpu.memory_space<hbm>> -> memref<32x128xf32, #tpu.memory_space<hbm>>
      %dma_wait3A_255 = arith.constant 0 : i32
      %dma_wait3A_256 = tpu.memref_slice %arg9[%mul3A_250, %dma_wait3A_255] : memref<96x128xf32, #tpu.memory_space<vmem>> -> memref<32x128xf32, #tpu.memory_space<vmem>>
      %dma_wait3A_257 = arith.constant 0 : i32
      %dma_wait3A_258 = tpu.memref_slice %arg3[%add3A_248, %dma_wait3A_257] : memref<16384x128xf32, #tpu.memory_space<hbm>> -> memref<32x128xf32, #tpu.memory_space<hbm>>
      tpu.wait_dma2 semaphore(%arg12 : memref<!tpu.dma_semaphore, #tpu.memory_space<semaphore_mem>>) src(%dma_wait3A_258 : memref<32x128xf32, #tpu.memory_space<hbm>>) dst(%dma_wait3A_256 : memref<32x128xf32, #tpu.memory_space<vmem>>)
      %mul3A_259 = arith.constant 32 : i32
      %mul3A_260 = arith.muli %rem3A_227, %mul3A_259 : i32
      %mul3A_261 = arith.constant 32 : i32
      %mul3A_262 = arith.muli %scan3A_226, %mul3A_261 : i32
      %parallel_loop3A = arith.constant 0 : i32
      %parallel_loop3A_263 = arith.constant 2 : i32
      %parallel_loop3A_264 = arith.constant 1 : i32
      scf.for %parallel_loop3A_281 = %parallel_loop3A to %parallel_loop3A_263 step %parallel_loop3A_264  : i32 {
        %parallel_loop3A_282 = arith.constant 0.000000e+00 : f32
        %parallel_loop3A_283 = vector.broadcast %parallel_loop3A_282 : f32 to vector<16xf32>
        %parallel_loop3A_284 = arith.constant 0.000000e+00 : f32
        %parallel_loop3A_285 = vector.broadcast %parallel_loop3A_284 : f32 to vector<16xf32>
        %parallel_loop3A_286 = arith.constant 0.000000e+00 : f32
        %parallel_loop3A_287 = vector.broadcast %parallel_loop3A_286 : f32 to vector<16xf32>
        %parallel_loop3A_288 = arith.constant 0.000000e+00 : f32
        %parallel_loop3A_289 = vector.broadcast %parallel_loop3A_288 : f32 to vector<16xf32>
        %parallel_loop3A_290 = arith.constant 16 : i32
        %parallel_loop3A_291 = arith.muli %parallel_loop3A_281, %parallel_loop3A_290 : i32
        %parallel_loop3A_292 = arith.addi %mul3A_260, %parallel_loop3A_291 : i32
        %parallel_loop3A_293 = arith.constant 0 : i32
        %parallel_loop3A_294 = arith.addi %parallel_loop3A_292, %parallel_loop3A_293 : i32
        %parallel_loop3A_295 = arith.constant 0.000000e+00 : f32
        %parallel_loop3A_296 = vector.broadcast %parallel_loop3A_295 : f32 to vector<16xf32>
        %parallel_loop3A_297 = arith.constant 0.000000e+00 : f32
        %parallel_loop3A_298 = vector.broadcast %parallel_loop3A_297 : f32 to vector<16xf32>
        %parallel_loop3A_299 = arith.index_cast %parallel_loop3A_294 : i32 to index
        %parallel_loop3A_300 = arith.constant 0 : index
        %parallel_loop3A_301 = tpu.vector_load %arg8[%parallel_loop3A_299, %parallel_loop3A_300] {strides = array<i32>} : memref<96x128xf32, #tpu.memory_space<vmem>>, vector<16xf32>,
        %parallel_loop3A_302 = arith.index_cast %parallel_loop3A_294 : i32 to index
        %parallel_loop3A_303 = arith.constant 0 : index
        %parallel_loop3A_304 = tpu.vector_load %arg9[%parallel_loop3A_302, %parallel_loop3A_303] {strides = array<i32>} : memref<96x128xf32, #tpu.memory_space<vmem>>, vector<16xf32>,
        %parallel_loop3A_305 = arith.subf %parallel_loop3A_301, %parallel_loop3A_304 : vector<16xf32>
        %parallel_loop3A_306 = arith.constant 9.99999997E-7 : f32
        %parallel_loop3A_307 = vector.broadcast %parallel_loop3A_306 : f32 to vector<16xf32>
        %parallel_loop3A_308 = arith.addf %parallel_loop3A_305, %parallel_loop3A_307 : vector<16xf32>
        %parallel_loop3A_309 = arith.mulf %parallel_loop3A_308, %parallel_loop3A_308 : vector<16xf32>
        %parallel_loop3A_310 = arith.addf %parallel_loop3A_296, %parallel_loop3A_309 : vector<16xf32>
        %parallel_loop3A_311 = arith.index_cast %parallel_loop3A_294 : i32 to index
        %parallel_loop3A_312 = arith.constant 16 : index
        %parallel_loop3A_313 = tpu.vector_load %arg8[%parallel_loop3A_311, %parallel_loop3A_312] {strides = array<i32>} : memref<96x128xf32, #tpu.memory_space<vmem>>, vector<16xf32>,
        %parallel_loop3A_314 = arith.index_cast %parallel_loop3A_294 : i32 to index
        %parallel_loop3A_315 = arith.constant 16 : index
        %parallel_loop3A_316 = tpu.vector_load %arg9[%parallel_loop3A_314, %parallel_loop3A_315] {strides = array<i32>} : memref<96x128xf32, #tpu.memory_space<vmem>>, vector<16xf32>,
        %parallel_loop3A_317 = arith.subf %parallel_loop3A_313, %parallel_loop3A_316 : vector<16xf32>
        %parallel_loop3A_318 = arith.constant 9.99999997E-7 : f32
        %parallel_loop3A_319 = vector.broadcast %parallel_loop3A_318 : f32 to vector<16xf32>
        %parallel_loop3A_320 = arith.addf %parallel_loop3A_317, %parallel_loop3A_319 : vector<16xf32>
        %parallel_loop3A_321 = arith.mulf %parallel_loop3A_320, %parallel_loop3A_320 : vector<16xf32>
        %parallel_loop3A_322 = arith.addf %parallel_loop3A_298, %parallel_loop3A_321 : vector<16xf32>
        %parallel_loop3A_323 = arith.index_cast %parallel_loop3A_294 : i32 to index
        %parallel_loop3A_324 = arith.constant 32 : index
        %parallel_loop3A_325 = tpu.vector_load %arg8[%parallel_loop3A_323, %parallel_loop3A_324] {strides = array<i32>} : memref<96x128xf32, #tpu.memory_space<vmem>>, vector<16xf32>,
        %parallel_loop3A_326 = arith.index_cast %parallel_loop3A_294 : i32 to index
        %parallel_loop3A_327 = arith.constant 32 : index
        %parallel_loop3A_328 = tpu.vector_load %arg9[%parallel_loop3A_326, %parallel_loop3A_327] {strides = array<i32>} : memref<96x128xf32, #tpu.memory_space<vmem>>, vector<16xf32>,
        %parallel_loop3A_329 = arith.subf %parallel_loop3A_325, %parallel_loop3A_328 : vector<16xf32>
        %parallel_loop3A_330 = arith.constant 9.99999997E-7 : f32
        %parallel_loop3A_331 = vector.broadcast %parallel_loop3A_330 : f32 to vector<16xf32>
        %parallel_loop3A_332 = arith.addf %parallel_loop3A_329, %parallel_loop3A_331 : vector<16xf32>
        %parallel_loop3A_333 = arith.mulf %parallel_loop3A_332, %parallel_loop3A_332 : vector<16xf32>
        %parallel_loop3A_334 = arith.addf %parallel_loop3A_310, %parallel_loop3A_333 : vector<16xf32>
        %parallel_loop3A_335 = arith.index_cast %parallel_loop3A_294 : i32 to index
        %parallel_loop3A_336 = arith.constant 48 : index
        %parallel_loop3A_337 = tpu.vector_load %arg8[%parallel_loop3A_335, %parallel_loop3A_336] {strides = array<i32>} : memref<96x128xf32, #tpu.memory_space<vmem>>, vector<16xf32>,
        %parallel_loop3A_338 = arith.index_cast %parallel_loop3A_294 : i32 to index
        %parallel_loop3A_339 = arith.constant 48 : index
        %parallel_loop3A_340 = tpu.vector_load %arg9[%parallel_loop3A_338, %parallel_loop3A_339] {strides = array<i32>} : memref<96x128xf32, #tpu.memory_space<vmem>>, vector<16xf32>,
        %parallel_loop3A_341 = arith.subf %parallel_loop3A_337, %parallel_loop3A_340 : vector<16xf32>
        %parallel_loop3A_342 = arith.constant 9.99999997E-7 : f32
        %parallel_loop3A_343 = vector.broadcast %parallel_loop3A_342 : f32 to vector<16xf32>
        %parallel_loop3A_344 = arith.addf %parallel_loop3A_341, %parallel_loop3A_343 : vector<16xf32>
        %parallel_loop3A_345 = arith.mulf %parallel_loop3A_344, %parallel_loop3A_344 : vector<16xf32>
        %parallel_loop3A_346 = arith.addf %parallel_loop3A_322, %parallel_loop3A_345 : vector<16xf32>
        %parallel_loop3A_347 = arith.index_cast %parallel_loop3A_294 : i32 to index
        %parallel_loop3A_348 = arith.constant 64 : index
        %parallel_loop3A_349 = tpu.vector_load %arg8[%parallel_loop3A_347, %parallel_loop3A_348] {strides = array<i32>} : memref<96x128xf32, #tpu.memory_space<vmem>>, vector<16xf32>,
        %parallel_loop3A_350 = arith.index_cast %parallel_loop3A_294 : i32 to index
        %parallel_loop3A_351 = arith.constant 64 : index
        %parallel_loop3A_352 = tpu.vector_load %arg9[%parallel_loop3A_350, %parallel_loop3A_351] {strides = array<i32>} : memref<96x128xf32, #tpu.memory_space<vmem>>, vector<16xf32>,
        %parallel_loop3A_353 = arith.subf %parallel_loop3A_349, %parallel_loop3A_352 : vector<16xf32>
        %parallel_loop3A_354 = arith.constant 9.99999997E-7 : f32
        %parallel_loop3A_355 = vector.broadcast %parallel_loop3A_354 : f32 to vector<16xf32>
        %parallel_loop3A_356 = arith.addf %parallel_loop3A_353, %parallel_loop3A_355 : vector<16xf32>
        %parallel_loop3A_357 = arith.mulf %parallel_loop3A_356, %parallel_loop3A_356 : vector<16xf32>
        %parallel_loop3A_358 = arith.addf %parallel_loop3A_334, %parallel_loop3A_357 : vector<16xf32>
        %parallel_loop3A_359 = arith.index_cast %parallel_loop3A_294 : i32 to index
        %parallel_loop3A_360 = arith.constant 80 : index
        %parallel_loop3A_361 = tpu.vector_load %arg8[%parallel_loop3A_359, %parallel_loop3A_360] {strides = array<i32>} : memref<96x128xf32, #tpu.memory_space<vmem>>, vector<16xf32>,
        %parallel_loop3A_362 = arith.index_cast %parallel_loop3A_294 : i32 to index
        %parallel_loop3A_363 = arith.constant 80 : index
        %parallel_loop3A_364 = tpu.vector_load %arg9[%parallel_loop3A_362, %parallel_loop3A_363] {strides = array<i32>} : memref<96x128xf32, #tpu.memory_space<vmem>>, vector<16xf32>,
        %parallel_loop3A_365 = arith.subf %parallel_loop3A_361, %parallel_loop3A_364 : vector<16xf32>
        %parallel_loop3A_366 = arith.constant 9.99999997E-7 : f32
        %parallel_loop3A_367 = vector.broadcast %parallel_loop3A_366 : f32 to vector<16xf32>
        %parallel_loop3A_368 = arith.addf %parallel_loop3A_365, %parallel_loop3A_367 : vector<16xf32>
        %parallel_loop3A_369 = arith.mulf %parallel_loop3A_368, %parallel_loop3A_368 : vector<16xf32>
        %parallel_loop3A_370 = arith.addf %parallel_loop3A_346, %parallel_loop3A_369 : vector<16xf32>
        %parallel_loop3A_371 = arith.index_cast %parallel_loop3A_294 : i32 to index
        %parallel_loop3A_372 = arith.constant 96 : index
        %parallel_loop3A_373 = tpu.vector_load %arg8[%parallel_loop3A_371, %parallel_loop3A_372] {strides = array<i32>} : memref<96x128xf32, #tpu.memory_space<vmem>>, vector<16xf32>,
        %parallel_loop3A_374 = arith.index_cast %parallel_loop3A_294 : i32 to index
        %parallel_loop3A_375 = arith.constant 96 : index
        %parallel_loop3A_376 = tpu.vector_load %arg9[%parallel_loop3A_374, %parallel_loop3A_375] {strides = array<i32>} : memref<96x128xf32, #tpu.memory_space<vmem>>, vector<16xf32>,
        %parallel_loop3A_377 = arith.subf %parallel_loop3A_373, %parallel_loop3A_376 : vector<16xf32>
        %parallel_loop3A_378 = arith.constant 9.99999997E-7 : f32
        %parallel_loop3A_379 = vector.broadcast %parallel_loop3A_378 : f32 to vector<16xf32>
        %parallel_loop3A_380 = arith.addf %parallel_loop3A_377, %parallel_loop3A_379 : vector<16xf32>
        %parallel_loop3A_381 = arith.mulf %parallel_loop3A_380, %parallel_loop3A_380 : vector<16xf32>
        %parallel_loop3A_382 = arith.addf %parallel_loop3A_358, %parallel_loop3A_381 : vector<16xf32>
        %parallel_loop3A_383 = arith.index_cast %parallel_loop3A_294 : i32 to index
        %parallel_loop3A_384 = arith.constant 112 : index
        %parallel_loop3A_385 = tpu.vector_load %arg8[%parallel_loop3A_383, %parallel_loop3A_384] {strides = array<i32>} : memref<96x128xf32, #tpu.memory_space<vmem>>, vector<16xf32>,
        %parallel_loop3A_386 = arith.index_cast %parallel_loop3A_294 : i32 to index
        %parallel_loop3A_387 = arith.constant 112 : index
        %parallel_loop3A_388 = tpu.vector_load %arg9[%parallel_loop3A_386, %parallel_loop3A_387] {strides = array<i32>} : memref<96x128xf32, #tpu.memory_space<vmem>>, vector<16xf32>,
        %parallel_loop3A_389 = arith.subf %parallel_loop3A_385, %parallel_loop3A_388 : vector<16xf32>
        %parallel_loop3A_390 = arith.constant 9.99999997E-7 : f32
        %parallel_loop3A_391 = vector.broadcast %parallel_loop3A_390 : f32 to vector<16xf32>
        %parallel_loop3A_392 = arith.addf %parallel_loop3A_389, %parallel_loop3A_391 : vector<16xf32>
        %parallel_loop3A_393 = arith.mulf %parallel_loop3A_392, %parallel_loop3A_392 : vector<16xf32>
        %parallel_loop3A_394 = arith.addf %parallel_loop3A_370, %parallel_loop3A_393 : vector<16xf32>
        %parallel_loop3A_395 = arith.constant 0 : i32
        %parallel_loop3A_396 = vector.broadcast %parallel_loop3A_395 : i32 to vector<16xi32>
        %parallel_loop3A_397 = arith.cmpi eq, %iota3A, %parallel_loop3A_396 : vector<16xi32>
        %parallel_loop3A_398 = arith.addf %parallel_loop3A_382, %parallel_loop3A_394 : vector<16xf32>
        %parallel_loop3A_399 = arith.constant true
        %parallel_loop3A_400 = vector.broadcast %parallel_loop3A_399 : i1 to vector<16xi1>
        %parallel_loop3A_401 = tpu.scan <sum>, %parallel_loop3A_398 masked %parallel_loop3A_400 : vector<16xf32>, vector<16xi1> -> vector<16xf32>
        %parallel_loop3A_402 = vector.extract %parallel_loop3A_401[15] : f32 from vector<16xf32>
        %parallel_loop3A_403 = vector.broadcast %parallel_loop3A_402 : f32 to vector<16xf32>
        %parallel_loop3A_404 = arith.select %parallel_loop3A_397, %parallel_loop3A_403, %parallel_loop3A_283 : vector<16xi1>, vector<16xf32>
        %parallel_loop3A_405 = arith.constant 16 : i32
        %parallel_loop3A_406 = arith.muli %parallel_loop3A_281, %parallel_loop3A_405 : i32
        %parallel_loop3A_407 = arith.addi %mul3A_260, %parallel_loop3A_406 : i32
        %parallel_loop3A_408 = arith.constant 1 : i32
        %parallel_loop3A_409 = arith.addi %parallel_loop3A_407, %parallel_loop3A_408 : i32
        %parallel_loop3A_410 = arith.constant 0.000000e+00 : f32
        %parallel_loop3A_411 = vector.broadcast %parallel_loop3A_410 : f32 to vector<16xf32>
        %parallel_loop3A_412 = arith.constant 0.000000e+00 : f32
        %parallel_loop3A_413 = vector.broadcast %parallel_loop3A_412 : f32 to vector<16xf32>
        %parallel_loop3A_414 = arith.index_cast %parallel_loop3A_409 : i32 to index
        %parallel_loop3A_415 = arith.constant 0 : index
        %parallel_loop3A_416 = tpu.vector_load %arg8[%parallel_loop3A_414, %parallel_loop3A_415] {strides = array<i32>} : memref<96x128xf32, #tpu.memory_space<vmem>>, vector<16xf32>,
        %parallel_loop3A_417 = arith.index_cast %parallel_loop3A_409 : i32 to index
        %parallel_loop3A_418 = arith.constant 0 : index
        %parallel_loop3A_419 = tpu.vector_load %arg9[%parallel_loop3A_417, %parallel_loop3A_418] {strides = array<i32>} : memref<96x128xf32, #tpu.memory_space<vmem>>, vector<16xf32>,
        %parallel_loop3A_420 = arith.subf %parallel_loop3A_416, %parallel_loop3A_419 : vector<16xf32>
        %parallel_loop3A_421 = arith.constant 9.99999997E-7 : f32
        %parallel_loop3A_422 = vector.broadcast %parallel_loop3A_421 : f32 to vector<16xf32>
        %parallel_loop3A_423 = arith.addf %parallel_loop3A_420, %parallel_loop3A_422 : vector<16xf32>
        %parallel_loop3A_424 = arith.mulf %parallel_loop3A_423, %parallel_loop3A_423 : vector<16xf32>
        %parallel_loop3A_425 = arith.addf %parallel_loop3A_411, %parallel_loop3A_424 : vector<16xf32>
        %parallel_loop3A_426 = arith.index_cast %parallel_loop3A_409 : i32 to index
        %parallel_loop3A_427 = arith.constant 16 : index
        %parallel_loop3A_428 = tpu.vector_load %arg8[%parallel_loop3A_426, %parallel_loop3A_427] {strides = array<i32>} : memref<96x128xf32, #tpu.memory_space<vmem>>, vector<16xf32>,
        %parallel_loop3A_429 = arith.index_cast %parallel_loop3A_409 : i32 to index
        %parallel_loop3A_430 = arith.constant 16 : index
        %parallel_loop3A_431 = tpu.vector_load %arg9[%parallel_loop3A_429, %parallel_loop3A_430] {strides = array<i32>} : memref<96x128xf32, #tpu.memory_space<vmem>>, vector<16xf32>,
        %parallel_loop3A_432 = arith.subf %parallel_loop3A_428, %parallel_loop3A_431 : vector<16xf32>
        %parallel_loop3A_433 = arith.constant 9.99999997E-7 : f32
        %parallel_loop3A_434 = vector.broadcast %parallel_loop3A_433 : f32 to vector<16xf32>
        %parallel_loop3A_435 = arith.addf %parallel_loop3A_432, %parallel_loop3A_434 : vector<16xf32>
        %parallel_loop3A_436 = arith.mulf %parallel_loop3A_435, %parallel_loop3A_435 : vector<16xf32>
        %parallel_loop3A_437 = arith.addf %parallel_loop3A_413, %parallel_loop3A_436 : vector<16xf32>
        %parallel_loop3A_438 = arith.index_cast %parallel_loop3A_409 : i32 to index
        %parallel_loop3A_439 = arith.constant 32 : index
        %parallel_loop3A_440 = tpu.vector_load %arg8[%parallel_loop3A_438, %parallel_loop3A_439] {strides = array<i32>} : memref<96x128xf32, #tpu.memory_space<vmem>>, vector<16xf32>,
        %parallel_loop3A_441 = arith.index_cast %parallel_loop3A_409 : i32 to index
        %parallel_loop3A_442 = arith.constant 32 : index
        %parallel_loop3A_443 = tpu.vector_load %arg9[%parallel_loop3A_441, %parallel_loop3A_442] {strides = array<i32>} : memref<96x128xf32, #tpu.memory_space<vmem>>, vector<16xf32>,
        %parallel_loop3A_444 = arith.subf %parallel_loop3A_440, %parallel_loop3A_443 : vector<16xf32>
        %parallel_loop3A_445 = arith.constant 9.99999997E-7 : f32
        %parallel_loop3A_446 = vector.broadcast %parallel_loop3A_445 : f32 to vector<16xf32>
        %parallel_loop3A_447 = arith.addf %parallel_loop3A_444, %parallel_loop3A_446 : vector<16xf32>
        %parallel_loop3A_448 = arith.mulf %parallel_loop3A_447, %parallel_loop3A_447 : vector<16xf32>
        %parallel_loop3A_449 = arith.addf %parallel_loop3A_425, %parallel_loop3A_448 : vector<16xf32>
        %parallel_loop3A_450 = arith.index_cast %parallel_loop3A_409 : i32 to index
        %parallel_loop3A_451 = arith.constant 48 : index
        %parallel_loop3A_452 = tpu.vector_load %arg8[%parallel_loop3A_450, %parallel_loop3A_451] {strides = array<i32>} : memref<96x128xf32, #tpu.memory_space<vmem>>, vector<16xf32>,
        %parallel_loop3A_453 = arith.index_cast %parallel_loop3A_409 : i32 to index
        %parallel_loop3A_454 = arith.constant 48 : index
        %parallel_loop3A_455 = tpu.vector_load %arg9[%parallel_loop3A_453, %parallel_loop3A_454] {strides = array<i32>} : memref<96x128xf32, #tpu.memory_space<vmem>>, vector<16xf32>,
        %parallel_loop3A_456 = arith.subf %parallel_loop3A_452, %parallel_loop3A_455 : vector<16xf32>
        %parallel_loop3A_457 = arith.constant 9.99999997E-7 : f32
        %parallel_loop3A_458 = vector.broadcast %parallel_loop3A_457 : f32 to vector<16xf32>
        %parallel_loop3A_459 = arith.addf %parallel_loop3A_456, %parallel_loop3A_458 : vector<16xf32>
        %parallel_loop3A_460 = arith.mulf %parallel_loop3A_459, %parallel_loop3A_459 : vector<16xf32>
        %parallel_loop3A_461 = arith.addf %parallel_loop3A_437, %parallel_loop3A_460 : vector<16xf32>
        %parallel_loop3A_462 = arith.index_cast %parallel_loop3A_409 : i32 to index
        %parallel_loop3A_463 = arith.constant 64 : index
        %parallel_loop3A_464 = tpu.vector_load %arg8[%parallel_loop3A_462, %parallel_loop3A_463] {strides = array<i32>} : memref<96x128xf32, #tpu.memory_space<vmem>>, vector<16xf32>,
        %parallel_loop3A_465 = arith.index_cast %parallel_loop3A_409 : i32 to index
        %parallel_loop3A_466 = arith.constant 64 : index
        %parallel_loop3A_467 = tpu.vector_load %arg9[%parallel_loop3A_465, %parallel_loop3A_466] {strides = array<i32>} : memref<96x128xf32, #tpu.memory_space<vmem>>, vector<16xf32>,
        %parallel_loop3A_468 = arith.subf %parallel_loop3A_464, %parallel_loop3A_467 : vector<16xf32>
        %parallel_loop3A_469 = arith.constant 9.99999997E-7 : f32
        %parallel_loop3A_470 = vector.broadcast %parallel_loop3A_469 : f32 to vector<16xf32>
        %parallel_loop3A_471 = arith.addf %parallel_loop3A_468, %parallel_loop3A_470 : vector<16xf32>
        %parallel_loop3A_472 = arith.mulf %parallel_loop3A_471, %parallel_loop3A_471 : vector<16xf32>
        %parallel_loop3A_473 = arith.addf %parallel_loop3A_449, %parallel_loop3A_472 : vector<16xf32>
        %parallel_loop3A_474 = arith.index_cast %parallel_loop3A_409 : i32 to index
        %parallel_loop3A_475 = arith.constant 80 : index
        %parallel_loop3A_476 = tpu.vector_load %arg8[%parallel_loop3A_474, %parallel_loop3A_475] {strides = array<i32>} : memref<96x128xf32, #tpu.memory_space<vmem>>, vector<16xf32>,
        %parallel_loop3A_477 = arith.index_cast %parallel_loop3A_409 : i32 to index
        %parallel_loop3A_478 = arith.constant 80 : index
        %parallel_loop3A_479 = tpu.vector_load %arg9[%parallel_loop3A_477, %parallel_loop3A_478] {strides = array<i32>} : memref<96x128xf32, #tpu.memory_space<vmem>>, vector<16xf32>,
        %parallel_loop3A_480 = arith.subf %parallel_loop3A_476, %parallel_loop3A_479 : vector<16xf32>
        %parallel_loop3A_481 = arith.constant 9.99999997E-7 : f32
        %parallel_loop3A_482 = vector.broadcast %parallel_loop3A_481 : f32 to vector<16xf32>
        %parallel_loop3A_483 = arith.addf %parallel_loop3A_480, %parallel_loop3A_482 : vector<16xf32>
        %parallel_loop3A_484 = arith.mulf %parallel_loop3A_483, %parallel_loop3A_483 : vector<16xf32>
        %parallel_loop3A_485 = arith.addf %parallel_loop3A_461, %parallel_loop3A_484 : vector<16xf32>
        %parallel_loop3A_486 = arith.index_cast %parallel_loop3A_409 : i32 to index
        %parallel_loop3A_487 = arith.constant 96 : index
        %parallel_loop3A_488 = tpu.vector_load %arg8[%parallel_loop3A_486, %parallel_loop3A_487] {strides = array<i32>} : memref<96x128xf32, #tpu.memory_space<vmem>>, vector<16xf32>,
        %parallel_loop3A_489 = arith.index_cast %parallel_loop3A_409 : i32 to index
        %parallel_loop3A_490 = arith.constant 96 : index
        %parallel_loop3A_491 = tpu.vector_load %arg9[%parallel_loop3A_489, %parallel_loop3A_490] {strides = array<i32>} : memref<96x128xf32, #tpu.memory_space<vmem>>, vector<16xf32>,
        %parallel_loop3A_492 = arith.subf %parallel_loop3A_488, %parallel_loop3A_491 : vector<16xf32>
        %parallel_loop3A_493 = arith.constant 9.99999997E-7 : f32
        %parallel_loop3A_494 = vector.broadcast %parallel_loop3A_493 : f32 to vector<16xf32>
        %parallel_loop3A_495 = arith.addf %parallel_loop3A_492, %parallel_loop3A_494 : vector<16xf32>
        %parallel_loop3A_496 = arith.mulf %parallel_loop3A_495, %parallel_loop3A_495 : vector<16xf32>
        %parallel_loop3A_497 = arith.addf %parallel_loop3A_473, %parallel_loop3A_496 : vector<16xf32>
        %parallel_loop3A_498 = arith.index_cast %parallel_loop3A_409 : i32 to index
        %parallel_loop3A_499 = arith.constant 112 : index
        %parallel_loop3A_500 = tpu.vector_load %arg8[%parallel_loop3A_498, %parallel_loop3A_499] {strides = array<i32>} : memref<96x128xf32, #tpu.memory_space<vmem>>, vector<16xf32>,
        %parallel_loop3A_501 = arith.index_cast %parallel_loop3A_409 : i32 to index
        %parallel_loop3A_502 = arith.constant 112 : index
        %parallel_loop3A_503 = tpu.vector_load %arg9[%parallel_loop3A_501, %parallel_loop3A_502] {strides = array<i32>} : memref<96x128xf32, #tpu.memory_space<vmem>>, vector<16xf32>,
        %parallel_loop3A_504 = arith.subf %parallel_loop3A_500, %parallel_loop3A_503 : vector<16xf32>
        %parallel_loop3A_505 = arith.constant 9.99999997E-7 : f32
        %parallel_loop3A_506 = vector.broadcast %parallel_loop3A_505 : f32 to vector<16xf32>
        %parallel_loop3A_507 = arith.addf %parallel_loop3A_504, %parallel_loop3A_506 : vector<16xf32>
        %parallel_loop3A_508 = arith.mulf %parallel_loop3A_507, %parallel_loop3A_507 : vector<16xf32>
        %parallel_loop3A_509 = arith.addf %parallel_loop3A_485, %parallel_loop3A_508 : vector<16xf32>
        %parallel_loop3A_510 = arith.constant 1 : i32
        %parallel_loop3A_511 = vector.broadcast %parallel_loop3A_510 : i32 to vector<16xi32>
        %parallel_loop3A_512 = arith.cmpi eq, %iota3A, %parallel_loop3A_511 : vector<16xi32>
        %parallel_loop3A_513 = arith.addf %parallel_loop3A_497, %parallel_loop3A_509 : vector<16xf32>
        %parallel_loop3A_514 = arith.constant true
        %parallel_loop3A_515 = vector.broadcast %parallel_loop3A_514 : i1 to vector<16xi1>
        %parallel_loop3A_516 = tpu.scan <sum>, %parallel_loop3A_513 masked %parallel_loop3A_515 : vector<16xf32>, vector<16xi1> -> vector<16xf32>
        %parallel_loop3A_517 = vector.extract %parallel_loop3A_516[15] : f32 from vector<16xf32>
        %parallel_loop3A_518 = vector.broadcast %parallel_loop3A_517 : f32 to vector<16xf32>
        %parallel_loop3A_519 = arith.select %parallel_loop3A_512, %parallel_loop3A_518, %parallel_loop3A_285 : vector<16xi1>, vector<16xf32>
        %parallel_loop3A_520 = arith.constant 16 : i32
        %parallel_loop3A_521 = arith.muli %parallel_loop3A_281, %parallel_loop3A_520 : i32
        %parallel_loop3A_522 = arith.addi %mul3A_260, %parallel_loop3A_521 : i32
        %parallel_loop3A_523 = arith.constant 2 : i32
        %parallel_loop3A_524 = arith.addi %parallel_loop3A_522, %parallel_loop3A_523 : i32
        %parallel_loop3A_525 = arith.constant 0.000000e+00 : f32
        %parallel_loop3A_526 = vector.broadcast %parallel_loop3A_525 : f32 to vector<16xf32>
        %parallel_loop3A_527 = arith.constant 0.000000e+00 : f32
        %parallel_loop3A_528 = vector.broadcast %parallel_loop3A_527 : f32 to vector<16xf32>
        %parallel_loop3A_529 = arith.index_cast %parallel_loop3A_524 : i32 to index
        %parallel_loop3A_530 = arith.constant 0 : index
        %parallel_loop3A_531 = tpu.vector_load %arg8[%parallel_loop3A_529, %parallel_loop3A_530] {strides = array<i32>} : memref<96x128xf32, #tpu.memory_space<vmem>>, vector<16xf32>,
        %parallel_loop3A_532 = arith.index_cast %parallel_loop3A_524 : i32 to index
        %parallel_loop3A_533 = arith.constant 0 : index
        %parallel_loop3A_534 = tpu.vector_load %arg9[%parallel_loop3A_532, %parallel_loop3A_533] {strides = array<i32>} : memref<96x128xf32, #tpu.memory_space<vmem>>, vector<16xf32>,
        %parallel_loop3A_535 = arith.subf %parallel_loop3A_531, %parallel_loop3A_534 : vector<16xf32>
        %parallel_loop3A_536 = arith.constant 9.99999997E-7 : f32
        %parallel_loop3A_537 = vector.broadcast %parallel_loop3A_536 : f32 to vector<16xf32>
        %parallel_loop3A_538 = arith.addf %parallel_loop3A_535, %parallel_loop3A_537 : vector<16xf32>
        %parallel_loop3A_539 = arith.mulf %parallel_loop3A_538, %parallel_loop3A_538 : vector<16xf32>
        %parallel_loop3A_540 = arith.addf %parallel_loop3A_526, %parallel_loop3A_539 : vector<16xf32>
        %parallel_loop3A_541 = arith.index_cast %parallel_loop3A_524 : i32 to index
        %parallel_loop3A_542 = arith.constant 16 : index
        %parallel_loop3A_543 = tpu.vector_load %arg8[%parallel_loop3A_541, %parallel_loop3A_542] {strides = array<i32>} : memref<96x128xf32, #tpu.memory_space<vmem>>, vector<16xf32>,
        %parallel_loop3A_544 = arith.index_cast %parallel_loop3A_524 : i32 to index
        %parallel_loop3A_545 = arith.constant 16 : index
        %parallel_loop3A_546 = tpu.vector_load %arg9[%parallel_loop3A_544, %parallel_loop3A_545] {strides = array<i32>} : memref<96x128xf32, #tpu.memory_space<vmem>>, vector<16xf32>,
        %parallel_loop3A_547 = arith.subf %parallel_loop3A_543, %parallel_loop3A_546 : vector<16xf32>
        %parallel_loop3A_548 = arith.constant 9.99999997E-7 : f32
        %parallel_loop3A_549 = vector.broadcast %parallel_loop3A_548 : f32 to vector<16xf32>
        %parallel_loop3A_550 = arith.addf %parallel_loop3A_547, %parallel_loop3A_549 : vector<16xf32>
        %parallel_loop3A_551 = arith.mulf %parallel_loop3A_550, %parallel_loop3A_550 : vector<16xf32>
        %parallel_loop3A_552 = arith.addf %parallel_loop3A_528, %parallel_loop3A_551 : vector<16xf32>
        %parallel_loop3A_553 = arith.index_cast %parallel_loop3A_524 : i32 to index
        %parallel_loop3A_554 = arith.constant 32 : index
        %parallel_loop3A_555 = tpu.vector_load %arg8[%parallel_loop3A_553, %parallel_loop3A_554] {strides = array<i32>} : memref<96x128xf32, #tpu.memory_space<vmem>>, vector<16xf32>,
        %parallel_loop3A_556 = arith.index_cast %parallel_loop3A_524 : i32 to index
        %parallel_loop3A_557 = arith.constant 32 : index
        %parallel_loop3A_558 = tpu.vector_load %arg9[%parallel_loop3A_556, %parallel_loop3A_557] {strides = array<i32>} : memref<96x128xf32, #tpu.memory_space<vmem>>, vector<16xf32>,
        %parallel_loop3A_559 = arith.subf %parallel_loop3A_555, %parallel_loop3A_558 : vector<16xf32>
        %parallel_loop3A_560 = arith.constant 9.99999997E-7 : f32
        %parallel_loop3A_561 = vector.broadcast %parallel_loop3A_560 : f32 to vector<16xf32>
        %parallel_loop3A_562 = arith.addf %parallel_loop3A_559, %parallel_loop3A_561 : vector<16xf32>
        %parallel_loop3A_563 = arith.mulf %parallel_loop3A_562, %parallel_loop3A_562 : vector<16xf32>
        %parallel_loop3A_564 = arith.addf %parallel_loop3A_540, %parallel_loop3A_563 : vector<16xf32>
        %parallel_loop3A_565 = arith.index_cast %parallel_loop3A_524 : i32 to index
        %parallel_loop3A_566 = arith.constant 48 : index
        %parallel_loop3A_567 = tpu.vector_load %arg8[%parallel_loop3A_565, %parallel_loop3A_566] {strides = array<i32>} : memref<96x128xf32, #tpu.memory_space<vmem>>, vector<16xf32>,
        %parallel_loop3A_568 = arith.index_cast %parallel_loop3A_524 : i32 to index
        %parallel_loop3A_569 = arith.constant 48 : index
        %parallel_loop3A_570 = tpu.vector_load %arg9[%parallel_loop3A_568, %parallel_loop3A_569] {strides = array<i32>} : memref<96x128xf32, #tpu.memory_space<vmem>>, vector<16xf32>,
        %parallel_loop3A_571 = arith.subf %parallel_loop3A_567, %parallel_loop3A_570 : vector<16xf32>
        %parallel_loop3A_572 = arith.constant 9.99999997E-7 : f32
        %parallel_loop3A_573 = vector.broadcast %parallel_loop3A_572 : f32 to vector<16xf32>
        %parallel_loop3A_574 = arith.addf %parallel_loop3A_571, %parallel_loop3A_573 : vector<16xf32>
        %parallel_loop3A_575 = arith.mulf %parallel_loop3A_574, %parallel_loop3A_574 : vector<16xf32>
        %parallel_loop3A_576 = arith.addf %parallel_loop3A_552, %parallel_loop3A_575 : vector<16xf32>
        %parallel_loop3A_577 = arith.index_cast %parallel_loop3A_524 : i32 to index
        %parallel_loop3A_578 = arith.constant 64 : index
        %parallel_loop3A_579 = tpu.vector_load %arg8[%parallel_loop3A_577, %parallel_loop3A_578] {strides = array<i32>} : memref<96x128xf32, #tpu.memory_space<vmem>>, vector<16xf32>,
        %parallel_loop3A_580 = arith.index_cast %parallel_loop3A_524 : i32 to index
        %parallel_loop3A_581 = arith.constant 64 : index
        %parallel_loop3A_582 = tpu.vector_load %arg9[%parallel_loop3A_580, %parallel_loop3A_581] {strides = array<i32>} : memref<96x128xf32, #tpu.memory_space<vmem>>, vector<16xf32>,
        %parallel_loop3A_583 = arith.subf %parallel_loop3A_579, %parallel_loop3A_582 : vector<16xf32>
        %parallel_loop3A_584 = arith.constant 9.99999997E-7 : f32
        %parallel_loop3A_585 = vector.broadcast %parallel_loop3A_584 : f32 to vector<16xf32>
        %parallel_loop3A_586 = arith.addf %parallel_loop3A_583, %parallel_loop3A_585 : vector<16xf32>
        %parallel_loop3A_587 = arith.mulf %parallel_loop3A_586, %parallel_loop3A_586 : vector<16xf32>
        %parallel_loop3A_588 = arith.addf %parallel_loop3A_564, %parallel_loop3A_587 : vector<16xf32>
        %parallel_loop3A_589 = arith.index_cast %parallel_loop3A_524 : i32 to index
        %parallel_loop3A_590 = arith.constant 80 : index
        %parallel_loop3A_591 = tpu.vector_load %arg8[%parallel_loop3A_589, %parallel_loop3A_590] {strides = array<i32>} : memref<96x128xf32, #tpu.memory_space<vmem>>, vector<16xf32>,
        %parallel_loop3A_592 = arith.index_cast %parallel_loop3A_524 : i32 to index
        %parallel_loop3A_593 = arith.constant 80 : index
        %parallel_loop3A_594 = tpu.vector_load %arg9[%parallel_loop3A_592, %parallel_loop3A_593] {strides = array<i32>} : memref<96x128xf32, #tpu.memory_space<vmem>>, vector<16xf32>,
        %parallel_loop3A_595 = arith.subf %parallel_loop3A_591, %parallel_loop3A_594 : vector<16xf32>
        %parallel_loop3A_596 = arith.constant 9.99999997E-7 : f32
        %parallel_loop3A_597 = vector.broadcast %parallel_loop3A_596 : f32 to vector<16xf32>
        %parallel_loop3A_598 = arith.addf %parallel_loop3A_595, %parallel_loop3A_597 : vector<16xf32>
        %parallel_loop3A_599 = arith.mulf %parallel_loop3A_598, %parallel_loop3A_598 : vector<16xf32>
        %parallel_loop3A_600 = arith.addf %parallel_loop3A_576, %parallel_loop3A_599 : vector<16xf32>
        %parallel_loop3A_601 = arith.index_cast %parallel_loop3A_524 : i32 to index
        %parallel_loop3A_602 = arith.constant 96 : index
        %parallel_loop3A_603 = tpu.vector_load %arg8[%parallel_loop3A_601, %parallel_loop3A_602] {strides = array<i32>} : memref<96x128xf32, #tpu.memory_space<vmem>>, vector<16xf32>,
        %parallel_loop3A_604 = arith.index_cast %parallel_loop3A_524 : i32 to index
        %parallel_loop3A_605 = arith.constant 96 : index
        %parallel_loop3A_606 = tpu.vector_load %arg9[%parallel_loop3A_604, %parallel_loop3A_605] {strides = array<i32>} : memref<96x128xf32, #tpu.memory_space<vmem>>, vector<16xf32>,
        %parallel_loop3A_607 = arith.subf %parallel_loop3A_603, %parallel_loop3A_606 : vector<16xf32>
        %parallel_loop3A_608 = arith.constant 9.99999997E-7 : f32
        %parallel_loop3A_609 = vector.broadcast %parallel_loop3A_608 : f32 to vector<16xf32>
        %parallel_loop3A_610 = arith.addf %parallel_loop3A_607, %parallel_loop3A_609 : vector<16xf32>
        %parallel_loop3A_611 = arith.mulf %parallel_loop3A_610, %parallel_loop3A_610 : vector<16xf32>
        %parallel_loop3A_612 = arith.addf %parallel_loop3A_588, %parallel_loop3A_611 : vector<16xf32>
        %parallel_loop3A_613 = arith.index_cast %parallel_loop3A_524 : i32 to index
        %parallel_loop3A_614 = arith.constant 112 : index
        %parallel_loop3A_615 = tpu.vector_load %arg8[%parallel_loop3A_613, %parallel_loop3A_614] {strides = array<i32>} : memref<96x128xf32, #tpu.memory_space<vmem>>, vector<16xf32>,
        %parallel_loop3A_616 = arith.index_cast %parallel_loop3A_524 : i32 to index
        %parallel_loop3A_617 = arith.constant 112 : index
        %parallel_loop3A_618 = tpu.vector_load %arg9[%parallel_loop3A_616, %parallel_loop3A_617] {strides = array<i32>} : memref<96x128xf32, #tpu.memory_space<vmem>>, vector<16xf32>,
        %parallel_loop3A_619 = arith.subf %parallel_loop3A_615, %parallel_loop3A_618 : vector<16xf32>
        %parallel_loop3A_620 = arith.constant 9.99999997E-7 : f32
        %parallel_loop3A_621 = vector.broadcast %parallel_loop3A_620 : f32 to vector<16xf32>
        %parallel_loop3A_622 = arith.addf %parallel_loop3A_619, %parallel_loop3A_621 : vector<16xf32>
        %parallel_loop3A_623 = arith.mulf %parallel_loop3A_622, %parallel_loop3A_622 : vector<16xf32>
        %parallel_loop3A_624 = arith.addf %parallel_loop3A_600, %parallel_loop3A_623 : vector<16xf32>
        %parallel_loop3A_625 = arith.constant 2 : i32
        %parallel_loop3A_626 = vector.broadcast %parallel_loop3A_625 : i32 to vector<16xi32>
        %parallel_loop3A_627 = arith.cmpi eq, %iota3A, %parallel_loop3A_626 : vector<16xi32>
        %parallel_loop3A_628 = arith.addf %parallel_loop3A_612, %parallel_loop3A_624 : vector<16xf32>
        %parallel_loop3A_629 = arith.constant true
        %parallel_loop3A_630 = vector.broadcast %parallel_loop3A_629 : i1 to vector<16xi1>
        %parallel_loop3A_631 = tpu.scan <sum>, %parallel_loop3A_628 masked %parallel_loop3A_630 : vector<16xf32>, vector<16xi1> -> vector<16xf32>
        %parallel_loop3A_632 = vector.extract %parallel_loop3A_631[15] : f32 from vector<16xf32>
        %parallel_loop3A_633 = vector.broadcast %parallel_loop3A_632 : f32 to vector<16xf32>
        %parallel_loop3A_634 = arith.select %parallel_loop3A_627, %parallel_loop3A_633, %parallel_loop3A_287 : vector<16xi1>, vector<16xf32>
        %parallel_loop3A_635 = arith.constant 16 : i32
        %parallel_loop3A_636 = arith.muli %parallel_loop3A_281, %parallel_loop3A_635 : i32
        %parallel_loop3A_637 = arith.addi %mul3A_260, %parallel_loop3A_636 : i32
        %parallel_loop3A_638 = arith.constant 3 : i32
        %parallel_loop3A_639 = arith.addi %parallel_loop3A_637, %parallel_loop3A_638 : i32
        %parallel_loop3A_640 = arith.constant 0.000000e+00 : f32
        %parallel_loop3A_641 = vector.broadcast %parallel_loop3A_640 : f32 to vector<16xf32>
        %parallel_loop3A_642 = arith.constant 0.000000e+00 : f32
        %parallel_loop3A_643 = vector.broadcast %parallel_loop3A_642 : f32 to vector<16xf32>
        %parallel_loop3A_644 = arith.index_cast %parallel_loop3A_639 : i32 to index
        %parallel_loop3A_645 = arith.constant 0 : index
        %parallel_loop3A_646 = tpu.vector_load %arg8[%parallel_loop3A_644, %parallel_loop3A_645] {strides = array<i32>} : memref<96x128xf32, #tpu.memory_space<vmem>>, vector<16xf32>,
        %parallel_loop3A_647 = arith.index_cast %parallel_loop3A_639 : i32 to index
        %parallel_loop3A_648 = arith.constant 0 : index
        %parallel_loop3A_649 = tpu.vector_load %arg9[%parallel_loop3A_647, %parallel_loop3A_648] {strides = array<i32>} : memref<96x128xf32, #tpu.memory_space<vmem>>, vector<16xf32>,
        %parallel_loop3A_650 = arith.subf %parallel_loop3A_646, %parallel_loop3A_649 : vector<16xf32>
        %parallel_loop3A_651 = arith.constant 9.99999997E-7 : f32
        %parallel_loop3A_652 = vector.broadcast %parallel_loop3A_651 : f32 to vector<16xf32>
        %parallel_loop3A_653 = arith.addf %parallel_loop3A_650, %parallel_loop3A_652 : vector<16xf32>
        %parallel_loop3A_654 = arith.mulf %parallel_loop3A_653, %parallel_loop3A_653 : vector<16xf32>
        %parallel_loop3A_655 = arith.addf %parallel_loop3A_641, %parallel_loop3A_654 : vector<16xf32>
        %parallel_loop3A_656 = arith.index_cast %parallel_loop3A_639 : i32 to index
        %parallel_loop3A_657 = arith.constant 16 : index
        %parallel_loop3A_658 = tpu.vector_load %arg8[%parallel_loop3A_656, %parallel_loop3A_657] {strides = array<i32>} : memref<96x128xf32, #tpu.memory_space<vmem>>, vector<16xf32>,
        %parallel_loop3A_659 = arith.index_cast %parallel_loop3A_639 : i32 to index
        %parallel_loop3A_660 = arith.constant 16 : index
        %parallel_loop3A_661 = tpu.vector_load %arg9[%parallel_loop3A_659, %parallel_loop3A_660] {strides = array<i32>} : memref<96x128xf32, #tpu.memory_space<vmem>>, vector<16xf32>,
        %parallel_loop3A_662 = arith.subf %parallel_loop3A_658, %parallel_loop3A_661 : vector<16xf32>
        %parallel_loop3A_663 = arith.constant 9.99999997E-7 : f32
        %parallel_loop3A_664 = vector.broadcast %parallel_loop3A_663 : f32 to vector<16xf32>
        %parallel_loop3A_665 = arith.addf %parallel_loop3A_662, %parallel_loop3A_664 : vector<16xf32>
        %parallel_loop3A_666 = arith.mulf %parallel_loop3A_665, %parallel_loop3A_665 : vector<16xf32>
        %parallel_loop3A_667 = arith.addf %parallel_loop3A_643, %parallel_loop3A_666 : vector<16xf32>
        %parallel_loop3A_668 = arith.index_cast %parallel_loop3A_639 : i32 to index
        %parallel_loop3A_669 = arith.constant 32 : index
        %parallel_loop3A_670 = tpu.vector_load %arg8[%parallel_loop3A_668, %parallel_loop3A_669] {strides = array<i32>} : memref<96x128xf32, #tpu.memory_space<vmem>>, vector<16xf32>,
        %parallel_loop3A_671 = arith.index_cast %parallel_loop3A_639 : i32 to index
        %parallel_loop3A_672 = arith.constant 32 : index
        %parallel_loop3A_673 = tpu.vector_load %arg9[%parallel_loop3A_671, %parallel_loop3A_672] {strides = array<i32>} : memref<96x128xf32, #tpu.memory_space<vmem>>, vector<16xf32>,
        %parallel_loop3A_674 = arith.subf %parallel_loop3A_670, %parallel_loop3A_673 : vector<16xf32>
        %parallel_loop3A_675 = arith.constant 9.99999997E-7 : f32
        %parallel_loop3A_676 = vector.broadcast %parallel_loop3A_675 : f32 to vector<16xf32>
        %parallel_loop3A_677 = arith.addf %parallel_loop3A_674, %parallel_loop3A_676 : vector<16xf32>
        %parallel_loop3A_678 = arith.mulf %parallel_loop3A_677, %parallel_loop3A_677 : vector<16xf32>
        %parallel_loop3A_679 = arith.addf %parallel_loop3A_655, %parallel_loop3A_678 : vector<16xf32>
        %parallel_loop3A_680 = arith.index_cast %parallel_loop3A_639 : i32 to index
        %parallel_loop3A_681 = arith.constant 48 : index
        %parallel_loop3A_682 = tpu.vector_load %arg8[%parallel_loop3A_680, %parallel_loop3A_681] {strides = array<i32>} : memref<96x128xf32, #tpu.memory_space<vmem>>, vector<16xf32>,
        %parallel_loop3A_683 = arith.index_cast %parallel_loop3A_639 : i32 to index
        %parallel_loop3A_684 = arith.constant 48 : index
        %parallel_loop3A_685 = tpu.vector_load %arg9[%parallel_loop3A_683, %parallel_loop3A_684] {strides = array<i32>} : memref<96x128xf32, #tpu.memory_space<vmem>>, vector<16xf32>,
        %parallel_loop3A_686 = arith.subf %parallel_loop3A_682, %parallel_loop3A_685 : vector<16xf32>
        %parallel_loop3A_687 = arith.constant 9.99999997E-7 : f32
        %parallel_loop3A_688 = vector.broadcast %parallel_loop3A_687 : f32 to vector<16xf32>
        %parallel_loop3A_689 = arith.addf %parallel_loop3A_686, %parallel_loop3A_688 : vector<16xf32>
        %parallel_loop3A_690 = arith.mulf %parallel_loop3A_689, %parallel_loop3A_689 : vector<16xf32>
        %parallel_loop3A_691 = arith.addf %parallel_loop3A_667, %parallel_loop3A_690 : vector<16xf32>
        %parallel_loop3A_692 = arith.index_cast %parallel_loop3A_639 : i32 to index
        %parallel_loop3A_693 = arith.constant 64 : index
        %parallel_loop3A_694 = tpu.vector_load %arg8[%parallel_loop3A_692, %parallel_loop3A_693] {strides = array<i32>} : memref<96x128xf32, #tpu.memory_space<vmem>>, vector<16xf32>,
        %parallel_loop3A_695 = arith.index_cast %parallel_loop3A_639 : i32 to index
        %parallel_loop3A_696 = arith.constant 64 : index
        %parallel_loop3A_697 = tpu.vector_load %arg9[%parallel_loop3A_695, %parallel_loop3A_696] {strides = array<i32>} : memref<96x128xf32, #tpu.memory_space<vmem>>, vector<16xf32>,
        %parallel_loop3A_698 = arith.subf %parallel_loop3A_694, %parallel_loop3A_697 : vector<16xf32>
        %parallel_loop3A_699 = arith.constant 9.99999997E-7 : f32
        %parallel_loop3A_700 = vector.broadcast %parallel_loop3A_699 : f32 to vector<16xf32>
        %parallel_loop3A_701 = arith.addf %parallel_loop3A_698, %parallel_loop3A_700 : vector<16xf32>
        %parallel_loop3A_702 = arith.mulf %parallel_loop3A_701, %parallel_loop3A_701 : vector<16xf32>
        %parallel_loop3A_703 = arith.addf %parallel_loop3A_679, %parallel_loop3A_702 : vector<16xf32>
        %parallel_loop3A_704 = arith.index_cast %parallel_loop3A_639 : i32 to index
        %parallel_loop3A_705 = arith.constant 80 : index
        %parallel_loop3A_706 = tpu.vector_load %arg8[%parallel_loop3A_704, %parallel_loop3A_705] {strides = array<i32>} : memref<96x128xf32, #tpu.memory_space<vmem>>, vector<16xf32>,
        %parallel_loop3A_707 = arith.index_cast %parallel_loop3A_639 : i32 to index
        %parallel_loop3A_708 = arith.constant 80 : index
        %parallel_loop3A_709 = tpu.vector_load %arg9[%parallel_loop3A_707, %parallel_loop3A_708] {strides = array<i32>} : memref<96x128xf32, #tpu.memory_space<vmem>>, vector<16xf32>,
        %parallel_loop3A_710 = arith.subf %parallel_loop3A_706, %parallel_loop3A_709 : vector<16xf32>
        %parallel_loop3A_711 = arith.constant 9.99999997E-7 : f32
        %parallel_loop3A_712 = vector.broadcast %parallel_loop3A_711 : f32 to vector<16xf32>
        %parallel_loop3A_713 = arith.addf %parallel_loop3A_710, %parallel_loop3A_712 : vector<16xf32>
        %parallel_loop3A_714 = arith.mulf %parallel_loop3A_713, %parallel_loop3A_713 : vector<16xf32>
        %parallel_loop3A_715 = arith.addf %parallel_loop3A_691, %parallel_loop3A_714 : vector<16xf32>
        %parallel_loop3A_716 = arith.index_cast %parallel_loop3A_639 : i32 to index
        %parallel_loop3A_717 = arith.constant 96 : index
        %parallel_loop3A_718 = tpu.vector_load %arg8[%parallel_loop3A_716, %parallel_loop3A_717] {strides = array<i32>} : memref<96x128xf32, #tpu.memory_space<vmem>>, vector<16xf32>,
        %parallel_loop3A_719 = arith.index_cast %parallel_loop3A_639 : i32 to index
        %parallel_loop3A_720 = arith.constant 96 : index
        %parallel_loop3A_721 = tpu.vector_load %arg9[%parallel_loop3A_719, %parallel_loop3A_720] {strides = array<i32>} : memref<96x128xf32, #tpu.memory_space<vmem>>, vector<16xf32>,
        %parallel_loop3A_722 = arith.subf %parallel_loop3A_718, %parallel_loop3A_721 : vector<16xf32>
        %parallel_loop3A_723 = arith.constant 9.99999997E-7 : f32
        %parallel_loop3A_724 = vector.broadcast %parallel_loop3A_723 : f32 to vector<16xf32>
        %parallel_loop3A_725 = arith.addf %parallel_loop3A_722, %parallel_loop3A_724 : vector<16xf32>
        %parallel_loop3A_726 = arith.mulf %parallel_loop3A_725, %parallel_loop3A_725 : vector<16xf32>
        %parallel_loop3A_727 = arith.addf %parallel_loop3A_703, %parallel_loop3A_726 : vector<16xf32>
        %parallel_loop3A_728 = arith.index_cast %parallel_loop3A_639 : i32 to index
        %parallel_loop3A_729 = arith.constant 112 : index
        %parallel_loop3A_730 = tpu.vector_load %arg8[%parallel_loop3A_728, %parallel_loop3A_729] {strides = array<i32>} : memref<96x128xf32, #tpu.memory_space<vmem>>, vector<16xf32>,
        %parallel_loop3A_731 = arith.index_cast %parallel_loop3A_639 : i32 to index
        %parallel_loop3A_732 = arith.constant 112 : index
        %parallel_loop3A_733 = tpu.vector_load %arg9[%parallel_loop3A_731, %parallel_loop3A_732] {strides = array<i32>} : memref<96x128xf32, #tpu.memory_space<vmem>>, vector<16xf32>,
        %parallel_loop3A_734 = arith.subf %parallel_loop3A_730, %parallel_loop3A_733 : vector<16xf32>
        %parallel_loop3A_735 = arith.constant 9.99999997E-7 : f32
        %parallel_loop3A_736 = vector.broadcast %parallel_loop3A_735 : f32 to vector<16xf32>
        %parallel_loop3A_737 = arith.addf %parallel_loop3A_734, %parallel_loop3A_736 : vector<16xf32>
        %parallel_loop3A_738 = arith.mulf %parallel_loop3A_737, %parallel_loop3A_737 : vector<16xf32>
        %parallel_loop3A_739 = arith.addf %parallel_loop3A_715, %parallel_loop3A_738 : vector<16xf32>
        %parallel_loop3A_740 = arith.constant 3 : i32
        %parallel_loop3A_741 = vector.broadcast %parallel_loop3A_740 : i32 to vector<16xi32>
        %parallel_loop3A_742 = arith.cmpi eq, %iota3A, %parallel_loop3A_741 : vector<16xi32>
        %parallel_loop3A_743 = arith.addf %parallel_loop3A_727, %parallel_loop3A_739 : vector<16xf32>
        %parallel_loop3A_744 = arith.constant true
        %parallel_loop3A_745 = vector.broadcast %parallel_loop3A_744 : i1 to vector<16xi1>
        %parallel_loop3A_746 = tpu.scan <sum>, %parallel_loop3A_743 masked %parallel_loop3A_745 : vector<16xf32>, vector<16xi1> -> vector<16xf32>
        %parallel_loop3A_747 = vector.extract %parallel_loop3A_746[15] : f32 from vector<16xf32>
        %parallel_loop3A_748 = vector.broadcast %parallel_loop3A_747 : f32 to vector<16xf32>
        %parallel_loop3A_749 = arith.select %parallel_loop3A_742, %parallel_loop3A_748, %parallel_loop3A_289 : vector<16xi1>, vector<16xf32>
        %parallel_loop3A_750 = arith.constant 16 : i32
        %parallel_loop3A_751 = arith.muli %parallel_loop3A_281, %parallel_loop3A_750 : i32
        %parallel_loop3A_752 = arith.addi %mul3A_260, %parallel_loop3A_751 : i32
        %parallel_loop3A_753 = arith.constant 4 : i32
        %parallel_loop3A_754 = arith.addi %parallel_loop3A_752, %parallel_loop3A_753 : i32
        %parallel_loop3A_755 = arith.constant 0.000000e+00 : f32
        %parallel_loop3A_756 = vector.broadcast %parallel_loop3A_755 : f32 to vector<16xf32>
        %parallel_loop3A_757 = arith.constant 0.000000e+00 : f32
        %parallel_loop3A_758 = vector.broadcast %parallel_loop3A_757 : f32 to vector<16xf32>
        %parallel_loop3A_759 = arith.index_cast %parallel_loop3A_754 : i32 to index
        %parallel_loop3A_760 = arith.constant 0 : index
        %parallel_loop3A_761 = tpu.vector_load %arg8[%parallel_loop3A_759, %parallel_loop3A_760] {strides = array<i32>} : memref<96x128xf32, #tpu.memory_space<vmem>>, vector<16xf32>,
        %parallel_loop3A_762 = arith.index_cast %parallel_loop3A_754 : i32 to index
        %parallel_loop3A_763 = arith.constant 0 : index
        %parallel_loop3A_764 = tpu.vector_load %arg9[%parallel_loop3A_762, %parallel_loop3A_763] {strides = array<i32>} : memref<96x128xf32, #tpu.memory_space<vmem>>, vector<16xf32>,
        %parallel_loop3A_765 = arith.subf %parallel_loop3A_761, %parallel_loop3A_764 : vector<16xf32>
        %parallel_loop3A_766 = arith.constant 9.99999997E-7 : f32
        %parallel_loop3A_767 = vector.broadcast %parallel_loop3A_766 : f32 to vector<16xf32>
        %parallel_loop3A_768 = arith.addf %parallel_loop3A_765, %parallel_loop3A_767 : vector<16xf32>
        %parallel_loop3A_769 = arith.mulf %parallel_loop3A_768, %parallel_loop3A_768 : vector<16xf32>
        %parallel_loop3A_770 = arith.addf %parallel_loop3A_756, %parallel_loop3A_769 : vector<16xf32>
        %parallel_loop3A_771 = arith.index_cast %parallel_loop3A_754 : i32 to index
        %parallel_loop3A_772 = arith.constant 16 : index
        %parallel_loop3A_773 = tpu.vector_load %arg8[%parallel_loop3A_771, %parallel_loop3A_772] {strides = array<i32>} : memref<96x128xf32, #tpu.memory_space<vmem>>, vector<16xf32>,
        %parallel_loop3A_774 = arith.index_cast %parallel_loop3A_754 : i32 to index
        %parallel_loop3A_775 = arith.constant 16 : index
        %parallel_loop3A_776 = tpu.vector_load %arg9[%parallel_loop3A_774, %parallel_loop3A_775] {strides = array<i32>} : memref<96x128xf32, #tpu.memory_space<vmem>>, vector<16xf32>,
        %parallel_loop3A_777 = arith.subf %parallel_loop3A_773, %parallel_loop3A_776 : vector<16xf32>
        %parallel_loop3A_778 = arith.constant 9.99999997E-7 : f32
        %parallel_loop3A_779 = vector.broadcast %parallel_loop3A_778 : f32 to vector<16xf32>
        %parallel_loop3A_780 = arith.addf %parallel_loop3A_777, %parallel_loop3A_779 : vector<16xf32>
        %parallel_loop3A_781 = arith.mulf %parallel_loop3A_780, %parallel_loop3A_780 : vector<16xf32>
        %parallel_loop3A_782 = arith.addf %parallel_loop3A_758, %parallel_loop3A_781 : vector<16xf32>
        %parallel_loop3A_783 = arith.index_cast %parallel_loop3A_754 : i32 to index
        %parallel_loop3A_784 = arith.constant 32 : index
        %parallel_loop3A_785 = tpu.vector_load %arg8[%parallel_loop3A_783, %parallel_loop3A_784] {strides = array<i32>} : memref<96x128xf32, #tpu.memory_space<vmem>>, vector<16xf32>,
        %parallel_loop3A_786 = arith.index_cast %parallel_loop3A_754 : i32 to index
        %parallel_loop3A_787 = arith.constant 32 : index
        %parallel_loop3A_788 = tpu.vector_load %arg9[%parallel_loop3A_786, %parallel_loop3A_787] {strides = array<i32>} : memref<96x128xf32, #tpu.memory_space<vmem>>, vector<16xf32>,
        %parallel_loop3A_789 = arith.subf %parallel_loop3A_785, %parallel_loop3A_788 : vector<16xf32>
        %parallel_loop3A_790 = arith.constant 9.99999997E-7 : f32
        %parallel_loop3A_791 = vector.broadcast %parallel_loop3A_790 : f32 to vector<16xf32>
        %parallel_loop3A_792 = arith.addf %parallel_loop3A_789, %parallel_loop3A_791 : vector<16xf32>
        %parallel_loop3A_793 = arith.mulf %parallel_loop3A_792, %parallel_loop3A_792 : vector<16xf32>
        %parallel_loop3A_794 = arith.addf %parallel_loop3A_770, %parallel_loop3A_793 : vector<16xf32>
        %parallel_loop3A_795 = arith.index_cast %parallel_loop3A_754 : i32 to index
        %parallel_loop3A_796 = arith.constant 48 : index
        %parallel_loop3A_797 = tpu.vector_load %arg8[%parallel_loop3A_795, %parallel_loop3A_796] {strides = array<i32>} : memref<96x128xf32, #tpu.memory_space<vmem>>, vector<16xf32>,
        %parallel_loop3A_798 = arith.index_cast %parallel_loop3A_754 : i32 to index
        %parallel_loop3A_799 = arith.constant 48 : index
        %parallel_loop3A_800 = tpu.vector_load %arg9[%parallel_loop3A_798, %parallel_loop3A_799] {strides = array<i32>} : memref<96x128xf32, #tpu.memory_space<vmem>>, vector<16xf32>,
        %parallel_loop3A_801 = arith.subf %parallel_loop3A_797, %parallel_loop3A_800 : vector<16xf32>
        %parallel_loop3A_802 = arith.constant 9.99999997E-7 : f32
        %parallel_loop3A_803 = vector.broadcast %parallel_loop3A_802 : f32 to vector<16xf32>
        %parallel_loop3A_804 = arith.addf %parallel_loop3A_801, %parallel_loop3A_803 : vector<16xf32>
        %parallel_loop3A_805 = arith.mulf %parallel_loop3A_804, %parallel_loop3A_804 : vector<16xf32>
        %parallel_loop3A_806 = arith.addf %parallel_loop3A_782, %parallel_loop3A_805 : vector<16xf32>
        %parallel_loop3A_807 = arith.index_cast %parallel_loop3A_754 : i32 to index
        %parallel_loop3A_808 = arith.constant 64 : index
        %parallel_loop3A_809 = tpu.vector_load %arg8[%parallel_loop3A_807, %parallel_loop3A_808] {strides = array<i32>} : memref<96x128xf32, #tpu.memory_space<vmem>>, vector<16xf32>,
        %parallel_loop3A_810 = arith.index_cast %parallel_loop3A_754 : i32 to index
        %parallel_loop3A_811 = arith.constant 64 : index
        %parallel_loop3A_812 = tpu.vector_load %arg9[%parallel_loop3A_810, %parallel_loop3A_811] {strides = array<i32>} : memref<96x128xf32, #tpu.memory_space<vmem>>, vector<16xf32>,
        %parallel_loop3A_813 = arith.subf %parallel_loop3A_809, %parallel_loop3A_812 : vector<16xf32>
        %parallel_loop3A_814 = arith.constant 9.99999997E-7 : f32
        %parallel_loop3A_815 = vector.broadcast %parallel_loop3A_814 : f32 to vector<16xf32>
        %parallel_loop3A_816 = arith.addf %parallel_loop3A_813, %parallel_loop3A_815 : vector<16xf32>
        %parallel_loop3A_817 = arith.mulf %parallel_loop3A_816, %parallel_loop3A_816 : vector<16xf32>
        %parallel_loop3A_818 = arith.addf %parallel_loop3A_794, %parallel_loop3A_817 : vector<16xf32>
        %parallel_loop3A_819 = arith.index_cast %parallel_loop3A_754 : i32 to index
        %parallel_loop3A_820 = arith.constant 80 : index
        %parallel_loop3A_821 = tpu.vector_load %arg8[%parallel_loop3A_819, %parallel_loop3A_820] {strides = array<i32>} : memref<96x128xf32, #tpu.memory_space<vmem>>, vector<16xf32>,
        %parallel_loop3A_822 = arith.index_cast %parallel_loop3A_754 : i32 to index
        %parallel_loop3A_823 = arith.constant 80 : index
        %parallel_loop3A_824 = tpu.vector_load %arg9[%parallel_loop3A_822, %parallel_loop3A_823] {strides = array<i32>} : memref<96x128xf32, #tpu.memory_space<vmem>>, vector<16xf32>,
        %parallel_loop3A_825 = arith.subf %parallel_loop3A_821, %parallel_loop3A_824 : vector<16xf32>
        %parallel_loop3A_826 = arith.constant 9.99999997E-7 : f32
        %parallel_loop3A_827 = vector.broadcast %parallel_loop3A_826 : f32 to vector<16xf32>
        %parallel_loop3A_828 = arith.addf %parallel_loop3A_825, %parallel_loop3A_827 : vector<16xf32>
        %parallel_loop3A_829 = arith.mulf %parallel_loop3A_828, %parallel_loop3A_828 : vector<16xf32>
        %parallel_loop3A_830 = arith.addf %parallel_loop3A_806, %parallel_loop3A_829 : vector<16xf32>
        %parallel_loop3A_831 = arith.index_cast %parallel_loop3A_754 : i32 to index
        %parallel_loop3A_832 = arith.constant 96 : index
        %parallel_loop3A_833 = tpu.vector_load %arg8[%parallel_loop3A_831, %parallel_loop3A_832] {strides = array<i32>} : memref<96x128xf32, #tpu.memory_space<vmem>>, vector<16xf32>,
        %parallel_loop3A_834 = arith.index_cast %parallel_loop3A_754 : i32 to index
        %parallel_loop3A_835 = arith.constant 96 : index
        %parallel_loop3A_836 = tpu.vector_load %arg9[%parallel_loop3A_834, %parallel_loop3A_835] {strides = array<i32>} : memref<96x128xf32, #tpu.memory_space<vmem>>, vector<16xf32>,
        %parallel_loop3A_837 = arith.subf %parallel_loop3A_833, %parallel_loop3A_836 : vector<16xf32>
        %parallel_loop3A_838 = arith.constant 9.99999997E-7 : f32
        %parallel_loop3A_839 = vector.broadcast %parallel_loop3A_838 : f32 to vector<16xf32>
        %parallel_loop3A_840 = arith.addf %parallel_loop3A_837, %parallel_loop3A_839 : vector<16xf32>
        %parallel_loop3A_841 = arith.mulf %parallel_loop3A_840, %parallel_loop3A_840 : vector<16xf32>
        %parallel_loop3A_842 = arith.addf %parallel_loop3A_818, %parallel_loop3A_841 : vector<16xf32>
        %parallel_loop3A_843 = arith.index_cast %parallel_loop3A_754 : i32 to index
        %parallel_loop3A_844 = arith.constant 112 : index
        %parallel_loop3A_845 = tpu.vector_load %arg8[%parallel_loop3A_843, %parallel_loop3A_844] {strides = array<i32>} : memref<96x128xf32, #tpu.memory_space<vmem>>, vector<16xf32>,
        %parallel_loop3A_846 = arith.index_cast %parallel_loop3A_754 : i32 to index
        %parallel_loop3A_847 = arith.constant 112 : index
        %parallel_loop3A_848 = tpu.vector_load %arg9[%parallel_loop3A_846, %parallel_loop3A_847] {strides = array<i32>} : memref<96x128xf32, #tpu.memory_space<vmem>>, vector<16xf32>,
        %parallel_loop3A_849 = arith.subf %parallel_loop3A_845, %parallel_loop3A_848 : vector<16xf32>
        %parallel_loop3A_850 = arith.constant 9.99999997E-7 : f32
        %parallel_loop3A_851 = vector.broadcast %parallel_loop3A_850 : f32 to vector<16xf32>
        %parallel_loop3A_852 = arith.addf %parallel_loop3A_849, %parallel_loop3A_851 : vector<16xf32>
        %parallel_loop3A_853 = arith.mulf %parallel_loop3A_852, %parallel_loop3A_852 : vector<16xf32>
        %parallel_loop3A_854 = arith.addf %parallel_loop3A_830, %parallel_loop3A_853 : vector<16xf32>
        %parallel_loop3A_855 = arith.constant 4 : i32
        %parallel_loop3A_856 = vector.broadcast %parallel_loop3A_855 : i32 to vector<16xi32>
        %parallel_loop3A_857 = arith.cmpi eq, %iota3A, %parallel_loop3A_856 : vector<16xi32>
        %parallel_loop3A_858 = arith.addf %parallel_loop3A_842, %parallel_loop3A_854 : vector<16xf32>
        %parallel_loop3A_859 = arith.constant true
        %parallel_loop3A_860 = vector.broadcast %parallel_loop3A_859 : i1 to vector<16xi1>
        %parallel_loop3A_861 = tpu.scan <sum>, %parallel_loop3A_858 masked %parallel_loop3A_860 : vector<16xf32>, vector<16xi1> -> vector<16xf32>
        %parallel_loop3A_862 = vector.extract %parallel_loop3A_861[15] : f32 from vector<16xf32>
        %parallel_loop3A_863 = vector.broadcast %parallel_loop3A_862 : f32 to vector<16xf32>
        %parallel_loop3A_864 = arith.select %parallel_loop3A_857, %parallel_loop3A_863, %parallel_loop3A_404 : vector<16xi1>, vector<16xf32>
        %parallel_loop3A_865 = arith.constant 16 : i32
        %parallel_loop3A_866 = arith.muli %parallel_loop3A_281, %parallel_loop3A_865 : i32
        %parallel_loop3A_867 = arith.addi %mul3A_260, %parallel_loop3A_866 : i32
        %parallel_loop3A_868 = arith.constant 5 : i32
        %parallel_loop3A_869 = arith.addi %parallel_loop3A_867, %parallel_loop3A_868 : i32
        %parallel_loop3A_870 = arith.constant 0.000000e+00 : f32
        %parallel_loop3A_871 = vector.broadcast %parallel_loop3A_870 : f32 to vector<16xf32>
        %parallel_loop3A_872 = arith.constant 0.000000e+00 : f32
        %parallel_loop3A_873 = vector.broadcast %parallel_loop3A_872 : f32 to vector<16xf32>
        %parallel_loop3A_874 = arith.index_cast %parallel_loop3A_869 : i32 to index
        %parallel_loop3A_875 = arith.constant 0 : index
        %parallel_loop3A_876 = tpu.vector_load %arg8[%parallel_loop3A_874, %parallel_loop3A_875] {strides = array<i32>} : memref<96x128xf32, #tpu.memory_space<vmem>>, vector<16xf32>,
        %parallel_loop3A_877 = arith.index_cast %parallel_loop3A_869 : i32 to index
        %parallel_loop3A_878 = arith.constant 0 : index
        %parallel_loop3A_879 = tpu.vector_load %arg9[%parallel_loop3A_877, %parallel_loop3A_878] {strides = array<i32>} : memref<96x128xf32, #tpu.memory_space<vmem>>, vector<16xf32>,
        %parallel_loop3A_880 = arith.subf %parallel_loop3A_876, %parallel_loop3A_879 : vector<16xf32>
        %parallel_loop3A_881 = arith.constant 9.99999997E-7 : f32
        %parallel_loop3A_882 = vector.broadcast %parallel_loop3A_881 : f32 to vector<16xf32>
        %parallel_loop3A_883 = arith.addf %parallel_loop3A_880, %parallel_loop3A_882 : vector<16xf32>
        %parallel_loop3A_884 = arith.mulf %parallel_loop3A_883, %parallel_loop3A_883 : vector<16xf32>
        %parallel_loop3A_885 = arith.addf %parallel_loop3A_871, %parallel_loop3A_884 : vector<16xf32>
        %parallel_loop3A_886 = arith.index_cast %parallel_loop3A_869 : i32 to index
        %parallel_loop3A_887 = arith.constant 16 : index
        %parallel_loop3A_888 = tpu.vector_load %arg8[%parallel_loop3A_886, %parallel_loop3A_887] {strides = array<i32>} : memref<96x128xf32, #tpu.memory_space<vmem>>, vector<16xf32>,
        %parallel_loop3A_889 = arith.index_cast %parallel_loop3A_869 : i32 to index
        %parallel_loop3A_890 = arith.constant 16 : index
        %parallel_loop3A_891 = tpu.vector_load %arg9[%parallel_loop3A_889, %parallel_loop3A_890] {strides = array<i32>} : memref<96x128xf32, #tpu.memory_space<vmem>>, vector<16xf32>,
        %parallel_loop3A_892 = arith.subf %parallel_loop3A_888, %parallel_loop3A_891 : vector<16xf32>
        %parallel_loop3A_893 = arith.constant 9.99999997E-7 : f32
        %parallel_loop3A_894 = vector.broadcast %parallel_loop3A_893 : f32 to vector<16xf32>
        %parallel_loop3A_895 = arith.addf %parallel_loop3A_892, %parallel_loop3A_894 : vector<16xf32>
        %parallel_loop3A_896 = arith.mulf %parallel_loop3A_895, %parallel_loop3A_895 : vector<16xf32>
        %parallel_loop3A_897 = arith.addf %parallel_loop3A_873, %parallel_loop3A_896 : vector<16xf32>
        %parallel_loop3A_898 = arith.index_cast %parallel_loop3A_869 : i32 to index
        %parallel_loop3A_899 = arith.constant 32 : index
        %parallel_loop3A_900 = tpu.vector_load %arg8[%parallel_loop3A_898, %parallel_loop3A_899] {strides = array<i32>} : memref<96x128xf32, #tpu.memory_space<vmem>>, vector<16xf32>,
        %parallel_loop3A_901 = arith.index_cast %parallel_loop3A_869 : i32 to index
        %parallel_loop3A_902 = arith.constant 32 : index
        %parallel_loop3A_903 = tpu.vector_load %arg9[%parallel_loop3A_901, %parallel_loop3A_902] {strides = array<i32>} : memref<96x128xf32, #tpu.memory_space<vmem>>, vector<16xf32>,
        %parallel_loop3A_904 = arith.subf %parallel_loop3A_900, %parallel_loop3A_903 : vector<16xf32>
        %parallel_loop3A_905 = arith.constant 9.99999997E-7 : f32
        %parallel_loop3A_906 = vector.broadcast %parallel_loop3A_905 : f32 to vector<16xf32>
        %parallel_loop3A_907 = arith.addf %parallel_loop3A_904, %parallel_loop3A_906 : vector<16xf32>
        %parallel_loop3A_908 = arith.mulf %parallel_loop3A_907, %parallel_loop3A_907 : vector<16xf32>
        %parallel_loop3A_909 = arith.addf %parallel_loop3A_885, %parallel_loop3A_908 : vector<16xf32>
        %parallel_loop3A_910 = arith.index_cast %parallel_loop3A_869 : i32 to index
        %parallel_loop3A_911 = arith.constant 48 : index
        %parallel_loop3A_912 = tpu.vector_load %arg8[%parallel_loop3A_910, %parallel_loop3A_911] {strides = array<i32>} : memref<96x128xf32, #tpu.memory_space<vmem>>, vector<16xf32>,
        %parallel_loop3A_913 = arith.index_cast %parallel_loop3A_869 : i32 to index
        %parallel_loop3A_914 = arith.constant 48 : index
        %parallel_loop3A_915 = tpu.vector_load %arg9[%parallel_loop3A_913, %parallel_loop3A_914] {strides = array<i32>} : memref<96x128xf32, #tpu.memory_space<vmem>>, vector<16xf32>,
        %parallel_loop3A_916 = arith.subf %parallel_loop3A_912, %parallel_loop3A_915 : vector<16xf32>
        %parallel_loop3A_917 = arith.constant 9.99999997E-7 : f32
        %parallel_loop3A_918 = vector.broadcast %parallel_loop3A_917 : f32 to vector<16xf32>
        %parallel_loop3A_919 = arith.addf %parallel_loop3A_916, %parallel_loop3A_918 : vector<16xf32>
        %parallel_loop3A_920 = arith.mulf %parallel_loop3A_919, %parallel_loop3A_919 : vector<16xf32>
        %parallel_loop3A_921 = arith.addf %parallel_loop3A_897, %parallel_loop3A_920 : vector<16xf32>
        %parallel_loop3A_922 = arith.index_cast %parallel_loop3A_869 : i32 to index
        %parallel_loop3A_923 = arith.constant 64 : index
        %parallel_loop3A_924 = tpu.vector_load %arg8[%parallel_loop3A_922, %parallel_loop3A_923] {strides = array<i32>} : memref<96x128xf32, #tpu.memory_space<vmem>>, vector<16xf32>,
        %parallel_loop3A_925 = arith.index_cast %parallel_loop3A_869 : i32 to index
        %parallel_loop3A_926 = arith.constant 64 : index
        %parallel_loop3A_927 = tpu.vector_load %arg9[%parallel_loop3A_925, %parallel_loop3A_926] {strides = array<i32>} : memref<96x128xf32, #tpu.memory_space<vmem>>, vector<16xf32>,
        %parallel_loop3A_928 = arith.subf %parallel_loop3A_924, %parallel_loop3A_927 : vector<16xf32>
        %parallel_loop3A_929 = arith.constant 9.99999997E-7 : f32
        %parallel_loop3A_930 = vector.broadcast %parallel_loop3A_929 : f32 to vector<16xf32>
        %parallel_loop3A_931 = arith.addf %parallel_loop3A_928, %parallel_loop3A_930 : vector<16xf32>
        %parallel_loop3A_932 = arith.mulf %parallel_loop3A_931, %parallel_loop3A_931 : vector<16xf32>
        %parallel_loop3A_933 = arith.addf %parallel_loop3A_909, %parallel_loop3A_932 : vector<16xf32>
        %parallel_loop3A_934 = arith.index_cast %parallel_loop3A_869 : i32 to index
        %parallel_loop3A_935 = arith.constant 80 : index
        %parallel_loop3A_936 = tpu.vector_load %arg8[%parallel_loop3A_934, %parallel_loop3A_935] {strides = array<i32>} : memref<96x128xf32, #tpu.memory_space<vmem>>, vector<16xf32>,
        %parallel_loop3A_937 = arith.index_cast %parallel_loop3A_869 : i32 to index
        %parallel_loop3A_938 = arith.constant 80 : index
        %parallel_loop3A_939 = tpu.vector_load %arg9[%parallel_loop3A_937, %parallel_loop3A_938] {strides = array<i32>} : memref<96x128xf32, #tpu.memory_space<vmem>>, vector<16xf32>,
        %parallel_loop3A_940 = arith.subf %parallel_loop3A_936, %parallel_loop3A_939 : vector<16xf32>
        %parallel_loop3A_941 = arith.constant 9.99999997E-7 : f32
        %parallel_loop3A_942 = vector.broadcast %parallel_loop3A_941 : f32 to vector<16xf32>
        %parallel_loop3A_943 = arith.addf %parallel_loop3A_940, %parallel_loop3A_942 : vector<16xf32>
        %parallel_loop3A_944 = arith.mulf %parallel_loop3A_943, %parallel_loop3A_943 : vector<16xf32>
        %parallel_loop3A_945 = arith.addf %parallel_loop3A_921, %parallel_loop3A_944 : vector<16xf32>
        %parallel_loop3A_946 = arith.index_cast %parallel_loop3A_869 : i32 to index
        %parallel_loop3A_947 = arith.constant 96 : index
        %parallel_loop3A_948 = tpu.vector_load %arg8[%parallel_loop3A_946, %parallel_loop3A_947] {strides = array<i32>} : memref<96x128xf32, #tpu.memory_space<vmem>>, vector<16xf32>,
        %parallel_loop3A_949 = arith.index_cast %parallel_loop3A_869 : i32 to index
        %parallel_loop3A_950 = arith.constant 96 : index
        %parallel_loop3A_951 = tpu.vector_load %arg9[%parallel_loop3A_949, %parallel_loop3A_950] {strides = array<i32>} : memref<96x128xf32, #tpu.memory_space<vmem>>, vector<16xf32>,
        %parallel_loop3A_952 = arith.subf %parallel_loop3A_948, %parallel_loop3A_951 : vector<16xf32>
        %parallel_loop3A_953 = arith.constant 9.99999997E-7 : f32
        %parallel_loop3A_954 = vector.broadcast %parallel_loop3A_953 : f32 to vector<16xf32>
        %parallel_loop3A_955 = arith.addf %parallel_loop3A_952, %parallel_loop3A_954 : vector<16xf32>
        %parallel_loop3A_956 = arith.mulf %parallel_loop3A_955, %parallel_loop3A_955 : vector<16xf32>
        %parallel_loop3A_957 = arith.addf %parallel_loop3A_933, %parallel_loop3A_956 : vector<16xf32>
        %parallel_loop3A_958 = arith.index_cast %parallel_loop3A_869 : i32 to index
        %parallel_loop3A_959 = arith.constant 112 : index
        %parallel_loop3A_960 = tpu.vector_load %arg8[%parallel_loop3A_958, %parallel_loop3A_959] {strides = array<i32>} : memref<96x128xf32, #tpu.memory_space<vmem>>, vector<16xf32>,
        %parallel_loop3A_961 = arith.index_cast %parallel_loop3A_869 : i32 to index
        %parallel_loop3A_962 = arith.constant 112 : index
        %parallel_loop3A_963 = tpu.vector_load %arg9[%parallel_loop3A_961, %parallel_loop3A_962] {strides = array<i32>} : memref<96x128xf32, #tpu.memory_space<vmem>>, vector<16xf32>,
        %parallel_loop3A_964 = arith.subf %parallel_loop3A_960, %parallel_loop3A_963 : vector<16xf32>
        %parallel_loop3A_965 = arith.constant 9.99999997E-7 : f32
        %parallel_loop3A_966 = vector.broadcast %parallel_loop3A_965 : f32 to vector<16xf32>
        %parallel_loop3A_967 = arith.addf %parallel_loop3A_964, %parallel_loop3A_966 : vector<16xf32>
        %parallel_loop3A_968 = arith.mulf %parallel_loop3A_967, %parallel_loop3A_967 : vector<16xf32>
        %parallel_loop3A_969 = arith.addf %parallel_loop3A_945, %parallel_loop3A_968 : vector<16xf32>
        %parallel_loop3A_970 = arith.constant 5 : i32
        %parallel_loop3A_971 = vector.broadcast %parallel_loop3A_970 : i32 to vector<16xi32>
        %parallel_loop3A_972 = arith.cmpi eq, %iota3A, %parallel_loop3A_971 : vector<16xi32>
        %parallel_loop3A_973 = arith.addf %parallel_loop3A_957, %parallel_loop3A_969 : vector<16xf32>
        %parallel_loop3A_974 = arith.constant true
        %parallel_loop3A_975 = vector.broadcast %parallel_loop3A_974 : i1 to vector<16xi1>
        %parallel_loop3A_976 = tpu.scan <sum>, %parallel_loop3A_973 masked %parallel_loop3A_975 : vector<16xf32>, vector<16xi1> -> vector<16xf32>
        %parallel_loop3A_977 = vector.extract %parallel_loop3A_976[15] : f32 from vector<16xf32>
        %parallel_loop3A_978 = vector.broadcast %parallel_loop3A_977 : f32 to vector<16xf32>
        %parallel_loop3A_979 = arith.select %parallel_loop3A_972, %parallel_loop3A_978, %parallel_loop3A_519 : vector<16xi1>, vector<16xf32>
        %parallel_loop3A_980 = arith.constant 16 : i32
        %parallel_loop3A_981 = arith.muli %parallel_loop3A_281, %parallel_loop3A_980 : i32
        %parallel_loop3A_982 = arith.addi %mul3A_260, %parallel_loop3A_981 : i32
        %parallel_loop3A_983 = arith.constant 6 : i32
        %parallel_loop3A_984 = arith.addi %parallel_loop3A_982, %parallel_loop3A_983 : i32
        %parallel_loop3A_985 = arith.constant 0.000000e+00 : f32
        %parallel_loop3A_986 = vector.broadcast %parallel_loop3A_985 : f32 to vector<16xf32>
        %parallel_loop3A_987 = arith.constant 0.000000e+00 : f32
        %parallel_loop3A_988 = vector.broadcast %parallel_loop3A_987 : f32 to vector<16xf32>
        %parallel_loop3A_989 = arith.index_cast %parallel_loop3A_984 : i32 to index
        %parallel_loop3A_990 = arith.constant 0 : index
        %parallel_loop3A_991 = tpu.vector_load %arg8[%parallel_loop3A_989, %parallel_loop3A_990] {strides = array<i32>} : memref<96x128xf32, #tpu.memory_space<vmem>>, vector<16xf32>,
        %parallel_loop3A_992 = arith.index_cast %parallel_loop3A_984 : i32 to index
        %parallel_loop3A_993 = arith.constant 0 : index
        %parallel_loop3A_994 = tpu.vector_load %arg9[%parallel_loop3A_992, %parallel_loop3A_993] {strides = array<i32>} : memref<96x128xf32, #tpu.memory_space<vmem>>, vector<16xf32>,
        %parallel_loop3A_995 = arith.subf %parallel_loop3A_991, %parallel_loop3A_994 : vector<16xf32>
        %parallel_loop3A_996 = arith.constant 9.99999997E-7 : f32
        %parallel_loop3A_997 = vector.broadcast %parallel_loop3A_996 : f32 to vector<16xf32>
        %parallel_loop3A_998 = arith.addf %parallel_loop3A_995, %parallel_loop3A_997 : vector<16xf32>
        %parallel_loop3A_999 = arith.mulf %parallel_loop3A_998, %parallel_loop3A_998 : vector<16xf32>
        %parallel_loop3A_1000 = arith.addf %parallel_loop3A_986, %parallel_loop3A_999 : vector<16xf32>
        %parallel_loop3A_1001 = arith.index_cast %parallel_loop3A_984 : i32 to index
        %parallel_loop3A_1002 = arith.constant 16 : index
        %parallel_loop3A_1003 = tpu.vector_load %arg8[%parallel_loop3A_1001, %parallel_loop3A_1002] {strides = array<i32>} : memref<96x128xf32, #tpu.memory_space<vmem>>, vector<16xf32>,
        %parallel_loop3A_1004 = arith.index_cast %parallel_loop3A_984 : i32 to index
        %parallel_loop3A_1005 = arith.constant 16 : index
        %parallel_loop3A_1006 = tpu.vector_load %arg9[%parallel_loop3A_1004, %parallel_loop3A_1005] {strides = array<i32>} : memref<96x128xf32, #tpu.memory_space<vmem>>, vector<16xf32>,
        %parallel_loop3A_1007 = arith.subf %parallel_loop3A_1003, %parallel_loop3A_1006 : vector<16xf32>
        %parallel_loop3A_1008 = arith.constant 9.99999997E-7 : f32
        %parallel_loop3A_1009 = vector.broadcast %parallel_loop3A_1008 : f32 to vector<16xf32>
        %parallel_loop3A_1010 = arith.addf %parallel_loop3A_1007, %parallel_loop3A_1009 : vector<16xf32>
        %parallel_loop3A_1011 = arith.mulf %parallel_loop3A_1010, %parallel_loop3A_1010 : vector<16xf32>
        %parallel_loop3A_1012 = arith.addf %parallel_loop3A_988, %parallel_loop3A_1011 : vector<16xf32>
        %parallel_loop3A_1013 = arith.index_cast %parallel_loop3A_984 : i32 to index
        %parallel_loop3A_1014 = arith.constant 32 : index
        %parallel_loop3A_1015 = tpu.vector_load %arg8[%parallel_loop3A_1013, %parallel_loop3A_1014] {strides = array<i32>} : memref<96x128xf32, #tpu.memory_space<vmem>>, vector<16xf32>,
        %parallel_loop3A_1016 = arith.index_cast %parallel_loop3A_984 : i32 to index
        %parallel_loop3A_1017 = arith.constant 32 : index
        %parallel_loop3A_1018 = tpu.vector_load %arg9[%parallel_loop3A_1016, %parallel_loop3A_1017] {strides = array<i32>} : memref<96x128xf32, #tpu.memory_space<vmem>>, vector<16xf32>,
        %parallel_loop3A_1019 = arith.subf %parallel_loop3A_1015, %parallel_loop3A_1018 : vector<16xf32>
        %parallel_loop3A_1020 = arith.constant 9.99999997E-7 : f32
        %parallel_loop3A_1021 = vector.broadcast %parallel_loop3A_1020 : f32 to vector<16xf32>
        %parallel_loop3A_1022 = arith.addf %parallel_loop3A_1019, %parallel_loop3A_1021 : vector<16xf32>
        %parallel_loop3A_1023 = arith.mulf %parallel_loop3A_1022, %parallel_loop3A_1022 : vector<16xf32>
        %parallel_loop3A_1024 = arith.addf %parallel_loop3A_1000, %parallel_loop3A_1023 : vector<16xf32>
        %parallel_loop3A_1025 = arith.index_cast %parallel_loop3A_984 : i32 to index
        %parallel_loop3A_1026 = arith.constant 48 : index
        %parallel_loop3A_1027 = tpu.vector_load %arg8[%parallel_loop3A_1025, %parallel_loop3A_1026] {strides = array<i32>} : memref<96x128xf32, #tpu.memory_space<vmem>>, vector<16xf32>,
        %parallel_loop3A_1028 = arith.index_cast %parallel_loop3A_984 : i32 to index
        %parallel_loop3A_1029 = arith.constant 48 : index
        %parallel_loop3A_1030 = tpu.vector_load %arg9[%parallel_loop3A_1028, %parallel_loop3A_1029] {strides = array<i32>} : memref<96x128xf32, #tpu.memory_space<vmem>>, vector<16xf32>,
        %parallel_loop3A_1031 = arith.subf %parallel_loop3A_1027, %parallel_loop3A_1030 : vector<16xf32>
        %parallel_loop3A_1032 = arith.constant 9.99999997E-7 : f32
        %parallel_loop3A_1033 = vector.broadcast %parallel_loop3A_1032 : f32 to vector<16xf32>
        %parallel_loop3A_1034 = arith.addf %parallel_loop3A_1031, %parallel_loop3A_1033 : vector<16xf32>
        %parallel_loop3A_1035 = arith.mulf %parallel_loop3A_1034, %parallel_loop3A_1034 : vector<16xf32>
        %parallel_loop3A_1036 = arith.addf %parallel_loop3A_1012, %parallel_loop3A_1035 : vector<16xf32>
        %parallel_loop3A_1037 = arith.index_cast %parallel_loop3A_984 : i32 to index
        %parallel_loop3A_1038 = arith.constant 64 : index
        %parallel_loop3A_1039 = tpu.vector_load %arg8[%parallel_loop3A_1037, %parallel_loop3A_1038] {strides = array<i32>} : memref<96x128xf32, #tpu.memory_space<vmem>>, vector<16xf32>,
        %parallel_loop3A_1040 = arith.index_cast %parallel_loop3A_984 : i32 to index
        %parallel_loop3A_1041 = arith.constant 64 : index
        %parallel_loop3A_1042 = tpu.vector_load %arg9[%parallel_loop3A_1040, %parallel_loop3A_1041] {strides = array<i32>} : memref<96x128xf32, #tpu.memory_space<vmem>>, vector<16xf32>,
        %parallel_loop3A_1043 = arith.subf %parallel_loop3A_1039, %parallel_loop3A_1042 : vector<16xf32>
        %parallel_loop3A_1044 = arith.constant 9.99999997E-7 : f32
        %parallel_loop3A_1045 = vector.broadcast %parallel_loop3A_1044 : f32 to vector<16xf32>
        %parallel_loop3A_1046 = arith.addf %parallel_loop3A_1043, %parallel_loop3A_1045 : vector<16xf32>
        %parallel_loop3A_1047 = arith.mulf %parallel_loop3A_1046, %parallel_loop3A_1046 : vector<16xf32>
        %parallel_loop3A_1048 = arith.addf %parallel_loop3A_1024, %parallel_loop3A_1047 : vector<16xf32>
        %parallel_loop3A_1049 = arith.index_cast %parallel_loop3A_984 : i32 to index
        %parallel_loop3A_1050 = arith.constant 80 : index
        %parallel_loop3A_1051 = tpu.vector_load %arg8[%parallel_loop3A_1049, %parallel_loop3A_1050] {strides = array<i32>} : memref<96x128xf32, #tpu.memory_space<vmem>>, vector<16xf32>,
        %parallel_loop3A_1052 = arith.index_cast %parallel_loop3A_984 : i32 to index
        %parallel_loop3A_1053 = arith.constant 80 : index
        %parallel_loop3A_1054 = tpu.vector_load %arg9[%parallel_loop3A_1052, %parallel_loop3A_1053] {strides = array<i32>} : memref<96x128xf32, #tpu.memory_space<vmem>>, vector<16xf32>,
        %parallel_loop3A_1055 = arith.subf %parallel_loop3A_1051, %parallel_loop3A_1054 : vector<16xf32>
        %parallel_loop3A_1056 = arith.constant 9.99999997E-7 : f32
        %parallel_loop3A_1057 = vector.broadcast %parallel_loop3A_1056 : f32 to vector<16xf32>
        %parallel_loop3A_1058 = arith.addf %parallel_loop3A_1055, %parallel_loop3A_1057 : vector<16xf32>
        %parallel_loop3A_1059 = arith.mulf %parallel_loop3A_1058, %parallel_loop3A_1058 : vector<16xf32>
        %parallel_loop3A_1060 = arith.addf %parallel_loop3A_1036, %parallel_loop3A_1059 : vector<16xf32>
        %parallel_loop3A_1061 = arith.index_cast %parallel_loop3A_984 : i32 to index
        %parallel_loop3A_1062 = arith.constant 96 : index
        %parallel_loop3A_1063 = tpu.vector_load %arg8[%parallel_loop3A_1061, %parallel_loop3A_1062] {strides = array<i32>} : memref<96x128xf32, #tpu.memory_space<vmem>>, vector<16xf32>,
        %parallel_loop3A_1064 = arith.index_cast %parallel_loop3A_984 : i32 to index
        %parallel_loop3A_1065 = arith.constant 96 : index
        %parallel_loop3A_1066 = tpu.vector_load %arg9[%parallel_loop3A_1064, %parallel_loop3A_1065] {strides = array<i32>} : memref<96x128xf32, #tpu.memory_space<vmem>>, vector<16xf32>,
        %parallel_loop3A_1067 = arith.subf %parallel_loop3A_1063, %parallel_loop3A_1066 : vector<16xf32>
        %parallel_loop3A_1068 = arith.constant 9.99999997E-7 : f32
        %parallel_loop3A_1069 = vector.broadcast %parallel_loop3A_1068 : f32 to vector<16xf32>
        %parallel_loop3A_1070 = arith.addf %parallel_loop3A_1067, %parallel_loop3A_1069 : vector<16xf32>
        %parallel_loop3A_1071 = arith.mulf %parallel_loop3A_1070, %parallel_loop3A_1070 : vector<16xf32>
        %parallel_loop3A_1072 = arith.addf %parallel_loop3A_1048, %parallel_loop3A_1071 : vector<16xf32>
        %parallel_loop3A_1073 = arith.index_cast %parallel_loop3A_984 : i32 to index
        %parallel_loop3A_1074 = arith.constant 112 : index
        %parallel_loop3A_1075 = tpu.vector_load %arg8[%parallel_loop3A_1073, %parallel_loop3A_1074] {strides = array<i32>} : memref<96x128xf32, #tpu.memory_space<vmem>>, vector<16xf32>,
        %parallel_loop3A_1076 = arith.index_cast %parallel_loop3A_984 : i32 to index
        %parallel_loop3A_1077 = arith.constant 112 : index
        %parallel_loop3A_1078 = tpu.vector_load %arg9[%parallel_loop3A_1076, %parallel_loop3A_1077] {strides = array<i32>} : memref<96x128xf32, #tpu.memory_space<vmem>>, vector<16xf32>,
        %parallel_loop3A_1079 = arith.subf %parallel_loop3A_1075, %parallel_loop3A_1078 : vector<16xf32>
        %parallel_loop3A_1080 = arith.constant 9.99999997E-7 : f32
        %parallel_loop3A_1081 = vector.broadcast %parallel_loop3A_1080 : f32 to vector<16xf32>
        %parallel_loop3A_1082 = arith.addf %parallel_loop3A_1079, %parallel_loop3A_1081 : vector<16xf32>
        %parallel_loop3A_1083 = arith.mulf %parallel_loop3A_1082, %parallel_loop3A_1082 : vector<16xf32>
        %parallel_loop3A_1084 = arith.addf %parallel_loop3A_1060, %parallel_loop3A_1083 : vector<16xf32>
        %parallel_loop3A_1085 = arith.constant 6 : i32
        %parallel_loop3A_1086 = vector.broadcast %parallel_loop3A_1085 : i32 to vector<16xi32>
        %parallel_loop3A_1087 = arith.cmpi eq, %iota3A, %parallel_loop3A_1086 : vector<16xi32>
        %parallel_loop3A_1088 = arith.addf %parallel_loop3A_1072, %parallel_loop3A_1084 : vector<16xf32>
        %parallel_loop3A_1089 = arith.constant true
        %parallel_loop3A_1090 = vector.broadcast %parallel_loop3A_1089 : i1 to vector<16xi1>
        %parallel_loop3A_1091 = tpu.scan <sum>, %parallel_loop3A_1088 masked %parallel_loop3A_1090 : vector<16xf32>, vector<16xi1> -> vector<16xf32>
        %parallel_loop3A_1092 = vector.extract %parallel_loop3A_1091[15] : f32 from vector<16xf32>
        %parallel_loop3A_1093 = vector.broadcast %parallel_loop3A_1092 : f32 to vector<16xf32>
        %parallel_loop3A_1094 = arith.select %parallel_loop3A_1087, %parallel_loop3A_1093, %parallel_loop3A_634 : vector<16xi1>, vector<16xf32>
        %parallel_loop3A_1095 = arith.constant 16 : i32
        %parallel_loop3A_1096 = arith.muli %parallel_loop3A_281, %parallel_loop3A_1095 : i32
        %parallel_loop3A_1097 = arith.addi %mul3A_260, %parallel_loop3A_1096 : i32
        %parallel_loop3A_1098 = arith.constant 7 : i32
        %parallel_loop3A_1099 = arith.addi %parallel_loop3A_1097, %parallel_loop3A_1098 : i32
        %parallel_loop3A_1100 = arith.constant 0.000000e+00 : f32
        %parallel_loop3A_1101 = vector.broadcast %parallel_loop3A_1100 : f32 to vector<16xf32>
        %parallel_loop3A_1102 = arith.constant 0.000000e+00 : f32
        %parallel_loop3A_1103 = vector.broadcast %parallel_loop3A_1102 : f32 to vector<16xf32>
        %parallel_loop3A_1104 = arith.index_cast %parallel_loop3A_1099 : i32 to index
        %parallel_loop3A_1105 = arith.constant 0 : index
        %parallel_loop3A_1106 = tpu.vector_load %arg8[%parallel_loop3A_1104, %parallel_loop3A_1105] {strides = array<i32>} : memref<96x128xf32, #tpu.memory_space<vmem>>, vector<16xf32>,
        %parallel_loop3A_1107 = arith.index_cast %parallel_loop3A_1099 : i32 to index
        %parallel_loop3A_1108 = arith.constant 0 : index
        %parallel_loop3A_1109 = tpu.vector_load %arg9[%parallel_loop3A_1107, %parallel_loop3A_1108] {strides = array<i32>} : memref<96x128xf32, #tpu.memory_space<vmem>>, vector<16xf32>,
        %parallel_loop3A_1110 = arith.subf %parallel_loop3A_1106, %parallel_loop3A_1109 : vector<16xf32>
        %parallel_loop3A_1111 = arith.constant 9.99999997E-7 : f32
        %parallel_loop3A_1112 = vector.broadcast %parallel_loop3A_1111 : f32 to vector<16xf32>
        %parallel_loop3A_1113 = arith.addf %parallel_loop3A_1110, %parallel_loop3A_1112 : vector<16xf32>
        %parallel_loop3A_1114 = arith.mulf %parallel_loop3A_1113, %parallel_loop3A_1113 : vector<16xf32>
        %parallel_loop3A_1115 = arith.addf %parallel_loop3A_1101, %parallel_loop3A_1114 : vector<16xf32>
        %parallel_loop3A_1116 = arith.index_cast %parallel_loop3A_1099 : i32 to index
        %parallel_loop3A_1117 = arith.constant 16 : index
        %parallel_loop3A_1118 = tpu.vector_load %arg8[%parallel_loop3A_1116, %parallel_loop3A_1117] {strides = array<i32>} : memref<96x128xf32, #tpu.memory_space<vmem>>, vector<16xf32>,
        %parallel_loop3A_1119 = arith.index_cast %parallel_loop3A_1099 : i32 to index
        %parallel_loop3A_1120 = arith.constant 16 : index
        %parallel_loop3A_1121 = tpu.vector_load %arg9[%parallel_loop3A_1119, %parallel_loop3A_1120] {strides = array<i32>} : memref<96x128xf32, #tpu.memory_space<vmem>>, vector<16xf32>,
        %parallel_loop3A_1122 = arith.subf %parallel_loop3A_1118, %parallel_loop3A_1121 : vector<16xf32>
        %parallel_loop3A_1123 = arith.constant 9.99999997E-7 : f32
        %parallel_loop3A_1124 = vector.broadcast %parallel_loop3A_1123 : f32 to vector<16xf32>
        %parallel_loop3A_1125 = arith.addf %parallel_loop3A_1122, %parallel_loop3A_1124 : vector<16xf32>
        %parallel_loop3A_1126 = arith.mulf %parallel_loop3A_1125, %parallel_loop3A_1125 : vector<16xf32>
        %parallel_loop3A_1127 = arith.addf %parallel_loop3A_1103, %parallel_loop3A_1126 : vector<16xf32>
        %parallel_loop3A_1128 = arith.index_cast %parallel_loop3A_1099 : i32 to index
        %parallel_loop3A_1129 = arith.constant 32 : index
        %parallel_loop3A_1130 = tpu.vector_load %arg8[%parallel_loop3A_1128, %parallel_loop3A_1129] {strides = array<i32>} : memref<96x128xf32, #tpu.memory_space<vmem>>, vector<16xf32>,
        %parallel_loop3A_1131 = arith.index_cast %parallel_loop3A_1099 : i32 to index
        %parallel_loop3A_1132 = arith.constant 32 : index
        %parallel_loop3A_1133 = tpu.vector_load %arg9[%parallel_loop3A_1131, %parallel_loop3A_1132] {strides = array<i32>} : memref<96x128xf32, #tpu.memory_space<vmem>>, vector<16xf32>,
        %parallel_loop3A_1134 = arith.subf %parallel_loop3A_1130, %parallel_loop3A_1133 : vector<16xf32>
        %parallel_loop3A_1135 = arith.constant 9.99999997E-7 : f32
        %parallel_loop3A_1136 = vector.broadcast %parallel_loop3A_1135 : f32 to vector<16xf32>
        %parallel_loop3A_1137 = arith.addf %parallel_loop3A_1134, %parallel_loop3A_1136 : vector<16xf32>
        %parallel_loop3A_1138 = arith.mulf %parallel_loop3A_1137, %parallel_loop3A_1137 : vector<16xf32>
        %parallel_loop3A_1139 = arith.addf %parallel_loop3A_1115, %parallel_loop3A_1138 : vector<16xf32>
        %parallel_loop3A_1140 = arith.index_cast %parallel_loop3A_1099 : i32 to index
        %parallel_loop3A_1141 = arith.constant 48 : index
        %parallel_loop3A_1142 = tpu.vector_load %arg8[%parallel_loop3A_1140, %parallel_loop3A_1141] {strides = array<i32>} : memref<96x128xf32, #tpu.memory_space<vmem>>, vector<16xf32>,
        %parallel_loop3A_1143 = arith.index_cast %parallel_loop3A_1099 : i32 to index
        %parallel_loop3A_1144 = arith.constant 48 : index
        %parallel_loop3A_1145 = tpu.vector_load %arg9[%parallel_loop3A_1143, %parallel_loop3A_1144] {strides = array<i32>} : memref<96x128xf32, #tpu.memory_space<vmem>>, vector<16xf32>,
        %parallel_loop3A_1146 = arith.subf %parallel_loop3A_1142, %parallel_loop3A_1145 : vector<16xf32>
        %parallel_loop3A_1147 = arith.constant 9.99999997E-7 : f32
        %parallel_loop3A_1148 = vector.broadcast %parallel_loop3A_1147 : f32 to vector<16xf32>
        %parallel_loop3A_1149 = arith.addf %parallel_loop3A_1146, %parallel_loop3A_1148 : vector<16xf32>
        %parallel_loop3A_1150 = arith.mulf %parallel_loop3A_1149, %parallel_loop3A_1149 : vector<16xf32>
        %parallel_loop3A_1151 = arith.addf %parallel_loop3A_1127, %parallel_loop3A_1150 : vector<16xf32>
        %parallel_loop3A_1152 = arith.index_cast %parallel_loop3A_1099 : i32 to index
        %parallel_loop3A_1153 = arith.constant 64 : index
        %parallel_loop3A_1154 = tpu.vector_load %arg8[%parallel_loop3A_1152, %parallel_loop3A_1153] {strides = array<i32>} : memref<96x128xf32, #tpu.memory_space<vmem>>, vector<16xf32>,
        %parallel_loop3A_1155 = arith.index_cast %parallel_loop3A_1099 : i32 to index
        %parallel_loop3A_1156 = arith.constant 64 : index
        %parallel_loop3A_1157 = tpu.vector_load %arg9[%parallel_loop3A_1155, %parallel_loop3A_1156] {strides = array<i32>} : memref<96x128xf32, #tpu.memory_space<vmem>>, vector<16xf32>,
        %parallel_loop3A_1158 = arith.subf %parallel_loop3A_1154, %parallel_loop3A_1157 : vector<16xf32>
        %parallel_loop3A_1159 = arith.constant 9.99999997E-7 : f32
        %parallel_loop3A_1160 = vector.broadcast %parallel_loop3A_1159 : f32 to vector<16xf32>
        %parallel_loop3A_1161 = arith.addf %parallel_loop3A_1158, %parallel_loop3A_1160 : vector<16xf32>
        %parallel_loop3A_1162 = arith.mulf %parallel_loop3A_1161, %parallel_loop3A_1161 : vector<16xf32>
        %parallel_loop3A_1163 = arith.addf %parallel_loop3A_1139, %parallel_loop3A_1162 : vector<16xf32>
        %parallel_loop3A_1164 = arith.index_cast %parallel_loop3A_1099 : i32 to index
        %parallel_loop3A_1165 = arith.constant 80 : index
        %parallel_loop3A_1166 = tpu.vector_load %arg8[%parallel_loop3A_1164, %parallel_loop3A_1165] {strides = array<i32>} : memref<96x128xf32, #tpu.memory_space<vmem>>, vector<16xf32>,
        %parallel_loop3A_1167 = arith.index_cast %parallel_loop3A_1099 : i32 to index
        %parallel_loop3A_1168 = arith.constant 80 : index
        %parallel_loop3A_1169 = tpu.vector_load %arg9[%parallel_loop3A_1167, %parallel_loop3A_1168] {strides = array<i32>} : memref<96x128xf32, #tpu.memory_space<vmem>>, vector<16xf32>,
        %parallel_loop3A_1170 = arith.subf %parallel_loop3A_1166, %parallel_loop3A_1169 : vector<16xf32>
        %parallel_loop3A_1171 = arith.constant 9.99999997E-7 : f32
        %parallel_loop3A_1172 = vector.broadcast %parallel_loop3A_1171 : f32 to vector<16xf32>
        %parallel_loop3A_1173 = arith.addf %parallel_loop3A_1170, %parallel_loop3A_1172 : vector<16xf32>
        %parallel_loop3A_1174 = arith.mulf %parallel_loop3A_1173, %parallel_loop3A_1173 : vector<16xf32>
        %parallel_loop3A_1175 = arith.addf %parallel_loop3A_1151, %parallel_loop3A_1174 : vector<16xf32>
        %parallel_loop3A_1176 = arith.index_cast %parallel_loop3A_1099 : i32 to index
        %parallel_loop3A_1177 = arith.constant 96 : index
        %parallel_loop3A_1178 = tpu.vector_load %arg8[%parallel_loop3A_1176, %parallel_loop3A_1177] {strides = array<i32>} : memref<96x128xf32, #tpu.memory_space<vmem>>, vector<16xf32>,
        %parallel_loop3A_1179 = arith.index_cast %parallel_loop3A_1099 : i32 to index
        %parallel_loop3A_1180 = arith.constant 96 : index
        %parallel_loop3A_1181 = tpu.vector_load %arg9[%parallel_loop3A_1179, %parallel_loop3A_1180] {strides = array<i32>} : memref<96x128xf32, #tpu.memory_space<vmem>>, vector<16xf32>,
        %parallel_loop3A_1182 = arith.subf %parallel_loop3A_1178, %parallel_loop3A_1181 : vector<16xf32>
        %parallel_loop3A_1183 = arith.constant 9.99999997E-7 : f32
        %parallel_loop3A_1184 = vector.broadcast %parallel_loop3A_1183 : f32 to vector<16xf32>
        %parallel_loop3A_1185 = arith.addf %parallel_loop3A_1182, %parallel_loop3A_1184 : vector<16xf32>
        %parallel_loop3A_1186 = arith.mulf %parallel_loop3A_1185, %parallel_loop3A_1185 : vector<16xf32>
        %parallel_loop3A_1187 = arith.addf %parallel_loop3A_1163, %parallel_loop3A_1186 : vector<16xf32>
        %parallel_loop3A_1188 = arith.index_cast %parallel_loop3A_1099 : i32 to index
        %parallel_loop3A_1189 = arith.constant 112 : index
        %parallel_loop3A_1190 = tpu.vector_load %arg8[%parallel_loop3A_1188, %parallel_loop3A_1189] {strides = array<i32>} : memref<96x128xf32, #tpu.memory_space<vmem>>, vector<16xf32>,
        %parallel_loop3A_1191 = arith.index_cast %parallel_loop3A_1099 : i32 to index
        %parallel_loop3A_1192 = arith.constant 112 : index
        %parallel_loop3A_1193 = tpu.vector_load %arg9[%parallel_loop3A_1191, %parallel_loop3A_1192] {strides = array<i32>} : memref<96x128xf32, #tpu.memory_space<vmem>>, vector<16xf32>,
        %parallel_loop3A_1194 = arith.subf %parallel_loop3A_1190, %parallel_loop3A_1193 : vector<16xf32>
        %parallel_loop3A_1195 = arith.constant 9.99999997E-7 : f32
        %parallel_loop3A_1196 = vector.broadcast %parallel_loop3A_1195 : f32 to vector<16xf32>
        %parallel_loop3A_1197 = arith.addf %parallel_loop3A_1194, %parallel_loop3A_1196 : vector<16xf32>
        %parallel_loop3A_1198 = arith.mulf %parallel_loop3A_1197, %parallel_loop3A_1197 : vector<16xf32>
        %parallel_loop3A_1199 = arith.addf %parallel_loop3A_1175, %parallel_loop3A_1198 : vector<16xf32>
        %parallel_loop3A_1200 = arith.constant 7 : i32
        %parallel_loop3A_1201 = vector.broadcast %parallel_loop3A_1200 : i32 to vector<16xi32>
        %parallel_loop3A_1202 = arith.cmpi eq, %iota3A, %parallel_loop3A_1201 : vector<16xi32>
        %parallel_loop3A_1203 = arith.addf %parallel_loop3A_1187, %parallel_loop3A_1199 : vector<16xf32>
        %parallel_loop3A_1204 = arith.constant true
        %parallel_loop3A_1205 = vector.broadcast %parallel_loop3A_1204 : i1 to vector<16xi1>
        %parallel_loop3A_1206 = tpu.scan <sum>, %parallel_loop3A_1203 masked %parallel_loop3A_1205 : vector<16xf32>, vector<16xi1> -> vector<16xf32>
        %parallel_loop3A_1207 = vector.extract %parallel_loop3A_1206[15] : f32 from vector<16xf32>
        %parallel_loop3A_1208 = vector.broadcast %parallel_loop3A_1207 : f32 to vector<16xf32>
        %parallel_loop3A_1209 = arith.select %parallel_loop3A_1202, %parallel_loop3A_1208, %parallel_loop3A_749 : vector<16xi1>, vector<16xf32>
        %parallel_loop3A_1210 = arith.constant 16 : i32
        %parallel_loop3A_1211 = arith.muli %parallel_loop3A_281, %parallel_loop3A_1210 : i32
        %parallel_loop3A_1212 = arith.addi %mul3A_260, %parallel_loop3A_1211 : i32
        %parallel_loop3A_1213 = arith.constant 8 : i32
        %parallel_loop3A_1214 = arith.addi %parallel_loop3A_1212, %parallel_loop3A_1213 : i32
        %parallel_loop3A_1215 = arith.constant 0.000000e+00 : f32
        %parallel_loop3A_1216 = vector.broadcast %parallel_loop3A_1215 : f32 to vector<16xf32>
        %parallel_loop3A_1217 = arith.constant 0.000000e+00 : f32
        %parallel_loop3A_1218 = vector.broadcast %parallel_loop3A_1217 : f32 to vector<16xf32>
        %parallel_loop3A_1219 = arith.index_cast %parallel_loop3A_1214 : i32 to index
        %parallel_loop3A_1220 = arith.constant 0 : index
        %parallel_loop3A_1221 = tpu.vector_load %arg8[%parallel_loop3A_1219, %parallel_loop3A_1220] {strides = array<i32>} : memref<96x128xf32, #tpu.memory_space<vmem>>, vector<16xf32>,
        %parallel_loop3A_1222 = arith.index_cast %parallel_loop3A_1214 : i32 to index
        %parallel_loop3A_1223 = arith.constant 0 : index
        %parallel_loop3A_1224 = tpu.vector_load %arg9[%parallel_loop3A_1222, %parallel_loop3A_1223] {strides = array<i32>} : memref<96x128xf32, #tpu.memory_space<vmem>>, vector<16xf32>,
        %parallel_loop3A_1225 = arith.subf %parallel_loop3A_1221, %parallel_loop3A_1224 : vector<16xf32>
        %parallel_loop3A_1226 = arith.constant 9.99999997E-7 : f32
        %parallel_loop3A_1227 = vector.broadcast %parallel_loop3A_1226 : f32 to vector<16xf32>
        %parallel_loop3A_1228 = arith.addf %parallel_loop3A_1225, %parallel_loop3A_1227 : vector<16xf32>
        %parallel_loop3A_1229 = arith.mulf %parallel_loop3A_1228, %parallel_loop3A_1228 : vector<16xf32>
        %parallel_loop3A_1230 = arith.addf %parallel_loop3A_1216, %parallel_loop3A_1229 : vector<16xf32>
        %parallel_loop3A_1231 = arith.index_cast %parallel_loop3A_1214 : i32 to index
        %parallel_loop3A_1232 = arith.constant 16 : index
        %parallel_loop3A_1233 = tpu.vector_load %arg8[%parallel_loop3A_1231, %parallel_loop3A_1232] {strides = array<i32>} : memref<96x128xf32, #tpu.memory_space<vmem>>, vector<16xf32>,
        %parallel_loop3A_1234 = arith.index_cast %parallel_loop3A_1214 : i32 to index
        %parallel_loop3A_1235 = arith.constant 16 : index
        %parallel_loop3A_1236 = tpu.vector_load %arg9[%parallel_loop3A_1234, %parallel_loop3A_1235] {strides = array<i32>} : memref<96x128xf32, #tpu.memory_space<vmem>>, vector<16xf32>,
        %parallel_loop3A_1237 = arith.subf %parallel_loop3A_1233, %parallel_loop3A_1236 : vector<16xf32>
        %parallel_loop3A_1238 = arith.constant 9.99999997E-7 : f32
        %parallel_loop3A_1239 = vector.broadcast %parallel_loop3A_1238 : f32 to vector<16xf32>
        %parallel_loop3A_1240 = arith.addf %parallel_loop3A_1237, %parallel_loop3A_1239 : vector<16xf32>
        %parallel_loop3A_1241 = arith.mulf %parallel_loop3A_1240, %parallel_loop3A_1240 : vector<16xf32>
        %parallel_loop3A_1242 = arith.addf %parallel_loop3A_1218, %parallel_loop3A_1241 : vector<16xf32>
        %parallel_loop3A_1243 = arith.index_cast %parallel_loop3A_1214 : i32 to index
        %parallel_loop3A_1244 = arith.constant 32 : index
        %parallel_loop3A_1245 = tpu.vector_load %arg8[%parallel_loop3A_1243, %parallel_loop3A_1244] {strides = array<i32>} : memref<96x128xf32, #tpu.memory_space<vmem>>, vector<16xf32>,
        %parallel_loop3A_1246 = arith.index_cast %parallel_loop3A_1214 : i32 to index
        %parallel_loop3A_1247 = arith.constant 32 : index
        %parallel_loop3A_1248 = tpu.vector_load %arg9[%parallel_loop3A_1246, %parallel_loop3A_1247] {strides = array<i32>} : memref<96x128xf32, #tpu.memory_space<vmem>>, vector<16xf32>,
        %parallel_loop3A_1249 = arith.subf %parallel_loop3A_1245, %parallel_loop3A_1248 : vector<16xf32>
        %parallel_loop3A_1250 = arith.constant 9.99999997E-7 : f32
        %parallel_loop3A_1251 = vector.broadcast %parallel_loop3A_1250 : f32 to vector<16xf32>
        %parallel_loop3A_1252 = arith.addf %parallel_loop3A_1249, %parallel_loop3A_1251 : vector<16xf32>
        %parallel_loop3A_1253 = arith.mulf %parallel_loop3A_1252, %parallel_loop3A_1252 : vector<16xf32>
        %parallel_loop3A_1254 = arith.addf %parallel_loop3A_1230, %parallel_loop3A_1253 : vector<16xf32>
        %parallel_loop3A_1255 = arith.index_cast %parallel_loop3A_1214 : i32 to index
        %parallel_loop3A_1256 = arith.constant 48 : index
        %parallel_loop3A_1257 = tpu.vector_load %arg8[%parallel_loop3A_1255, %parallel_loop3A_1256] {strides = array<i32>} : memref<96x128xf32, #tpu.memory_space<vmem>>, vector<16xf32>,
        %parallel_loop3A_1258 = arith.index_cast %parallel_loop3A_1214 : i32 to index
        %parallel_loop3A_1259 = arith.constant 48 : index
        %parallel_loop3A_1260 = tpu.vector_load %arg9[%parallel_loop3A_1258, %parallel_loop3A_1259] {strides = array<i32>} : memref<96x128xf32, #tpu.memory_space<vmem>>, vector<16xf32>,
        %parallel_loop3A_1261 = arith.subf %parallel_loop3A_1257, %parallel_loop3A_1260 : vector<16xf32>
        %parallel_loop3A_1262 = arith.constant 9.99999997E-7 : f32
        %parallel_loop3A_1263 = vector.broadcast %parallel_loop3A_1262 : f32 to vector<16xf32>
        %parallel_loop3A_1264 = arith.addf %parallel_loop3A_1261, %parallel_loop3A_1263 : vector<16xf32>
        %parallel_loop3A_1265 = arith.mulf %parallel_loop3A_1264, %parallel_loop3A_1264 : vector<16xf32>
        %parallel_loop3A_1266 = arith.addf %parallel_loop3A_1242, %parallel_loop3A_1265 : vector<16xf32>
        %parallel_loop3A_1267 = arith.index_cast %parallel_loop3A_1214 : i32 to index
        %parallel_loop3A_1268 = arith.constant 64 : index
        %parallel_loop3A_1269 = tpu.vector_load %arg8[%parallel_loop3A_1267, %parallel_loop3A_1268] {strides = array<i32>} : memref<96x128xf32, #tpu.memory_space<vmem>>, vector<16xf32>,
        %parallel_loop3A_1270 = arith.index_cast %parallel_loop3A_1214 : i32 to index
        %parallel_loop3A_1271 = arith.constant 64 : index
        %parallel_loop3A_1272 = tpu.vector_load %arg9[%parallel_loop3A_1270, %parallel_loop3A_1271] {strides = array<i32>} : memref<96x128xf32, #tpu.memory_space<vmem>>, vector<16xf32>,
        %parallel_loop3A_1273 = arith.subf %parallel_loop3A_1269, %parallel_loop3A_1272 : vector<16xf32>
        %parallel_loop3A_1274 = arith.constant 9.99999997E-7 : f32
        %parallel_loop3A_1275 = vector.broadcast %parallel_loop3A_1274 : f32 to vector<16xf32>
        %parallel_loop3A_1276 = arith.addf %parallel_loop3A_1273, %parallel_loop3A_1275 : vector<16xf32>
        %parallel_loop3A_1277 = arith.mulf %parallel_loop3A_1276, %parallel_loop3A_1276 : vector<16xf32>
        %parallel_loop3A_1278 = arith.addf %parallel_loop3A_1254, %parallel_loop3A_1277 : vector<16xf32>
        %parallel_loop3A_1279 = arith.index_cast %parallel_loop3A_1214 : i32 to index
        %parallel_loop3A_1280 = arith.constant 80 : index
        %parallel_loop3A_1281 = tpu.vector_load %arg8[%parallel_loop3A_1279, %parallel_loop3A_1280] {strides = array<i32>} : memref<96x128xf32, #tpu.memory_space<vmem>>, vector<16xf32>,
        %parallel_loop3A_1282 = arith.index_cast %parallel_loop3A_1214 : i32 to index
        %parallel_loop3A_1283 = arith.constant 80 : index
        %parallel_loop3A_1284 = tpu.vector_load %arg9[%parallel_loop3A_1282, %parallel_loop3A_1283] {strides = array<i32>} : memref<96x128xf32, #tpu.memory_space<vmem>>, vector<16xf32>,
        %parallel_loop3A_1285 = arith.subf %parallel_loop3A_1281, %parallel_loop3A_1284 : vector<16xf32>
        %parallel_loop3A_1286 = arith.constant 9.99999997E-7 : f32
        %parallel_loop3A_1287 = vector.broadcast %parallel_loop3A_1286 : f32 to vector<16xf32>
        %parallel_loop3A_1288 = arith.addf %parallel_loop3A_1285, %parallel_loop3A_1287 : vector<16xf32>
        %parallel_loop3A_1289 = arith.mulf %parallel_loop3A_1288, %parallel_loop3A_1288 : vector<16xf32>
        %parallel_loop3A_1290 = arith.addf %parallel_loop3A_1266, %parallel_loop3A_1289 : vector<16xf32>
        %parallel_loop3A_1291 = arith.index_cast %parallel_loop3A_1214 : i32 to index
        %parallel_loop3A_1292 = arith.constant 96 : index
        %parallel_loop3A_1293 = tpu.vector_load %arg8[%parallel_loop3A_1291, %parallel_loop3A_1292] {strides = array<i32>} : memref<96x128xf32, #tpu.memory_space<vmem>>, vector<16xf32>,
        %parallel_loop3A_1294 = arith.index_cast %parallel_loop3A_1214 : i32 to index
        %parallel_loop3A_1295 = arith.constant 96 : index
        %parallel_loop3A_1296 = tpu.vector_load %arg9[%parallel_loop3A_1294, %parallel_loop3A_1295] {strides = array<i32>} : memref<96x128xf32, #tpu.memory_space<vmem>>, vector<16xf32>,
        %parallel_loop3A_1297 = arith.subf %parallel_loop3A_1293, %parallel_loop3A_1296 : vector<16xf32>
        %parallel_loop3A_1298 = arith.constant 9.99999997E-7 : f32
        %parallel_loop3A_1299 = vector.broadcast %parallel_loop3A_1298 : f32 to vector<16xf32>
        %parallel_loop3A_1300 = arith.addf %parallel_loop3A_1297, %parallel_loop3A_1299 : vector<16xf32>
        %parallel_loop3A_1301 = arith.mulf %parallel_loop3A_1300, %parallel_loop3A_1300 : vector<16xf32>
        %parallel_loop3A_1302 = arith.addf %parallel_loop3A_1278, %parallel_loop3A_1301 : vector<16xf32>
        %parallel_loop3A_1303 = arith.index_cast %parallel_loop3A_1214 : i32 to index
        %parallel_loop3A_1304 = arith.constant 112 : index
        %parallel_loop3A_1305 = tpu.vector_load %arg8[%parallel_loop3A_1303, %parallel_loop3A_1304] {strides = array<i32>} : memref<96x128xf32, #tpu.memory_space<vmem>>, vector<16xf32>,
        %parallel_loop3A_1306 = arith.index_cast %parallel_loop3A_1214 : i32 to index
        %parallel_loop3A_1307 = arith.constant 112 : index
        %parallel_loop3A_1308 = tpu.vector_load %arg9[%parallel_loop3A_1306, %parallel_loop3A_1307] {strides = array<i32>} : memref<96x128xf32, #tpu.memory_space<vmem>>, vector<16xf32>,
        %parallel_loop3A_1309 = arith.subf %parallel_loop3A_1305, %parallel_loop3A_1308 : vector<16xf32>
        %parallel_loop3A_1310 = arith.constant 9.99999997E-7 : f32
        %parallel_loop3A_1311 = vector.broadcast %parallel_loop3A_1310 : f32 to vector<16xf32>
        %parallel_loop3A_1312 = arith.addf %parallel_loop3A_1309, %parallel_loop3A_1311 : vector<16xf32>
        %parallel_loop3A_1313 = arith.mulf %parallel_loop3A_1312, %parallel_loop3A_1312 : vector<16xf32>
        %parallel_loop3A_1314 = arith.addf %parallel_loop3A_1290, %parallel_loop3A_1313 : vector<16xf32>
        %parallel_loop3A_1315 = arith.constant 8 : i32
        %parallel_loop3A_1316 = vector.broadcast %parallel_loop3A_1315 : i32 to vector<16xi32>
        %parallel_loop3A_1317 = arith.cmpi eq, %iota3A, %parallel_loop3A_1316 : vector<16xi32>
        %parallel_loop3A_1318 = arith.addf %parallel_loop3A_1302, %parallel_loop3A_1314 : vector<16xf32>
        %parallel_loop3A_1319 = arith.constant true
        %parallel_loop3A_1320 = vector.broadcast %parallel_loop3A_1319 : i1 to vector<16xi1>
        %parallel_loop3A_1321 = tpu.scan <sum>, %parallel_loop3A_1318 masked %parallel_loop3A_1320 : vector<16xf32>, vector<16xi1> -> vector<16xf32>
        %parallel_loop3A_1322 = vector.extract %parallel_loop3A_1321[15] : f32 from vector<16xf32>
        %parallel_loop3A_1323 = vector.broadcast %parallel_loop3A_1322 : f32 to vector<16xf32>
        %parallel_loop3A_1324 = arith.select %parallel_loop3A_1317, %parallel_loop3A_1323, %parallel_loop3A_864 : vector<16xi1>, vector<16xf32>
        %parallel_loop3A_1325 = arith.constant 16 : i32
        %parallel_loop3A_1326 = arith.muli %parallel_loop3A_281, %parallel_loop3A_1325 : i32
        %parallel_loop3A_1327 = arith.addi %mul3A_260, %parallel_loop3A_1326 : i32
        %parallel_loop3A_1328 = arith.constant 9 : i32
        %parallel_loop3A_1329 = arith.addi %parallel_loop3A_1327, %parallel_loop3A_1328 : i32
        %parallel_loop3A_1330 = arith.constant 0.000000e+00 : f32
        %parallel_loop3A_1331 = vector.broadcast %parallel_loop3A_1330 : f32 to vector<16xf32>
        %parallel_loop3A_1332 = arith.constant 0.000000e+00 : f32
        %parallel_loop3A_1333 = vector.broadcast %parallel_loop3A_1332 : f32 to vector<16xf32>
        %parallel_loop3A_1334 = arith.index_cast %parallel_loop3A_1329 : i32 to index
        %parallel_loop3A_1335 = arith.constant 0 : index
        %parallel_loop3A_1336 = tpu.vector_load %arg8[%parallel_loop3A_1334, %parallel_loop3A_1335] {strides = array<i32>} : memref<96x128xf32, #tpu.memory_space<vmem>>, vector<16xf32>,
        %parallel_loop3A_1337 = arith.index_cast %parallel_loop3A_1329 : i32 to index
        %parallel_loop3A_1338 = arith.constant 0 : index
        %parallel_loop3A_1339 = tpu.vector_load %arg9[%parallel_loop3A_1337, %parallel_loop3A_1338] {strides = array<i32>} : memref<96x128xf32, #tpu.memory_space<vmem>>, vector<16xf32>,
        %parallel_loop3A_1340 = arith.subf %parallel_loop3A_1336, %parallel_loop3A_1339 : vector<16xf32>
        %parallel_loop3A_1341 = arith.constant 9.99999997E-7 : f32
        %parallel_loop3A_1342 = vector.broadcast %parallel_loop3A_1341 : f32 to vector<16xf32>
        %parallel_loop3A_1343 = arith.addf %parallel_loop3A_1340, %parallel_loop3A_1342 : vector<16xf32>
        %parallel_loop3A_1344 = arith.mulf %parallel_loop3A_1343, %parallel_loop3A_1343 : vector<16xf32>
        %parallel_loop3A_1345 = arith.addf %parallel_loop3A_1331, %parallel_loop3A_1344 : vector<16xf32>
        %parallel_loop3A_1346 = arith.index_cast %parallel_loop3A_1329 : i32 to index
        %parallel_loop3A_1347 = arith.constant 16 : index
        %parallel_loop3A_1348 = tpu.vector_load %arg8[%parallel_loop3A_1346, %parallel_loop3A_1347] {strides = array<i32>} : memref<96x128xf32, #tpu.memory_space<vmem>>, vector<16xf32>,
        %parallel_loop3A_1349 = arith.index_cast %parallel_loop3A_1329 : i32 to index
        %parallel_loop3A_1350 = arith.constant 16 : index
        %parallel_loop3A_1351 = tpu.vector_load %arg9[%parallel_loop3A_1349, %parallel_loop3A_1350] {strides = array<i32>} : memref<96x128xf32, #tpu.memory_space<vmem>>, vector<16xf32>,
        %parallel_loop3A_1352 = arith.subf %parallel_loop3A_1348, %parallel_loop3A_1351 : vector<16xf32>
        %parallel_loop3A_1353 = arith.constant 9.99999997E-7 : f32
        %parallel_loop3A_1354 = vector.broadcast %parallel_loop3A_1353 : f32 to vector<16xf32>
        %parallel_loop3A_1355 = arith.addf %parallel_loop3A_1352, %parallel_loop3A_1354 : vector<16xf32>
        %parallel_loop3A_1356 = arith.mulf %parallel_loop3A_1355, %parallel_loop3A_1355 : vector<16xf32>
        %parallel_loop3A_1357 = arith.addf %parallel_loop3A_1333, %parallel_loop3A_1356 : vector<16xf32>
        %parallel_loop3A_1358 = arith.index_cast %parallel_loop3A_1329 : i32 to index
        %parallel_loop3A_1359 = arith.constant 32 : index
        %parallel_loop3A_1360 = tpu.vector_load %arg8[%parallel_loop3A_1358, %parallel_loop3A_1359] {strides = array<i32>} : memref<96x128xf32, #tpu.memory_space<vmem>>, vector<16xf32>,
        %parallel_loop3A_1361 = arith.index_cast %parallel_loop3A_1329 : i32 to index
        %parallel_loop3A_1362 = arith.constant 32 : index
        %parallel_loop3A_1363 = tpu.vector_load %arg9[%parallel_loop3A_1361, %parallel_loop3A_1362] {strides = array<i32>} : memref<96x128xf32, #tpu.memory_space<vmem>>, vector<16xf32>,
        %parallel_loop3A_1364 = arith.subf %parallel_loop3A_1360, %parallel_loop3A_1363 : vector<16xf32>
        %parallel_loop3A_1365 = arith.constant 9.99999997E-7 : f32
        %parallel_loop3A_1366 = vector.broadcast %parallel_loop3A_1365 : f32 to vector<16xf32>
        %parallel_loop3A_1367 = arith.addf %parallel_loop3A_1364, %parallel_loop3A_1366 : vector<16xf32>
        %parallel_loop3A_1368 = arith.mulf %parallel_loop3A_1367, %parallel_loop3A_1367 : vector<16xf32>
        %parallel_loop3A_1369 = arith.addf %parallel_loop3A_1345, %parallel_loop3A_1368 : vector<16xf32>
        %parallel_loop3A_1370 = arith.index_cast %parallel_loop3A_1329 : i32 to index
        %parallel_loop3A_1371 = arith.constant 48 : index
        %parallel_loop3A_1372 = tpu.vector_load %arg8[%parallel_loop3A_1370, %parallel_loop3A_1371] {strides = array<i32>} : memref<96x128xf32, #tpu.memory_space<vmem>>, vector<16xf32>,
        %parallel_loop3A_1373 = arith.index_cast %parallel_loop3A_1329 : i32 to index
        %parallel_loop3A_1374 = arith.constant 48 : index
        %parallel_loop3A_1375 = tpu.vector_load %arg9[%parallel_loop3A_1373, %parallel_loop3A_1374] {strides = array<i32>} : memref<96x128xf32, #tpu.memory_space<vmem>>, vector<16xf32>,
        %parallel_loop3A_1376 = arith.subf %parallel_loop3A_1372, %parallel_loop3A_1375 : vector<16xf32>
        %parallel_loop3A_1377 = arith.constant 9.99999997E-7 : f32
        %parallel_loop3A_1378 = vector.broadcast %parallel_loop3A_1377 : f32 to vector<16xf32>
        %parallel_loop3A_1379 = arith.addf %parallel_loop3A_1376, %parallel_loop3A_1378 : vector<16xf32>
        %parallel_loop3A_1380 = arith.mulf %parallel_loop3A_1379, %parallel_loop3A_1379 : vector<16xf32>
        %parallel_loop3A_1381 = arith.addf %parallel_loop3A_1357, %parallel_loop3A_1380 : vector<16xf32>
        %parallel_loop3A_1382 = arith.index_cast %parallel_loop3A_1329 : i32 to index
        %parallel_loop3A_1383 = arith.constant 64 : index
        %parallel_loop3A_1384 = tpu.vector_load %arg8[%parallel_loop3A_1382, %parallel_loop3A_1383] {strides = array<i32>} : memref<96x128xf32, #tpu.memory_space<vmem>>, vector<16xf32>,
        %parallel_loop3A_1385 = arith.index_cast %parallel_loop3A_1329 : i32 to index
        %parallel_loop3A_1386 = arith.constant 64 : index
        %parallel_loop3A_1387 = tpu.vector_load %arg9[%parallel_loop3A_1385, %parallel_loop3A_1386] {strides = array<i32>} : memref<96x128xf32, #tpu.memory_space<vmem>>, vector<16xf32>,
        %parallel_loop3A_1388 = arith.subf %parallel_loop3A_1384, %parallel_loop3A_1387 : vector<16xf32>
        %parallel_loop3A_1389 = arith.constant 9.99999997E-7 : f32
        %parallel_loop3A_1390 = vector.broadcast %parallel_loop3A_1389 : f32 to vector<16xf32>
        %parallel_loop3A_1391 = arith.addf %parallel_loop3A_1388, %parallel_loop3A_1390 : vector<16xf32>
        %parallel_loop3A_1392 = arith.mulf %parallel_loop3A_1391, %parallel_loop3A_1391 : vector<16xf32>
        %parallel_loop3A_1393 = arith.addf %parallel_loop3A_1369, %parallel_loop3A_1392 : vector<16xf32>
        %parallel_loop3A_1394 = arith.index_cast %parallel_loop3A_1329 : i32 to index
        %parallel_loop3A_1395 = arith.constant 80 : index
        %parallel_loop3A_1396 = tpu.vector_load %arg8[%parallel_loop3A_1394, %parallel_loop3A_1395] {strides = array<i32>} : memref<96x128xf32, #tpu.memory_space<vmem>>, vector<16xf32>,
        %parallel_loop3A_1397 = arith.index_cast %parallel_loop3A_1329 : i32 to index
        %parallel_loop3A_1398 = arith.constant 80 : index
        %parallel_loop3A_1399 = tpu.vector_load %arg9[%parallel_loop3A_1397, %parallel_loop3A_1398] {strides = array<i32>} : memref<96x128xf32, #tpu.memory_space<vmem>>, vector<16xf32>,
        %parallel_loop3A_1400 = arith.subf %parallel_loop3A_1396, %parallel_loop3A_1399 : vector<16xf32>
        %parallel_loop3A_1401 = arith.constant 9.99999997E-7 : f32
        %parallel_loop3A_1402 = vector.broadcast %parallel_loop3A_1401 : f32 to vector<16xf32>
        %parallel_loop3A_1403 = arith.addf %parallel_loop3A_1400, %parallel_loop3A_1402 : vector<16xf32>
        %parallel_loop3A_1404 = arith.mulf %parallel_loop3A_1403, %parallel_loop3A_1403 : vector<16xf32>
        %parallel_loop3A_1405 = arith.addf %parallel_loop3A_1381, %parallel_loop3A_1404 : vector<16xf32>
        %parallel_loop3A_1406 = arith.index_cast %parallel_loop3A_1329 : i32 to index
        %parallel_loop3A_1407 = arith.constant 96 : index
        %parallel_loop3A_1408 = tpu.vector_load %arg8[%parallel_loop3A_1406, %parallel_loop3A_1407] {strides = array<i32>} : memref<96x128xf32, #tpu.memory_space<vmem>>, vector<16xf32>,
        %parallel_loop3A_1409 = arith.index_cast %parallel_loop3A_1329 : i32 to index
        %parallel_loop3A_1410 = arith.constant 96 : index
        %parallel_loop3A_1411 = tpu.vector_load %arg9[%parallel_loop3A_1409, %parallel_loop3A_1410] {strides = array<i32>} : memref<96x128xf32, #tpu.memory_space<vmem>>, vector<16xf32>,
        %parallel_loop3A_1412 = arith.subf %parallel_loop3A_1408, %parallel_loop3A_1411 : vector<16xf32>
        %parallel_loop3A_1413 = arith.constant 9.99999997E-7 : f32
        %parallel_loop3A_1414 = vector.broadcast %parallel_loop3A_1413 : f32 to vector<16xf32>
        %parallel_loop3A_1415 = arith.addf %parallel_loop3A_1412, %parallel_loop3A_1414 : vector<16xf32>
        %parallel_loop3A_1416 = arith.mulf %parallel_loop3A_1415, %parallel_loop3A_1415 : vector<16xf32>
        %parallel_loop3A_1417 = arith.addf %parallel_loop3A_1393, %parallel_loop3A_1416 : vector<16xf32>
        %parallel_loop3A_1418 = arith.index_cast %parallel_loop3A_1329 : i32 to index
        %parallel_loop3A_1419 = arith.constant 112 : index
        %parallel_loop3A_1420 = tpu.vector_load %arg8[%parallel_loop3A_1418, %parallel_loop3A_1419] {strides = array<i32>} : memref<96x128xf32, #tpu.memory_space<vmem>>, vector<16xf32>,
        %parallel_loop3A_1421 = arith.index_cast %parallel_loop3A_1329 : i32 to index
        %parallel_loop3A_1422 = arith.constant 112 : index
        %parallel_loop3A_1423 = tpu.vector_load %arg9[%parallel_loop3A_1421, %parallel_loop3A_1422] {strides = array<i32>} : memref<96x128xf32, #tpu.memory_space<vmem>>, vector<16xf32>,
        %parallel_loop3A_1424 = arith.subf %parallel_loop3A_1420, %parallel_loop3A_1423 : vector<16xf32>
        %parallel_loop3A_1425 = arith.constant 9.99999997E-7 : f32
        %parallel_loop3A_1426 = vector.broadcast %parallel_loop3A_1425 : f32 to vector<16xf32>
        %parallel_loop3A_1427 = arith.addf %parallel_loop3A_1424, %parallel_loop3A_1426 : vector<16xf32>
        %parallel_loop3A_1428 = arith.mulf %parallel_loop3A_1427, %parallel_loop3A_1427 : vector<16xf32>
        %parallel_loop3A_1429 = arith.addf %parallel_loop3A_1405, %parallel_loop3A_1428 : vector<16xf32>
        %parallel_loop3A_1430 = arith.constant 9 : i32
        %parallel_loop3A_1431 = vector.broadcast %parallel_loop3A_1430 : i32 to vector<16xi32>
        %parallel_loop3A_1432 = arith.cmpi eq, %iota3A, %parallel_loop3A_1431 : vector<16xi32>
        %parallel_loop3A_1433 = arith.addf %parallel_loop3A_1417, %parallel_loop3A_1429 : vector<16xf32>
        %parallel_loop3A_1434 = arith.constant true
        %parallel_loop3A_1435 = vector.broadcast %parallel_loop3A_1434 : i1 to vector<16xi1>
        %parallel_loop3A_1436 = tpu.scan <sum>, %parallel_loop3A_1433 masked %parallel_loop3A_1435 : vector<16xf32>, vector<16xi1> -> vector<16xf32>
        %parallel_loop3A_1437 = vector.extract %parallel_loop3A_1436[15] : f32 from vector<16xf32>
        %parallel_loop3A_1438 = vector.broadcast %parallel_loop3A_1437 : f32 to vector<16xf32>
        %parallel_loop3A_1439 = arith.select %parallel_loop3A_1432, %parallel_loop3A_1438, %parallel_loop3A_979 : vector<16xi1>, vector<16xf32>
        %parallel_loop3A_1440 = arith.constant 16 : i32
        %parallel_loop3A_1441 = arith.muli %parallel_loop3A_281, %parallel_loop3A_1440 : i32
        %parallel_loop3A_1442 = arith.addi %mul3A_260, %parallel_loop3A_1441 : i32
        %parallel_loop3A_1443 = arith.constant 10 : i32
        %parallel_loop3A_1444 = arith.addi %parallel_loop3A_1442, %parallel_loop3A_1443 : i32
        %parallel_loop3A_1445 = arith.constant 0.000000e+00 : f32
        %parallel_loop3A_1446 = vector.broadcast %parallel_loop3A_1445 : f32 to vector<16xf32>
        %parallel_loop3A_1447 = arith.constant 0.000000e+00 : f32
        %parallel_loop3A_1448 = vector.broadcast %parallel_loop3A_1447 : f32 to vector<16xf32>
        %parallel_loop3A_1449 = arith.index_cast %parallel_loop3A_1444 : i32 to index
        %parallel_loop3A_1450 = arith.constant 0 : index
        %parallel_loop3A_1451 = tpu.vector_load %arg8[%parallel_loop3A_1449, %parallel_loop3A_1450] {strides = array<i32>} : memref<96x128xf32, #tpu.memory_space<vmem>>, vector<16xf32>,
        %parallel_loop3A_1452 = arith.index_cast %parallel_loop3A_1444 : i32 to index
        %parallel_loop3A_1453 = arith.constant 0 : index
        %parallel_loop3A_1454 = tpu.vector_load %arg9[%parallel_loop3A_1452, %parallel_loop3A_1453] {strides = array<i32>} : memref<96x128xf32, #tpu.memory_space<vmem>>, vector<16xf32>,
        %parallel_loop3A_1455 = arith.subf %parallel_loop3A_1451, %parallel_loop3A_1454 : vector<16xf32>
        %parallel_loop3A_1456 = arith.constant 9.99999997E-7 : f32
        %parallel_loop3A_1457 = vector.broadcast %parallel_loop3A_1456 : f32 to vector<16xf32>
        %parallel_loop3A_1458 = arith.addf %parallel_loop3A_1455, %parallel_loop3A_1457 : vector<16xf32>
        %parallel_loop3A_1459 = arith.mulf %parallel_loop3A_1458, %parallel_loop3A_1458 : vector<16xf32>
        %parallel_loop3A_1460 = arith.addf %parallel_loop3A_1446, %parallel_loop3A_1459 : vector<16xf32>
        %parallel_loop3A_1461 = arith.index_cast %parallel_loop3A_1444 : i32 to index
        %parallel_loop3A_1462 = arith.constant 16 : index
        %parallel_loop3A_1463 = tpu.vector_load %arg8[%parallel_loop3A_1461, %parallel_loop3A_1462] {strides = array<i32>} : memref<96x128xf32, #tpu.memory_space<vmem>>, vector<16xf32>,
        %parallel_loop3A_1464 = arith.index_cast %parallel_loop3A_1444 : i32 to index
        %parallel_loop3A_1465 = arith.constant 16 : index
        %parallel_loop3A_1466 = tpu.vector_load %arg9[%parallel_loop3A_1464, %parallel_loop3A_1465] {strides = array<i32>} : memref<96x128xf32, #tpu.memory_space<vmem>>, vector<16xf32>,
        %parallel_loop3A_1467 = arith.subf %parallel_loop3A_1463, %parallel_loop3A_1466 : vector<16xf32>
        %parallel_loop3A_1468 = arith.constant 9.99999997E-7 : f32
        %parallel_loop3A_1469 = vector.broadcast %parallel_loop3A_1468 : f32 to vector<16xf32>
        %parallel_loop3A_1470 = arith.addf %parallel_loop3A_1467, %parallel_loop3A_1469 : vector<16xf32>
        %parallel_loop3A_1471 = arith.mulf %parallel_loop3A_1470, %parallel_loop3A_1470 : vector<16xf32>
        %parallel_loop3A_1472 = arith.addf %parallel_loop3A_1448, %parallel_loop3A_1471 : vector<16xf32>
        %parallel_loop3A_1473 = arith.index_cast %parallel_loop3A_1444 : i32 to index
        %parallel_loop3A_1474 = arith.constant 32 : index
        %parallel_loop3A_1475 = tpu.vector_load %arg8[%parallel_loop3A_1473, %parallel_loop3A_1474] {strides = array<i32>} : memref<96x128xf32, #tpu.memory_space<vmem>>, vector<16xf32>,
        %parallel_loop3A_1476 = arith.index_cast %parallel_loop3A_1444 : i32 to index
        %parallel_loop3A_1477 = arith.constant 32 : index
        %parallel_loop3A_1478 = tpu.vector_load %arg9[%parallel_loop3A_1476, %parallel_loop3A_1477] {strides = array<i32>} : memref<96x128xf32, #tpu.memory_space<vmem>>, vector<16xf32>,
        %parallel_loop3A_1479 = arith.subf %parallel_loop3A_1475, %parallel_loop3A_1478 : vector<16xf32>
        %parallel_loop3A_1480 = arith.constant 9.99999997E-7 : f32
        %parallel_loop3A_1481 = vector.broadcast %parallel_loop3A_1480 : f32 to vector<16xf32>
        %parallel_loop3A_1482 = arith.addf %parallel_loop3A_1479, %parallel_loop3A_1481 : vector<16xf32>
        %parallel_loop3A_1483 = arith.mulf %parallel_loop3A_1482, %parallel_loop3A_1482 : vector<16xf32>
        %parallel_loop3A_1484 = arith.addf %parallel_loop3A_1460, %parallel_loop3A_1483 : vector<16xf32>
        %parallel_loop3A_1485 = arith.index_cast %parallel_loop3A_1444 : i32 to index
        %parallel_loop3A_1486 = arith.constant 48 : index
        %parallel_loop3A_1487 = tpu.vector_load %arg8[%parallel_loop3A_1485, %parallel_loop3A_1486] {strides = array<i32>} : memref<96x128xf32, #tpu.memory_space<vmem>>, vector<16xf32>,
        %parallel_loop3A_1488 = arith.index_cast %parallel_loop3A_1444 : i32 to index
        %parallel_loop3A_1489 = arith.constant 48 : index
        %parallel_loop3A_1490 = tpu.vector_load %arg9[%parallel_loop3A_1488, %parallel_loop3A_1489] {strides = array<i32>} : memref<96x128xf32, #tpu.memory_space<vmem>>, vector<16xf32>,
        %parallel_loop3A_1491 = arith.subf %parallel_loop3A_1487, %parallel_loop3A_1490 : vector<16xf32>
        %parallel_loop3A_1492 = arith.constant 9.99999997E-7 : f32
        %parallel_loop3A_1493 = vector.broadcast %parallel_loop3A_1492 : f32 to vector<16xf32>
        %parallel_loop3A_1494 = arith.addf %parallel_loop3A_1491, %parallel_loop3A_1493 : vector<16xf32>
        %parallel_loop3A_1495 = arith.mulf %parallel_loop3A_1494, %parallel_loop3A_1494 : vector<16xf32>
        %parallel_loop3A_1496 = arith.addf %parallel_loop3A_1472, %parallel_loop3A_1495 : vector<16xf32>
        %parallel_loop3A_1497 = arith.index_cast %parallel_loop3A_1444 : i32 to index
        %parallel_loop3A_1498 = arith.constant 64 : index
        %parallel_loop3A_1499 = tpu.vector_load %arg8[%parallel_loop3A_1497, %parallel_loop3A_1498] {strides = array<i32>} : memref<96x128xf32, #tpu.memory_space<vmem>>, vector<16xf32>,
        %parallel_loop3A_1500 = arith.index_cast %parallel_loop3A_1444 : i32 to index
        %parallel_loop3A_1501 = arith.constant 64 : index
        %parallel_loop3A_1502 = tpu.vector_load %arg9[%parallel_loop3A_1500, %parallel_loop3A_1501] {strides = array<i32>} : memref<96x128xf32, #tpu.memory_space<vmem>>, vector<16xf32>,
        %parallel_loop3A_1503 = arith.subf %parallel_loop3A_1499, %parallel_loop3A_1502 : vector<16xf32>
        %parallel_loop3A_1504 = arith.constant 9.99999997E-7 : f32
        %parallel_loop3A_1505 = vector.broadcast %parallel_loop3A_1504 : f32 to vector<16xf32>
        %parallel_loop3A_1506 = arith.addf %parallel_loop3A_1503, %parallel_loop3A_1505 : vector<16xf32>
        %parallel_loop3A_1507 = arith.mulf %parallel_loop3A_1506, %parallel_loop3A_1506 : vector<16xf32>
        %parallel_loop3A_1508 = arith.addf %parallel_loop3A_1484, %parallel_loop3A_1507 : vector<16xf32>
        %parallel_loop3A_1509 = arith.index_cast %parallel_loop3A_1444 : i32 to index
        %parallel_loop3A_1510 = arith.constant 80 : index
        %parallel_loop3A_1511 = tpu.vector_load %arg8[%parallel_loop3A_1509, %parallel_loop3A_1510] {strides = array<i32>} : memref<96x128xf32, #tpu.memory_space<vmem>>, vector<16xf32>,
        %parallel_loop3A_1512 = arith.index_cast %parallel_loop3A_1444 : i32 to index
        %parallel_loop3A_1513 = arith.constant 80 : index
        %parallel_loop3A_1514 = tpu.vector_load %arg9[%parallel_loop3A_1512, %parallel_loop3A_1513] {strides = array<i32>} : memref<96x128xf32, #tpu.memory_space<vmem>>, vector<16xf32>,
        %parallel_loop3A_1515 = arith.subf %parallel_loop3A_1511, %parallel_loop3A_1514 : vector<16xf32>
        %parallel_loop3A_1516 = arith.constant 9.99999997E-7 : f32
        %parallel_loop3A_1517 = vector.broadcast %parallel_loop3A_1516 : f32 to vector<16xf32>
        %parallel_loop3A_1518 = arith.addf %parallel_loop3A_1515, %parallel_loop3A_1517 : vector<16xf32>
        %parallel_loop3A_1519 = arith.mulf %parallel_loop3A_1518, %parallel_loop3A_1518 : vector<16xf32>
        %parallel_loop3A_1520 = arith.addf %parallel_loop3A_1496, %parallel_loop3A_1519 : vector<16xf32>
        %parallel_loop3A_1521 = arith.index_cast %parallel_loop3A_1444 : i32 to index
        %parallel_loop3A_1522 = arith.constant 96 : index
        %parallel_loop3A_1523 = tpu.vector_load %arg8[%parallel_loop3A_1521, %parallel_loop3A_1522] {strides = array<i32>} : memref<96x128xf32, #tpu.memory_space<vmem>>, vector<16xf32>,
        %parallel_loop3A_1524 = arith.index_cast %parallel_loop3A_1444 : i32 to index
        %parallel_loop3A_1525 = arith.constant 96 : index
        %parallel_loop3A_1526 = tpu.vector_load %arg9[%parallel_loop3A_1524, %parallel_loop3A_1525] {strides = array<i32>} : memref<96x128xf32, #tpu.memory_space<vmem>>, vector<16xf32>,
        %parallel_loop3A_1527 = arith.subf %parallel_loop3A_1523, %parallel_loop3A_1526 : vector<16xf32>
        %parallel_loop3A_1528 = arith.constant 9.99999997E-7 : f32
        %parallel_loop3A_1529 = vector.broadcast %parallel_loop3A_1528 : f32 to vector<16xf32>
        %parallel_loop3A_1530 = arith.addf %parallel_loop3A_1527, %parallel_loop3A_1529 : vector<16xf32>
        %parallel_loop3A_1531 = arith.mulf %parallel_loop3A_1530, %parallel_loop3A_1530 : vector<16xf32>
        %parallel_loop3A_1532 = arith.addf %parallel_loop3A_1508, %parallel_loop3A_1531 : vector<16xf32>
        %parallel_loop3A_1533 = arith.index_cast %parallel_loop3A_1444 : i32 to index
        %parallel_loop3A_1534 = arith.constant 112 : index
        %parallel_loop3A_1535 = tpu.vector_load %arg8[%parallel_loop3A_1533, %parallel_loop3A_1534] {strides = array<i32>} : memref<96x128xf32, #tpu.memory_space<vmem>>, vector<16xf32>,
        %parallel_loop3A_1536 = arith.index_cast %parallel_loop3A_1444 : i32 to index
        %parallel_loop3A_1537 = arith.constant 112 : index
        %parallel_loop3A_1538 = tpu.vector_load %arg9[%parallel_loop3A_1536, %parallel_loop3A_1537] {strides = array<i32>} : memref<96x128xf32, #tpu.memory_space<vmem>>, vector<16xf32>,
        %parallel_loop3A_1539 = arith.subf %parallel_loop3A_1535, %parallel_loop3A_1538 : vector<16xf32>
        %parallel_loop3A_1540 = arith.constant 9.99999997E-7 : f32
        %parallel_loop3A_1541 = vector.broadcast %parallel_loop3A_1540 : f32 to vector<16xf32>
        %parallel_loop3A_1542 = arith.addf %parallel_loop3A_1539, %parallel_loop3A_1541 : vector<16xf32>
        %parallel_loop3A_1543 = arith.mulf %parallel_loop3A_1542, %parallel_loop3A_1542 : vector<16xf32>
        %parallel_loop3A_1544 = arith.addf %parallel_loop3A_1520, %parallel_loop3A_1543 : vector<16xf32>
        %parallel_loop3A_1545 = arith.constant 10 : i32
        %parallel_loop3A_1546 = vector.broadcast %parallel_loop3A_1545 : i32 to vector<16xi32>
        %parallel_loop3A_1547 = arith.cmpi eq, %iota3A, %parallel_loop3A_1546 : vector<16xi32>
        %parallel_loop3A_1548 = arith.addf %parallel_loop3A_1532, %parallel_loop3A_1544 : vector<16xf32>
        %parallel_loop3A_1549 = arith.constant true
        %parallel_loop3A_1550 = vector.broadcast %parallel_loop3A_1549 : i1 to vector<16xi1>
        %parallel_loop3A_1551 = tpu.scan <sum>, %parallel_loop3A_1548 masked %parallel_loop3A_1550 : vector<16xf32>, vector<16xi1> -> vector<16xf32>
        %parallel_loop3A_1552 = vector.extract %parallel_loop3A_1551[15] : f32 from vector<16xf32>
        %parallel_loop3A_1553 = vector.broadcast %parallel_loop3A_1552 : f32 to vector<16xf32>
        %parallel_loop3A_1554 = arith.select %parallel_loop3A_1547, %parallel_loop3A_1553, %parallel_loop3A_1094 : vector<16xi1>, vector<16xf32>
        %parallel_loop3A_1555 = arith.constant 16 : i32
        %parallel_loop3A_1556 = arith.muli %parallel_loop3A_281, %parallel_loop3A_1555 : i32
        %parallel_loop3A_1557 = arith.addi %mul3A_260, %parallel_loop3A_1556 : i32
        %parallel_loop3A_1558 = arith.constant 11 : i32
        %parallel_loop3A_1559 = arith.addi %parallel_loop3A_1557, %parallel_loop3A_1558 : i32
        %parallel_loop3A_1560 = arith.constant 0.000000e+00 : f32
        %parallel_loop3A_1561 = vector.broadcast %parallel_loop3A_1560 : f32 to vector<16xf32>
        %parallel_loop3A_1562 = arith.constant 0.000000e+00 : f32
        %parallel_loop3A_1563 = vector.broadcast %parallel_loop3A_1562 : f32 to vector<16xf32>
        %parallel_loop3A_1564 = arith.index_cast %parallel_loop3A_1559 : i32 to index
        %parallel_loop3A_1565 = arith.constant 0 : index
        %parallel_loop3A_1566 = tpu.vector_load %arg8[%parallel_loop3A_1564, %parallel_loop3A_1565] {strides = array<i32>} : memref<96x128xf32, #tpu.memory_space<vmem>>, vector<16xf32>,
        %parallel_loop3A_1567 = arith.index_cast %parallel_loop3A_1559 : i32 to index
        %parallel_loop3A_1568 = arith.constant 0 : index
        %parallel_loop3A_1569 = tpu.vector_load %arg9[%parallel_loop3A_1567, %parallel_loop3A_1568] {strides = array<i32>} : memref<96x128xf32, #tpu.memory_space<vmem>>, vector<16xf32>,
        %parallel_loop3A_1570 = arith.subf %parallel_loop3A_1566, %parallel_loop3A_1569 : vector<16xf32>
        %parallel_loop3A_1571 = arith.constant 9.99999997E-7 : f32
        %parallel_loop3A_1572 = vector.broadcast %parallel_loop3A_1571 : f32 to vector<16xf32>
        %parallel_loop3A_1573 = arith.addf %parallel_loop3A_1570, %parallel_loop3A_1572 : vector<16xf32>
        %parallel_loop3A_1574 = arith.mulf %parallel_loop3A_1573, %parallel_loop3A_1573 : vector<16xf32>
        %parallel_loop3A_1575 = arith.addf %parallel_loop3A_1561, %parallel_loop3A_1574 : vector<16xf32>
        %parallel_loop3A_1576 = arith.index_cast %parallel_loop3A_1559 : i32 to index
        %parallel_loop3A_1577 = arith.constant 16 : index
        %parallel_loop3A_1578 = tpu.vector_load %arg8[%parallel_loop3A_1576, %parallel_loop3A_1577] {strides = array<i32>} : memref<96x128xf32, #tpu.memory_space<vmem>>, vector<16xf32>,
        %parallel_loop3A_1579 = arith.index_cast %parallel_loop3A_1559 : i32 to index
        %parallel_loop3A_1580 = arith.constant 16 : index
        %parallel_loop3A_1581 = tpu.vector_load %arg9[%parallel_loop3A_1579, %parallel_loop3A_1580] {strides = array<i32>} : memref<96x128xf32, #tpu.memory_space<vmem>>, vector<16xf32>,
        %parallel_loop3A_1582 = arith.subf %parallel_loop3A_1578, %parallel_loop3A_1581 : vector<16xf32>
        %parallel_loop3A_1583 = arith.constant 9.99999997E-7 : f32
        %parallel_loop3A_1584 = vector.broadcast %parallel_loop3A_1583 : f32 to vector<16xf32>
        %parallel_loop3A_1585 = arith.addf %parallel_loop3A_1582, %parallel_loop3A_1584 : vector<16xf32>
        %parallel_loop3A_1586 = arith.mulf %parallel_loop3A_1585, %parallel_loop3A_1585 : vector<16xf32>
        %parallel_loop3A_1587 = arith.addf %parallel_loop3A_1563, %parallel_loop3A_1586 : vector<16xf32>
        %parallel_loop3A_1588 = arith.index_cast %parallel_loop3A_1559 : i32 to index
        %parallel_loop3A_1589 = arith.constant 32 : index
        %parallel_loop3A_1590 = tpu.vector_load %arg8[%parallel_loop3A_1588, %parallel_loop3A_1589] {strides = array<i32>} : memref<96x128xf32, #tpu.memory_space<vmem>>, vector<16xf32>,
        %parallel_loop3A_1591 = arith.index_cast %parallel_loop3A_1559 : i32 to index
        %parallel_loop3A_1592 = arith.constant 32 : index
        %parallel_loop3A_1593 = tpu.vector_load %arg9[%parallel_loop3A_1591, %parallel_loop3A_1592] {strides = array<i32>} : memref<96x128xf32, #tpu.memory_space<vmem>>, vector<16xf32>,
        %parallel_loop3A_1594 = arith.subf %parallel_loop3A_1590, %parallel_loop3A_1593 : vector<16xf32>
        %parallel_loop3A_1595 = arith.constant 9.99999997E-7 : f32
        %parallel_loop3A_1596 = vector.broadcast %parallel_loop3A_1595 : f32 to vector<16xf32>
        %parallel_loop3A_1597 = arith.addf %parallel_loop3A_1594, %parallel_loop3A_1596 : vector<16xf32>
        %parallel_loop3A_1598 = arith.mulf %parallel_loop3A_1597, %parallel_loop3A_1597 : vector<16xf32>
        %parallel_loop3A_1599 = arith.addf %parallel_loop3A_1575, %parallel_loop3A_1598 : vector<16xf32>
        %parallel_loop3A_1600 = arith.index_cast %parallel_loop3A_1559 : i32 to index
        %parallel_loop3A_1601 = arith.constant 48 : index
        %parallel_loop3A_1602 = tpu.vector_load %arg8[%parallel_loop3A_1600, %parallel_loop3A_1601] {strides = array<i32>} : memref<96x128xf32, #tpu.memory_space<vmem>>, vector<16xf32>,
        %parallel_loop3A_1603 = arith.index_cast %parallel_loop3A_1559 : i32 to index
        %parallel_loop3A_1604 = arith.constant 48 : index
        %parallel_loop3A_1605 = tpu.vector_load %arg9[%parallel_loop3A_1603, %parallel_loop3A_1604] {strides = array<i32>} : memref<96x128xf32, #tpu.memory_space<vmem>>, vector<16xf32>,
        %parallel_loop3A_1606 = arith.subf %parallel_loop3A_1602, %parallel_loop3A_1605 : vector<16xf32>
        %parallel_loop3A_1607 = arith.constant 9.99999997E-7 : f32
        %parallel_loop3A_1608 = vector.broadcast %parallel_loop3A_1607 : f32 to vector<16xf32>
        %parallel_loop3A_1609 = arith.addf %parallel_loop3A_1606, %parallel_loop3A_1608 : vector<16xf32>
        %parallel_loop3A_1610 = arith.mulf %parallel_loop3A_1609, %parallel_loop3A_1609 : vector<16xf32>
        %parallel_loop3A_1611 = arith.addf %parallel_loop3A_1587, %parallel_loop3A_1610 : vector<16xf32>
        %parallel_loop3A_1612 = arith.index_cast %parallel_loop3A_1559 : i32 to index
        %parallel_loop3A_1613 = arith.constant 64 : index
        %parallel_loop3A_1614 = tpu.vector_load %arg8[%parallel_loop3A_1612, %parallel_loop3A_1613] {strides = array<i32>} : memref<96x128xf32, #tpu.memory_space<vmem>>, vector<16xf32>,
        %parallel_loop3A_1615 = arith.index_cast %parallel_loop3A_1559 : i32 to index
        %parallel_loop3A_1616 = arith.constant 64 : index
        %parallel_loop3A_1617 = tpu.vector_load %arg9[%parallel_loop3A_1615, %parallel_loop3A_1616] {strides = array<i32>} : memref<96x128xf32, #tpu.memory_space<vmem>>, vector<16xf32>,
        %parallel_loop3A_1618 = arith.subf %parallel_loop3A_1614, %parallel_loop3A_1617 : vector<16xf32>
        %parallel_loop3A_1619 = arith.constant 9.99999997E-7 : f32
        %parallel_loop3A_1620 = vector.broadcast %parallel_loop3A_1619 : f32 to vector<16xf32>
        %parallel_loop3A_1621 = arith.addf %parallel_loop3A_1618, %parallel_loop3A_1620 : vector<16xf32>
        %parallel_loop3A_1622 = arith.mulf %parallel_loop3A_1621, %parallel_loop3A_1621 : vector<16xf32>
        %parallel_loop3A_1623 = arith.addf %parallel_loop3A_1599, %parallel_loop3A_1622 : vector<16xf32>
        %parallel_loop3A_1624 = arith.index_cast %parallel_loop3A_1559 : i32 to index
        %parallel_loop3A_1625 = arith.constant 80 : index
        %parallel_loop3A_1626 = tpu.vector_load %arg8[%parallel_loop3A_1624, %parallel_loop3A_1625] {strides = array<i32>} : memref<96x128xf32, #tpu.memory_space<vmem>>, vector<16xf32>,
        %parallel_loop3A_1627 = arith.index_cast %parallel_loop3A_1559 : i32 to index
        %parallel_loop3A_1628 = arith.constant 80 : index
        %parallel_loop3A_1629 = tpu.vector_load %arg9[%parallel_loop3A_1627, %parallel_loop3A_1628] {strides = array<i32>} : memref<96x128xf32, #tpu.memory_space<vmem>>, vector<16xf32>,
        %parallel_loop3A_1630 = arith.subf %parallel_loop3A_1626, %parallel_loop3A_1629 : vector<16xf32>
        %parallel_loop3A_1631 = arith.constant 9.99999997E-7 : f32
        %parallel_loop3A_1632 = vector.broadcast %parallel_loop3A_1631 : f32 to vector<16xf32>
        %parallel_loop3A_1633 = arith.addf %parallel_loop3A_1630, %parallel_loop3A_1632 : vector<16xf32>
        %parallel_loop3A_1634 = arith.mulf %parallel_loop3A_1633, %parallel_loop3A_1633 : vector<16xf32>
        %parallel_loop3A_1635 = arith.addf %parallel_loop3A_1611, %parallel_loop3A_1634 : vector<16xf32>
        %parallel_loop3A_1636 = arith.index_cast %parallel_loop3A_1559 : i32 to index
        %parallel_loop3A_1637 = arith.constant 96 : index
        %parallel_loop3A_1638 = tpu.vector_load %arg8[%parallel_loop3A_1636, %parallel_loop3A_1637] {strides = array<i32>} : memref<96x128xf32, #tpu.memory_space<vmem>>, vector<16xf32>,
        %parallel_loop3A_1639 = arith.index_cast %parallel_loop3A_1559 : i32 to index
        %parallel_loop3A_1640 = arith.constant 96 : index
        %parallel_loop3A_1641 = tpu.vector_load %arg9[%parallel_loop3A_1639, %parallel_loop3A_1640] {strides = array<i32>} : memref<96x128xf32, #tpu.memory_space<vmem>>, vector<16xf32>,
        %parallel_loop3A_1642 = arith.subf %parallel_loop3A_1638, %parallel_loop3A_1641 : vector<16xf32>
        %parallel_loop3A_1643 = arith.constant 9.99999997E-7 : f32
        %parallel_loop3A_1644 = vector.broadcast %parallel_loop3A_1643 : f32 to vector<16xf32>
        %parallel_loop3A_1645 = arith.addf %parallel_loop3A_1642, %parallel_loop3A_1644 : vector<16xf32>
        %parallel_loop3A_1646 = arith.mulf %parallel_loop3A_1645, %parallel_loop3A_1645 : vector<16xf32>
        %parallel_loop3A_1647 = arith.addf %parallel_loop3A_1623, %parallel_loop3A_1646 : vector<16xf32>
        %parallel_loop3A_1648 = arith.index_cast %parallel_loop3A_1559 : i32 to index
        %parallel_loop3A_1649 = arith.constant 112 : index
        %parallel_loop3A_1650 = tpu.vector_load %arg8[%parallel_loop3A_1648, %parallel_loop3A_1649] {strides = array<i32>} : memref<96x128xf32, #tpu.memory_space<vmem>>, vector<16xf32>,
        %parallel_loop3A_1651 = arith.index_cast %parallel_loop3A_1559 : i32 to index
        %parallel_loop3A_1652 = arith.constant 112 : index
        %parallel_loop3A_1653 = tpu.vector_load %arg9[%parallel_loop3A_1651, %parallel_loop3A_1652] {strides = array<i32>} : memref<96x128xf32, #tpu.memory_space<vmem>>, vector<16xf32>,
        %parallel_loop3A_1654 = arith.subf %parallel_loop3A_1650, %parallel_loop3A_1653 : vector<16xf32>
        %parallel_loop3A_1655 = arith.constant 9.99999997E-7 : f32
        %parallel_loop3A_1656 = vector.broadcast %parallel_loop3A_1655 : f32 to vector<16xf32>
        %parallel_loop3A_1657 = arith.addf %parallel_loop3A_1654, %parallel_loop3A_1656 : vector<16xf32>
        %parallel_loop3A_1658 = arith.mulf %parallel_loop3A_1657, %parallel_loop3A_1657 : vector<16xf32>
        %parallel_loop3A_1659 = arith.addf %parallel_loop3A_1635, %parallel_loop3A_1658 : vector<16xf32>
        %parallel_loop3A_1660 = arith.constant 11 : i32
        %parallel_loop3A_1661 = vector.broadcast %parallel_loop3A_1660 : i32 to vector<16xi32>
        %parallel_loop3A_1662 = arith.cmpi eq, %iota3A, %parallel_loop3A_1661 : vector<16xi32>
        %parallel_loop3A_1663 = arith.addf %parallel_loop3A_1647, %parallel_loop3A_1659 : vector<16xf32>
        %parallel_loop3A_1664 = arith.constant true
        %parallel_loop3A_1665 = vector.broadcast %parallel_loop3A_1664 : i1 to vector<16xi1>
        %parallel_loop3A_1666 = tpu.scan <sum>, %parallel_loop3A_1663 masked %parallel_loop3A_1665 : vector<16xf32>, vector<16xi1> -> vector<16xf32>
        %parallel_loop3A_1667 = vector.extract %parallel_loop3A_1666[15] : f32 from vector<16xf32>
        %parallel_loop3A_1668 = vector.broadcast %parallel_loop3A_1667 : f32 to vector<16xf32>
        %parallel_loop3A_1669 = arith.select %parallel_loop3A_1662, %parallel_loop3A_1668, %parallel_loop3A_1209 : vector<16xi1>, vector<16xf32>
        %parallel_loop3A_1670 = arith.constant 16 : i32
        %parallel_loop3A_1671 = arith.muli %parallel_loop3A_281, %parallel_loop3A_1670 : i32
        %parallel_loop3A_1672 = arith.addi %mul3A_260, %parallel_loop3A_1671 : i32
        %parallel_loop3A_1673 = arith.constant 12 : i32
        %parallel_loop3A_1674 = arith.addi %parallel_loop3A_1672, %parallel_loop3A_1673 : i32
        %parallel_loop3A_1675 = arith.constant 0.000000e+00 : f32
        %parallel_loop3A_1676 = vector.broadcast %parallel_loop3A_1675 : f32 to vector<16xf32>
        %parallel_loop3A_1677 = arith.constant 0.000000e+00 : f32
        %parallel_loop3A_1678 = vector.broadcast %parallel_loop3A_1677 : f32 to vector<16xf32>
        %parallel_loop3A_1679 = arith.index_cast %parallel_loop3A_1674 : i32 to index
        %parallel_loop3A_1680 = arith.constant 0 : index
        %parallel_loop3A_1681 = tpu.vector_load %arg8[%parallel_loop3A_1679, %parallel_loop3A_1680] {strides = array<i32>} : memref<96x128xf32, #tpu.memory_space<vmem>>, vector<16xf32>,
        %parallel_loop3A_1682 = arith.index_cast %parallel_loop3A_1674 : i32 to index
        %parallel_loop3A_1683 = arith.constant 0 : index
        %parallel_loop3A_1684 = tpu.vector_load %arg9[%parallel_loop3A_1682, %parallel_loop3A_1683] {strides = array<i32>} : memref<96x128xf32, #tpu.memory_space<vmem>>, vector<16xf32>,
        %parallel_loop3A_1685 = arith.subf %parallel_loop3A_1681, %parallel_loop3A_1684 : vector<16xf32>
        %parallel_loop3A_1686 = arith.constant 9.99999997E-7 : f32
        %parallel_loop3A_1687 = vector.broadcast %parallel_loop3A_1686 : f32 to vector<16xf32>
        %parallel_loop3A_1688 = arith.addf %parallel_loop3A_1685, %parallel_loop3A_1687 : vector<16xf32>
        %parallel_loop3A_1689 = arith.mulf %parallel_loop3A_1688, %parallel_loop3A_1688 : vector<16xf32>
        %parallel_loop3A_1690 = arith.addf %parallel_loop3A_1676, %parallel_loop3A_1689 : vector<16xf32>
        %parallel_loop3A_1691 = arith.index_cast %parallel_loop3A_1674 : i32 to index
        %parallel_loop3A_1692 = arith.constant 16 : index
        %parallel_loop3A_1693 = tpu.vector_load %arg8[%parallel_loop3A_1691, %parallel_loop3A_1692] {strides = array<i32>} : memref<96x128xf32, #tpu.memory_space<vmem>>, vector<16xf32>,
        %parallel_loop3A_1694 = arith.index_cast %parallel_loop3A_1674 : i32 to index
        %parallel_loop3A_1695 = arith.constant 16 : index
        %parallel_loop3A_1696 = tpu.vector_load %arg9[%parallel_loop3A_1694, %parallel_loop3A_1695] {strides = array<i32>} : memref<96x128xf32, #tpu.memory_space<vmem>>, vector<16xf32>,
        %parallel_loop3A_1697 = arith.subf %parallel_loop3A_1693, %parallel_loop3A_1696 : vector<16xf32>
        %parallel_loop3A_1698 = arith.constant 9.99999997E-7 : f32
        %parallel_loop3A_1699 = vector.broadcast %parallel_loop3A_1698 : f32 to vector<16xf32>
        %parallel_loop3A_1700 = arith.addf %parallel_loop3A_1697, %parallel_loop3A_1699 : vector<16xf32>
        %parallel_loop3A_1701 = arith.mulf %parallel_loop3A_1700, %parallel_loop3A_1700 : vector<16xf32>
        %parallel_loop3A_1702 = arith.addf %parallel_loop3A_1678, %parallel_loop3A_1701 : vector<16xf32>
        %parallel_loop3A_1703 = arith.index_cast %parallel_loop3A_1674 : i32 to index
        %parallel_loop3A_1704 = arith.constant 32 : index
        %parallel_loop3A_1705 = tpu.vector_load %arg8[%parallel_loop3A_1703, %parallel_loop3A_1704] {strides = array<i32>} : memref<96x128xf32, #tpu.memory_space<vmem>>, vector<16xf32>,
        %parallel_loop3A_1706 = arith.index_cast %parallel_loop3A_1674 : i32 to index
        %parallel_loop3A_1707 = arith.constant 32 : index
        %parallel_loop3A_1708 = tpu.vector_load %arg9[%parallel_loop3A_1706, %parallel_loop3A_1707] {strides = array<i32>} : memref<96x128xf32, #tpu.memory_space<vmem>>, vector<16xf32>,
        %parallel_loop3A_1709 = arith.subf %parallel_loop3A_1705, %parallel_loop3A_1708 : vector<16xf32>
        %parallel_loop3A_1710 = arith.constant 9.99999997E-7 : f32
        %parallel_loop3A_1711 = vector.broadcast %parallel_loop3A_1710 : f32 to vector<16xf32>
        %parallel_loop3A_1712 = arith.addf %parallel_loop3A_1709, %parallel_loop3A_1711 : vector<16xf32>
        %parallel_loop3A_1713 = arith.mulf %parallel_loop3A_1712, %parallel_loop3A_1712 : vector<16xf32>
        %parallel_loop3A_1714 = arith.addf %parallel_loop3A_1690, %parallel_loop3A_1713 : vector<16xf32>
        %parallel_loop3A_1715 = arith.index_cast %parallel_loop3A_1674 : i32 to index
        %parallel_loop3A_1716 = arith.constant 48 : index
        %parallel_loop3A_1717 = tpu.vector_load %arg8[%parallel_loop3A_1715, %parallel_loop3A_1716] {strides = array<i32>} : memref<96x128xf32, #tpu.memory_space<vmem>>, vector<16xf32>,
        %parallel_loop3A_1718 = arith.index_cast %parallel_loop3A_1674 : i32 to index
        %parallel_loop3A_1719 = arith.constant 48 : index
        %parallel_loop3A_1720 = tpu.vector_load %arg9[%parallel_loop3A_1718, %parallel_loop3A_1719] {strides = array<i32>} : memref<96x128xf32, #tpu.memory_space<vmem>>, vector<16xf32>,
        %parallel_loop3A_1721 = arith.subf %parallel_loop3A_1717, %parallel_loop3A_1720 : vector<16xf32>
        %parallel_loop3A_1722 = arith.constant 9.99999997E-7 : f32
        %parallel_loop3A_1723 = vector.broadcast %parallel_loop3A_1722 : f32 to vector<16xf32>
        %parallel_loop3A_1724 = arith.addf %parallel_loop3A_1721, %parallel_loop3A_1723 : vector<16xf32>
        %parallel_loop3A_1725 = arith.mulf %parallel_loop3A_1724, %parallel_loop3A_1724 : vector<16xf32>
        %parallel_loop3A_1726 = arith.addf %parallel_loop3A_1702, %parallel_loop3A_1725 : vector<16xf32>
        %parallel_loop3A_1727 = arith.index_cast %parallel_loop3A_1674 : i32 to index
        %parallel_loop3A_1728 = arith.constant 64 : index
        %parallel_loop3A_1729 = tpu.vector_load %arg8[%parallel_loop3A_1727, %parallel_loop3A_1728] {strides = array<i32>} : memref<96x128xf32, #tpu.memory_space<vmem>>, vector<16xf32>,
        %parallel_loop3A_1730 = arith.index_cast %parallel_loop3A_1674 : i32 to index
        %parallel_loop3A_1731 = arith.constant 64 : index
        %parallel_loop3A_1732 = tpu.vector_load %arg9[%parallel_loop3A_1730, %parallel_loop3A_1731] {strides = array<i32>} : memref<96x128xf32, #tpu.memory_space<vmem>>, vector<16xf32>,
        %parallel_loop3A_1733 = arith.subf %parallel_loop3A_1729, %parallel_loop3A_1732 : vector<16xf32>
        %parallel_loop3A_1734 = arith.constant 9.99999997E-7 : f32
        %parallel_loop3A_1735 = vector.broadcast %parallel_loop3A_1734 : f32 to vector<16xf32>
        %parallel_loop3A_1736 = arith.addf %parallel_loop3A_1733, %parallel_loop3A_1735 : vector<16xf32>
        %parallel_loop3A_1737 = arith.mulf %parallel_loop3A_1736, %parallel_loop3A_1736 : vector<16xf32>
        %parallel_loop3A_1738 = arith.addf %parallel_loop3A_1714, %parallel_loop3A_1737 : vector<16xf32>
        %parallel_loop3A_1739 = arith.index_cast %parallel_loop3A_1674 : i32 to index
        %parallel_loop3A_1740 = arith.constant 80 : index
        %parallel_loop3A_1741 = tpu.vector_load %arg8[%parallel_loop3A_1739, %parallel_loop3A_1740] {strides = array<i32>} : memref<96x128xf32, #tpu.memory_space<vmem>>, vector<16xf32>,
        %parallel_loop3A_1742 = arith.index_cast %parallel_loop3A_1674 : i32 to index
        %parallel_loop3A_1743 = arith.constant 80 : index
        %parallel_loop3A_1744 = tpu.vector_load %arg9[%parallel_loop3A_1742, %parallel_loop3A_1743] {strides = array<i32>} : memref<96x128xf32, #tpu.memory_space<vmem>>, vector<16xf32>,
        %parallel_loop3A_1745 = arith.subf %parallel_loop3A_1741, %parallel_loop3A_1744 : vector<16xf32>
        %parallel_loop3A_1746 = arith.constant 9.99999997E-7 : f32
        %parallel_loop3A_1747 = vector.broadcast %parallel_loop3A_1746 : f32 to vector<16xf32>
        %parallel_loop3A_1748 = arith.addf %parallel_loop3A_1745, %parallel_loop3A_1747 : vector<16xf32>
        %parallel_loop3A_1749 = arith.mulf %parallel_loop3A_1748, %parallel_loop3A_1748 : vector<16xf32>
        %parallel_loop3A_1750 = arith.addf %parallel_loop3A_1726, %parallel_loop3A_1749 : vector<16xf32>
        %parallel_loop3A_1751 = arith.index_cast %parallel_loop3A_1674 : i32 to index
        %parallel_loop3A_1752 = arith.constant 96 : index
        %parallel_loop3A_1753 = tpu.vector_load %arg8[%parallel_loop3A_1751, %parallel_loop3A_1752] {strides = array<i32>} : memref<96x128xf32, #tpu.memory_space<vmem>>, vector<16xf32>,
        %parallel_loop3A_1754 = arith.index_cast %parallel_loop3A_1674 : i32 to index
        %parallel_loop3A_1755 = arith.constant 96 : index
        %parallel_loop3A_1756 = tpu.vector_load %arg9[%parallel_loop3A_1754, %parallel_loop3A_1755] {strides = array<i32>} : memref<96x128xf32, #tpu.memory_space<vmem>>, vector<16xf32>,
        %parallel_loop3A_1757 = arith.subf %parallel_loop3A_1753, %parallel_loop3A_1756 : vector<16xf32>
        %parallel_loop3A_1758 = arith.constant 9.99999997E-7 : f32
        %parallel_loop3A_1759 = vector.broadcast %parallel_loop3A_1758 : f32 to vector<16xf32>
        %parallel_loop3A_1760 = arith.addf %parallel_loop3A_1757, %parallel_loop3A_1759 : vector<16xf32>
        %parallel_loop3A_1761 = arith.mulf %parallel_loop3A_1760, %parallel_loop3A_1760 : vector<16xf32>
        %parallel_loop3A_1762 = arith.addf %parallel_loop3A_1738, %parallel_loop3A_1761 : vector<16xf32>
        %parallel_loop3A_1763 = arith.index_cast %parallel_loop3A_1674 : i32 to index
        %parallel_loop3A_1764 = arith.constant 112 : index
        %parallel_loop3A_1765 = tpu.vector_load %arg8[%parallel_loop3A_1763, %parallel_loop3A_1764] {strides = array<i32>} : memref<96x128xf32, #tpu.memory_space<vmem>>, vector<16xf32>,
        %parallel_loop3A_1766 = arith.index_cast %parallel_loop3A_1674 : i32 to index
        %parallel_loop3A_1767 = arith.constant 112 : index
        %parallel_loop3A_1768 = tpu.vector_load %arg9[%parallel_loop3A_1766, %parallel_loop3A_1767] {strides = array<i32>} : memref<96x128xf32, #tpu.memory_space<vmem>>, vector<16xf32>,
        %parallel_loop3A_1769 = arith.subf %parallel_loop3A_1765, %parallel_loop3A_1768 : vector<16xf32>
        %parallel_loop3A_1770 = arith.constant 9.99999997E-7 : f32
        %parallel_loop3A_1771 = vector.broadcast %parallel_loop3A_1770 : f32 to vector<16xf32>
        %parallel_loop3A_1772 = arith.addf %parallel_loop3A_1769, %parallel_loop3A_1771 : vector<16xf32>
        %parallel_loop3A_1773 = arith.mulf %parallel_loop3A_1772, %parallel_loop3A_1772 : vector<16xf32>
        %parallel_loop3A_1774 = arith.addf %parallel_loop3A_1750, %parallel_loop3A_1773 : vector<16xf32>
        %parallel_loop3A_1775 = arith.constant 12 : i32
        %parallel_loop3A_1776 = vector.broadcast %parallel_loop3A_1775 : i32 to vector<16xi32>
        %parallel_loop3A_1777 = arith.cmpi eq, %iota3A, %parallel_loop3A_1776 : vector<16xi32>
        %parallel_loop3A_1778 = arith.addf %parallel_loop3A_1762, %parallel_loop3A_1774 : vector<16xf32>
        %parallel_loop3A_1779 = arith.constant true
        %parallel_loop3A_1780 = vector.broadcast %parallel_loop3A_1779 : i1 to vector<16xi1>
        %parallel_loop3A_1781 = tpu.scan <sum>, %parallel_loop3A_1778 masked %parallel_loop3A_1780 : vector<16xf32>, vector<16xi1> -> vector<16xf32>
        %parallel_loop3A_1782 = vector.extract %parallel_loop3A_1781[15] : f32 from vector<16xf32>
        %parallel_loop3A_1783 = vector.broadcast %parallel_loop3A_1782 : f32 to vector<16xf32>
        %parallel_loop3A_1784 = arith.select %parallel_loop3A_1777, %parallel_loop3A_1783, %parallel_loop3A_1324 : vector<16xi1>, vector<16xf32>
        %parallel_loop3A_1785 = arith.constant 16 : i32
        %parallel_loop3A_1786 = arith.muli %parallel_loop3A_281, %parallel_loop3A_1785 : i32
        %parallel_loop3A_1787 = arith.addi %mul3A_260, %parallel_loop3A_1786 : i32
        %parallel_loop3A_1788 = arith.constant 13 : i32
        %parallel_loop3A_1789 = arith.addi %parallel_loop3A_1787, %parallel_loop3A_1788 : i32
        %parallel_loop3A_1790 = arith.constant 0.000000e+00 : f32
        %parallel_loop3A_1791 = vector.broadcast %parallel_loop3A_1790 : f32 to vector<16xf32>
        %parallel_loop3A_1792 = arith.constant 0.000000e+00 : f32
        %parallel_loop3A_1793 = vector.broadcast %parallel_loop3A_1792 : f32 to vector<16xf32>
        %parallel_loop3A_1794 = arith.index_cast %parallel_loop3A_1789 : i32 to index
        %parallel_loop3A_1795 = arith.constant 0 : index
        %parallel_loop3A_1796 = tpu.vector_load %arg8[%parallel_loop3A_1794, %parallel_loop3A_1795] {strides = array<i32>} : memref<96x128xf32, #tpu.memory_space<vmem>>, vector<16xf32>,
        %parallel_loop3A_1797 = arith.index_cast %parallel_loop3A_1789 : i32 to index
        %parallel_loop3A_1798 = arith.constant 0 : index
        %parallel_loop3A_1799 = tpu.vector_load %arg9[%parallel_loop3A_1797, %parallel_loop3A_1798] {strides = array<i32>} : memref<96x128xf32, #tpu.memory_space<vmem>>, vector<16xf32>,
        %parallel_loop3A_1800 = arith.subf %parallel_loop3A_1796, %parallel_loop3A_1799 : vector<16xf32>
        %parallel_loop3A_1801 = arith.constant 9.99999997E-7 : f32
        %parallel_loop3A_1802 = vector.broadcast %parallel_loop3A_1801 : f32 to vector<16xf32>
        %parallel_loop3A_1803 = arith.addf %parallel_loop3A_1800, %parallel_loop3A_1802 : vector<16xf32>
        %parallel_loop3A_1804 = arith.mulf %parallel_loop3A_1803, %parallel_loop3A_1803 : vector<16xf32>
        %parallel_loop3A_1805 = arith.addf %parallel_loop3A_1791, %parallel_loop3A_1804 : vector<16xf32>
        %parallel_loop3A_1806 = arith.index_cast %parallel_loop3A_1789 : i32 to index
        %parallel_loop3A_1807 = arith.constant 16 : index
        %parallel_loop3A_1808 = tpu.vector_load %arg8[%parallel_loop3A_1806, %parallel_loop3A_1807] {strides = array<i32>} : memref<96x128xf32, #tpu.memory_space<vmem>>, vector<16xf32>,
        %parallel_loop3A_1809 = arith.index_cast %parallel_loop3A_1789 : i32 to index
        %parallel_loop3A_1810 = arith.constant 16 : index
        %parallel_loop3A_1811 = tpu.vector_load %arg9[%parallel_loop3A_1809, %parallel_loop3A_1810] {strides = array<i32>} : memref<96x128xf32, #tpu.memory_space<vmem>>, vector<16xf32>,
        %parallel_loop3A_1812 = arith.subf %parallel_loop3A_1808, %parallel_loop3A_1811 : vector<16xf32>
        %parallel_loop3A_1813 = arith.constant 9.99999997E-7 : f32
        %parallel_loop3A_1814 = vector.broadcast %parallel_loop3A_1813 : f32 to vector<16xf32>
        %parallel_loop3A_1815 = arith.addf %parallel_loop3A_1812, %parallel_loop3A_1814 : vector<16xf32>
        %parallel_loop3A_1816 = arith.mulf %parallel_loop3A_1815, %parallel_loop3A_1815 : vector<16xf32>
        %parallel_loop3A_1817 = arith.addf %parallel_loop3A_1793, %parallel_loop3A_1816 : vector<16xf32>
        %parallel_loop3A_1818 = arith.index_cast %parallel_loop3A_1789 : i32 to index
        %parallel_loop3A_1819 = arith.constant 32 : index
        %parallel_loop3A_1820 = tpu.vector_load %arg8[%parallel_loop3A_1818, %parallel_loop3A_1819] {strides = array<i32>} : memref<96x128xf32, #tpu.memory_space<vmem>>, vector<16xf32>,
        %parallel_loop3A_1821 = arith.index_cast %parallel_loop3A_1789 : i32 to index
        %parallel_loop3A_1822 = arith.constant 32 : index
        %parallel_loop3A_1823 = tpu.vector_load %arg9[%parallel_loop3A_1821, %parallel_loop3A_1822] {strides = array<i32>} : memref<96x128xf32, #tpu.memory_space<vmem>>, vector<16xf32>,
        %parallel_loop3A_1824 = arith.subf %parallel_loop3A_1820, %parallel_loop3A_1823 : vector<16xf32>
        %parallel_loop3A_1825 = arith.constant 9.99999997E-7 : f32
        %parallel_loop3A_1826 = vector.broadcast %parallel_loop3A_1825 : f32 to vector<16xf32>
        %parallel_loop3A_1827 = arith.addf %parallel_loop3A_1824, %parallel_loop3A_1826 : vector<16xf32>
        %parallel_loop3A_1828 = arith.mulf %parallel_loop3A_1827, %parallel_loop3A_1827 : vector<16xf32>
        %parallel_loop3A_1829 = arith.addf %parallel_loop3A_1805, %parallel_loop3A_1828 : vector<16xf32>
        %parallel_loop3A_1830 = arith.index_cast %parallel_loop3A_1789 : i32 to index
        %parallel_loop3A_1831 = arith.constant 48 : index
        %parallel_loop3A_1832 = tpu.vector_load %arg8[%parallel_loop3A_1830, %parallel_loop3A_1831] {strides = array<i32>} : memref<96x128xf32, #tpu.memory_space<vmem>>, vector<16xf32>,
        %parallel_loop3A_1833 = arith.index_cast %parallel_loop3A_1789 : i32 to index
        %parallel_loop3A_1834 = arith.constant 48 : index
        %parallel_loop3A_1835 = tpu.vector_load %arg9[%parallel_loop3A_1833, %parallel_loop3A_1834] {strides = array<i32>} : memref<96x128xf32, #tpu.memory_space<vmem>>, vector<16xf32>,
        %parallel_loop3A_1836 = arith.subf %parallel_loop3A_1832, %parallel_loop3A_1835 : vector<16xf32>
        %parallel_loop3A_1837 = arith.constant 9.99999997E-7 : f32
        %parallel_loop3A_1838 = vector.broadcast %parallel_loop3A_1837 : f32 to vector<16xf32>
        %parallel_loop3A_1839 = arith.addf %parallel_loop3A_1836, %parallel_loop3A_1838 : vector<16xf32>
        %parallel_loop3A_1840 = arith.mulf %parallel_loop3A_1839, %parallel_loop3A_1839 : vector<16xf32>
        %parallel_loop3A_1841 = arith.addf %parallel_loop3A_1817, %parallel_loop3A_1840 : vector<16xf32>
        %parallel_loop3A_1842 = arith.index_cast %parallel_loop3A_1789 : i32 to index
        %parallel_loop3A_1843 = arith.constant 64 : index
        %parallel_loop3A_1844 = tpu.vector_load %arg8[%parallel_loop3A_1842, %parallel_loop3A_1843] {strides = array<i32>} : memref<96x128xf32, #tpu.memory_space<vmem>>, vector<16xf32>,
        %parallel_loop3A_1845 = arith.index_cast %parallel_loop3A_1789 : i32 to index
        %parallel_loop3A_1846 = arith.constant 64 : index
        %parallel_loop3A_1847 = tpu.vector_load %arg9[%parallel_loop3A_1845, %parallel_loop3A_1846] {strides = array<i32>} : memref<96x128xf32, #tpu.memory_space<vmem>>, vector<16xf32>,
        %parallel_loop3A_1848 = arith.subf %parallel_loop3A_1844, %parallel_loop3A_1847 : vector<16xf32>
        %parallel_loop3A_1849 = arith.constant 9.99999997E-7 : f32
        %parallel_loop3A_1850 = vector.broadcast %parallel_loop3A_1849 : f32 to vector<16xf32>
        %parallel_loop3A_1851 = arith.addf %parallel_loop3A_1848, %parallel_loop3A_1850 : vector<16xf32>
        %parallel_loop3A_1852 = arith.mulf %parallel_loop3A_1851, %parallel_loop3A_1851 : vector<16xf32>
        %parallel_loop3A_1853 = arith.addf %parallel_loop3A_1829, %parallel_loop3A_1852 : vector<16xf32>
        %parallel_loop3A_1854 = arith.index_cast %parallel_loop3A_1789 : i32 to index
        %parallel_loop3A_1855 = arith.constant 80 : index
        %parallel_loop3A_1856 = tpu.vector_load %arg8[%parallel_loop3A_1854, %parallel_loop3A_1855] {strides = array<i32>} : memref<96x128xf32, #tpu.memory_space<vmem>>, vector<16xf32>,
        %parallel_loop3A_1857 = arith.index_cast %parallel_loop3A_1789 : i32 to index
        %parallel_loop3A_1858 = arith.constant 80 : index
        %parallel_loop3A_1859 = tpu.vector_load %arg9[%parallel_loop3A_1857, %parallel_loop3A_1858] {strides = array<i32>} : memref<96x128xf32, #tpu.memory_space<vmem>>, vector<16xf32>,
        %parallel_loop3A_1860 = arith.subf %parallel_loop3A_1856, %parallel_loop3A_1859 : vector<16xf32>
        %parallel_loop3A_1861 = arith.constant 9.99999997E-7 : f32
        %parallel_loop3A_1862 = vector.broadcast %parallel_loop3A_1861 : f32 to vector<16xf32>
        %parallel_loop3A_1863 = arith.addf %parallel_loop3A_1860, %parallel_loop3A_1862 : vector<16xf32>
        %parallel_loop3A_1864 = arith.mulf %parallel_loop3A_1863, %parallel_loop3A_1863 : vector<16xf32>
        %parallel_loop3A_1865 = arith.addf %parallel_loop3A_1841, %parallel_loop3A_1864 : vector<16xf32>
        %parallel_loop3A_1866 = arith.index_cast %parallel_loop3A_1789 : i32 to index
        %parallel_loop3A_1867 = arith.constant 96 : index
        %parallel_loop3A_1868 = tpu.vector_load %arg8[%parallel_loop3A_1866, %parallel_loop3A_1867] {strides = array<i32>} : memref<96x128xf32, #tpu.memory_space<vmem>>, vector<16xf32>,
        %parallel_loop3A_1869 = arith.index_cast %parallel_loop3A_1789 : i32 to index
        %parallel_loop3A_1870 = arith.constant 96 : index
        %parallel_loop3A_1871 = tpu.vector_load %arg9[%parallel_loop3A_1869, %parallel_loop3A_1870] {strides = array<i32>} : memref<96x128xf32, #tpu.memory_space<vmem>>, vector<16xf32>,
        %parallel_loop3A_1872 = arith.subf %parallel_loop3A_1868, %parallel_loop3A_1871 : vector<16xf32>
        %parallel_loop3A_1873 = arith.constant 9.99999997E-7 : f32
        %parallel_loop3A_1874 = vector.broadcast %parallel_loop3A_1873 : f32 to vector<16xf32>
        %parallel_loop3A_1875 = arith.addf %parallel_loop3A_1872, %parallel_loop3A_1874 : vector<16xf32>
        %parallel_loop3A_1876 = arith.mulf %parallel_loop3A_1875, %parallel_loop3A_1875 : vector<16xf32>
        %parallel_loop3A_1877 = arith.addf %parallel_loop3A_1853, %parallel_loop3A_1876 : vector<16xf32>
        %parallel_loop3A_1878 = arith.index_cast %parallel_loop3A_1789 : i32 to index
        %parallel_loop3A_1879 = arith.constant 112 : index
        %parallel_loop3A_1880 = tpu.vector_load %arg8[%parallel_loop3A_1878, %parallel_loop3A_1879] {strides = array<i32>} : memref<96x128xf32, #tpu.memory_space<vmem>>, vector<16xf32>,
        %parallel_loop3A_1881 = arith.index_cast %parallel_loop3A_1789 : i32 to index
        %parallel_loop3A_1882 = arith.constant 112 : index
        %parallel_loop3A_1883 = tpu.vector_load %arg9[%parallel_loop3A_1881, %parallel_loop3A_1882] {strides = array<i32>} : memref<96x128xf32, #tpu.memory_space<vmem>>, vector<16xf32>,
        %parallel_loop3A_1884 = arith.subf %parallel_loop3A_1880, %parallel_loop3A_1883 : vector<16xf32>
        %parallel_loop3A_1885 = arith.constant 9.99999997E-7 : f32
        %parallel_loop3A_1886 = vector.broadcast %parallel_loop3A_1885 : f32 to vector<16xf32>
        %parallel_loop3A_1887 = arith.addf %parallel_loop3A_1884, %parallel_loop3A_1886 : vector<16xf32>
        %parallel_loop3A_1888 = arith.mulf %parallel_loop3A_1887, %parallel_loop3A_1887 : vector<16xf32>
        %parallel_loop3A_1889 = arith.addf %parallel_loop3A_1865, %parallel_loop3A_1888 : vector<16xf32>
        %parallel_loop3A_1890 = arith.constant 13 : i32
        %parallel_loop3A_1891 = vector.broadcast %parallel_loop3A_1890 : i32 to vector<16xi32>
        %parallel_loop3A_1892 = arith.cmpi eq, %iota3A, %parallel_loop3A_1891 : vector<16xi32>
        %parallel_loop3A_1893 = arith.addf %parallel_loop3A_1877, %parallel_loop3A_1889 : vector<16xf32>
        %parallel_loop3A_1894 = arith.constant true
        %parallel_loop3A_1895 = vector.broadcast %parallel_loop3A_1894 : i1 to vector<16xi1>
        %parallel_loop3A_1896 = tpu.scan <sum>, %parallel_loop3A_1893 masked %parallel_loop3A_1895 : vector<16xf32>, vector<16xi1> -> vector<16xf32>
        %parallel_loop3A_1897 = vector.extract %parallel_loop3A_1896[15] : f32 from vector<16xf32>
        %parallel_loop3A_1898 = vector.broadcast %parallel_loop3A_1897 : f32 to vector<16xf32>
        %parallel_loop3A_1899 = arith.select %parallel_loop3A_1892, %parallel_loop3A_1898, %parallel_loop3A_1439 : vector<16xi1>, vector<16xf32>
        %parallel_loop3A_1900 = arith.constant 16 : i32
        %parallel_loop3A_1901 = arith.muli %parallel_loop3A_281, %parallel_loop3A_1900 : i32
        %parallel_loop3A_1902 = arith.addi %mul3A_260, %parallel_loop3A_1901 : i32
        %parallel_loop3A_1903 = arith.constant 14 : i32
        %parallel_loop3A_1904 = arith.addi %parallel_loop3A_1902, %parallel_loop3A_1903 : i32
        %parallel_loop3A_1905 = arith.constant 0.000000e+00 : f32
        %parallel_loop3A_1906 = vector.broadcast %parallel_loop3A_1905 : f32 to vector<16xf32>
        %parallel_loop3A_1907 = arith.constant 0.000000e+00 : f32
        %parallel_loop3A_1908 = vector.broadcast %parallel_loop3A_1907 : f32 to vector<16xf32>
        %parallel_loop3A_1909 = arith.index_cast %parallel_loop3A_1904 : i32 to index
        %parallel_loop3A_1910 = arith.constant 0 : index
        %parallel_loop3A_1911 = tpu.vector_load %arg8[%parallel_loop3A_1909, %parallel_loop3A_1910] {strides = array<i32>} : memref<96x128xf32, #tpu.memory_space<vmem>>, vector<16xf32>,
        %parallel_loop3A_1912 = arith.index_cast %parallel_loop3A_1904 : i32 to index
        %parallel_loop3A_1913 = arith.constant 0 : index
        %parallel_loop3A_1914 = tpu.vector_load %arg9[%parallel_loop3A_1912, %parallel_loop3A_1913] {strides = array<i32>} : memref<96x128xf32, #tpu.memory_space<vmem>>, vector<16xf32>,
        %parallel_loop3A_1915 = arith.subf %parallel_loop3A_1911, %parallel_loop3A_1914 : vector<16xf32>
        %parallel_loop3A_1916 = arith.constant 9.99999997E-7 : f32
        %parallel_loop3A_1917 = vector.broadcast %parallel_loop3A_1916 : f32 to vector<16xf32>
        %parallel_loop3A_1918 = arith.addf %parallel_loop3A_1915, %parallel_loop3A_1917 : vector<16xf32>
        %parallel_loop3A_1919 = arith.mulf %parallel_loop3A_1918, %parallel_loop3A_1918 : vector<16xf32>
        %parallel_loop3A_1920 = arith.addf %parallel_loop3A_1906, %parallel_loop3A_1919 : vector<16xf32>
        %parallel_loop3A_1921 = arith.index_cast %parallel_loop3A_1904 : i32 to index
        %parallel_loop3A_1922 = arith.constant 16 : index
        %parallel_loop3A_1923 = tpu.vector_load %arg8[%parallel_loop3A_1921, %parallel_loop3A_1922] {strides = array<i32>} : memref<96x128xf32, #tpu.memory_space<vmem>>, vector<16xf32>,
        %parallel_loop3A_1924 = arith.index_cast %parallel_loop3A_1904 : i32 to index
        %parallel_loop3A_1925 = arith.constant 16 : index
        %parallel_loop3A_1926 = tpu.vector_load %arg9[%parallel_loop3A_1924, %parallel_loop3A_1925] {strides = array<i32>} : memref<96x128xf32, #tpu.memory_space<vmem>>, vector<16xf32>,
        %parallel_loop3A_1927 = arith.subf %parallel_loop3A_1923, %parallel_loop3A_1926 : vector<16xf32>
        %parallel_loop3A_1928 = arith.constant 9.99999997E-7 : f32
        %parallel_loop3A_1929 = vector.broadcast %parallel_loop3A_1928 : f32 to vector<16xf32>
        %parallel_loop3A_1930 = arith.addf %parallel_loop3A_1927, %parallel_loop3A_1929 : vector<16xf32>
        %parallel_loop3A_1931 = arith.mulf %parallel_loop3A_1930, %parallel_loop3A_1930 : vector<16xf32>
        %parallel_loop3A_1932 = arith.addf %parallel_loop3A_1908, %parallel_loop3A_1931 : vector<16xf32>
        %parallel_loop3A_1933 = arith.index_cast %parallel_loop3A_1904 : i32 to index
        %parallel_loop3A_1934 = arith.constant 32 : index
        %parallel_loop3A_1935 = tpu.vector_load %arg8[%parallel_loop3A_1933, %parallel_loop3A_1934] {strides = array<i32>} : memref<96x128xf32, #tpu.memory_space<vmem>>, vector<16xf32>,
        %parallel_loop3A_1936 = arith.index_cast %parallel_loop3A_1904 : i32 to index
        %parallel_loop3A_1937 = arith.constant 32 : index
        %parallel_loop3A_1938 = tpu.vector_load %arg9[%parallel_loop3A_1936, %parallel_loop3A_1937] {strides = array<i32>} : memref<96x128xf32, #tpu.memory_space<vmem>>, vector<16xf32>,
        %parallel_loop3A_1939 = arith.subf %parallel_loop3A_1935, %parallel_loop3A_1938 : vector<16xf32>
        %parallel_loop3A_1940 = arith.constant 9.99999997E-7 : f32
        %parallel_loop3A_1941 = vector.broadcast %parallel_loop3A_1940 : f32 to vector<16xf32>
        %parallel_loop3A_1942 = arith.addf %parallel_loop3A_1939, %parallel_loop3A_1941 : vector<16xf32>
        %parallel_loop3A_1943 = arith.mulf %parallel_loop3A_1942, %parallel_loop3A_1942 : vector<16xf32>
        %parallel_loop3A_1944 = arith.addf %parallel_loop3A_1920, %parallel_loop3A_1943 : vector<16xf32>
        %parallel_loop3A_1945 = arith.index_cast %parallel_loop3A_1904 : i32 to index
        %parallel_loop3A_1946 = arith.constant 48 : index
        %parallel_loop3A_1947 = tpu.vector_load %arg8[%parallel_loop3A_1945, %parallel_loop3A_1946] {strides = array<i32>} : memref<96x128xf32, #tpu.memory_space<vmem>>, vector<16xf32>,
        %parallel_loop3A_1948 = arith.index_cast %parallel_loop3A_1904 : i32 to index
        %parallel_loop3A_1949 = arith.constant 48 : index
        %parallel_loop3A_1950 = tpu.vector_load %arg9[%parallel_loop3A_1948, %parallel_loop3A_1949] {strides = array<i32>} : memref<96x128xf32, #tpu.memory_space<vmem>>, vector<16xf32>,
        %parallel_loop3A_1951 = arith.subf %parallel_loop3A_1947, %parallel_loop3A_1950 : vector<16xf32>
        %parallel_loop3A_1952 = arith.constant 9.99999997E-7 : f32
        %parallel_loop3A_1953 = vector.broadcast %parallel_loop3A_1952 : f32 to vector<16xf32>
        %parallel_loop3A_1954 = arith.addf %parallel_loop3A_1951, %parallel_loop3A_1953 : vector<16xf32>
        %parallel_loop3A_1955 = arith.mulf %parallel_loop3A_1954, %parallel_loop3A_1954 : vector<16xf32>
        %parallel_loop3A_1956 = arith.addf %parallel_loop3A_1932, %parallel_loop3A_1955 : vector<16xf32>
        %parallel_loop3A_1957 = arith.index_cast %parallel_loop3A_1904 : i32 to index
        %parallel_loop3A_1958 = arith.constant 64 : index
        %parallel_loop3A_1959 = tpu.vector_load %arg8[%parallel_loop3A_1957, %parallel_loop3A_1958] {strides = array<i32>} : memref<96x128xf32, #tpu.memory_space<vmem>>, vector<16xf32>,
        %parallel_loop3A_1960 = arith.index_cast %parallel_loop3A_1904 : i32 to index
        %parallel_loop3A_1961 = arith.constant 64 : index
        %parallel_loop3A_1962 = tpu.vector_load %arg9[%parallel_loop3A_1960, %parallel_loop3A_1961] {strides = array<i32>} : memref<96x128xf32, #tpu.memory_space<vmem>>, vector<16xf32>,
        %parallel_loop3A_1963 = arith.subf %parallel_loop3A_1959, %parallel_loop3A_1962 : vector<16xf32>
        %parallel_loop3A_1964 = arith.constant 9.99999997E-7 : f32
        %parallel_loop3A_1965 = vector.broadcast %parallel_loop3A_1964 : f32 to vector<16xf32>
        %parallel_loop3A_1966 = arith.addf %parallel_loop3A_1963, %parallel_loop3A_1965 : vector<16xf32>
        %parallel_loop3A_1967 = arith.mulf %parallel_loop3A_1966, %parallel_loop3A_1966 : vector<16xf32>
        %parallel_loop3A_1968 = arith.addf %parallel_loop3A_1944, %parallel_loop3A_1967 : vector<16xf32>
        %parallel_loop3A_1969 = arith.index_cast %parallel_loop3A_1904 : i32 to index
        %parallel_loop3A_1970 = arith.constant 80 : index
        %parallel_loop3A_1971 = tpu.vector_load %arg8[%parallel_loop3A_1969, %parallel_loop3A_1970] {strides = array<i32>} : memref<96x128xf32, #tpu.memory_space<vmem>>, vector<16xf32>,
        %parallel_loop3A_1972 = arith.index_cast %parallel_loop3A_1904 : i32 to index
        %parallel_loop3A_1973 = arith.constant 80 : index
        %parallel_loop3A_1974 = tpu.vector_load %arg9[%parallel_loop3A_1972, %parallel_loop3A_1973] {strides = array<i32>} : memref<96x128xf32, #tpu.memory_space<vmem>>, vector<16xf32>,
        %parallel_loop3A_1975 = arith.subf %parallel_loop3A_1971, %parallel_loop3A_1974 : vector<16xf32>
        %parallel_loop3A_1976 = arith.constant 9.99999997E-7 : f32
        %parallel_loop3A_1977 = vector.broadcast %parallel_loop3A_1976 : f32 to vector<16xf32>
        %parallel_loop3A_1978 = arith.addf %parallel_loop3A_1975, %parallel_loop3A_1977 : vector<16xf32>
        %parallel_loop3A_1979 = arith.mulf %parallel_loop3A_1978, %parallel_loop3A_1978 : vector<16xf32>
        %parallel_loop3A_1980 = arith.addf %parallel_loop3A_1956, %parallel_loop3A_1979 : vector<16xf32>
        %parallel_loop3A_1981 = arith.index_cast %parallel_loop3A_1904 : i32 to index
        %parallel_loop3A_1982 = arith.constant 96 : index
        %parallel_loop3A_1983 = tpu.vector_load %arg8[%parallel_loop3A_1981, %parallel_loop3A_1982] {strides = array<i32>} : memref<96x128xf32, #tpu.memory_space<vmem>>, vector<16xf32>,
        %parallel_loop3A_1984 = arith.index_cast %parallel_loop3A_1904 : i32 to index
        %parallel_loop3A_1985 = arith.constant 96 : index
        %parallel_loop3A_1986 = tpu.vector_load %arg9[%parallel_loop3A_1984, %parallel_loop3A_1985] {strides = array<i32>} : memref<96x128xf32, #tpu.memory_space<vmem>>, vector<16xf32>,
        %parallel_loop3A_1987 = arith.subf %parallel_loop3A_1983, %parallel_loop3A_1986 : vector<16xf32>
        %parallel_loop3A_1988 = arith.constant 9.99999997E-7 : f32
        %parallel_loop3A_1989 = vector.broadcast %parallel_loop3A_1988 : f32 to vector<16xf32>
        %parallel_loop3A_1990 = arith.addf %parallel_loop3A_1987, %parallel_loop3A_1989 : vector<16xf32>
        %parallel_loop3A_1991 = arith.mulf %parallel_loop3A_1990, %parallel_loop3A_1990 : vector<16xf32>
        %parallel_loop3A_1992 = arith.addf %parallel_loop3A_1968, %parallel_loop3A_1991 : vector<16xf32>
        %parallel_loop3A_1993 = arith.index_cast %parallel_loop3A_1904 : i32 to index
        %parallel_loop3A_1994 = arith.constant 112 : index
        %parallel_loop3A_1995 = tpu.vector_load %arg8[%parallel_loop3A_1993, %parallel_loop3A_1994] {strides = array<i32>} : memref<96x128xf32, #tpu.memory_space<vmem>>, vector<16xf32>,
        %parallel_loop3A_1996 = arith.index_cast %parallel_loop3A_1904 : i32 to index
        %parallel_loop3A_1997 = arith.constant 112 : index
        %parallel_loop3A_1998 = tpu.vector_load %arg9[%parallel_loop3A_1996, %parallel_loop3A_1997] {strides = array<i32>} : memref<96x128xf32, #tpu.memory_space<vmem>>, vector<16xf32>,
        %parallel_loop3A_1999 = arith.subf %parallel_loop3A_1995, %parallel_loop3A_1998 : vector<16xf32>
        %parallel_loop3A_2000 = arith.constant 9.99999997E-7 : f32
        %parallel_loop3A_2001 = vector.broadcast %parallel_loop3A_2000 : f32 to vector<16xf32>
        %parallel_loop3A_2002 = arith.addf %parallel_loop3A_1999, %parallel_loop3A_2001 : vector<16xf32>
        %parallel_loop3A_2003 = arith.mulf %parallel_loop3A_2002, %parallel_loop3A_2002 : vector<16xf32>
        %parallel_loop3A_2004 = arith.addf %parallel_loop3A_1980, %parallel_loop3A_2003 : vector<16xf32>
        %parallel_loop3A_2005 = arith.constant 14 : i32
        %parallel_loop3A_2006 = vector.broadcast %parallel_loop3A_2005 : i32 to vector<16xi32>
        %parallel_loop3A_2007 = arith.cmpi eq, %iota3A, %parallel_loop3A_2006 : vector<16xi32>
        %parallel_loop3A_2008 = arith.addf %parallel_loop3A_1992, %parallel_loop3A_2004 : vector<16xf32>
        %parallel_loop3A_2009 = arith.constant true
        %parallel_loop3A_2010 = vector.broadcast %parallel_loop3A_2009 : i1 to vector<16xi1>
        %parallel_loop3A_2011 = tpu.scan <sum>, %parallel_loop3A_2008 masked %parallel_loop3A_2010 : vector<16xf32>, vector<16xi1> -> vector<16xf32>
        %parallel_loop3A_2012 = vector.extract %parallel_loop3A_2011[15] : f32 from vector<16xf32>
        %parallel_loop3A_2013 = vector.broadcast %parallel_loop3A_2012 : f32 to vector<16xf32>
        %parallel_loop3A_2014 = arith.select %parallel_loop3A_2007, %parallel_loop3A_2013, %parallel_loop3A_1554 : vector<16xi1>, vector<16xf32>
        %parallel_loop3A_2015 = arith.constant 16 : i32
        %parallel_loop3A_2016 = arith.muli %parallel_loop3A_281, %parallel_loop3A_2015 : i32
        %parallel_loop3A_2017 = arith.addi %mul3A_260, %parallel_loop3A_2016 : i32
        %parallel_loop3A_2018 = arith.constant 15 : i32
        %parallel_loop3A_2019 = arith.addi %parallel_loop3A_2017, %parallel_loop3A_2018 : i32
        %parallel_loop3A_2020 = arith.constant 0.000000e+00 : f32
        %parallel_loop3A_2021 = vector.broadcast %parallel_loop3A_2020 : f32 to vector<16xf32>
        %parallel_loop3A_2022 = arith.constant 0.000000e+00 : f32
        %parallel_loop3A_2023 = vector.broadcast %parallel_loop3A_2022 : f32 to vector<16xf32>
        %parallel_loop3A_2024 = arith.index_cast %parallel_loop3A_2019 : i32 to index
        %parallel_loop3A_2025 = arith.constant 0 : index
        %parallel_loop3A_2026 = tpu.vector_load %arg8[%parallel_loop3A_2024, %parallel_loop3A_2025] {strides = array<i32>} : memref<96x128xf32, #tpu.memory_space<vmem>>, vector<16xf32>,
        %parallel_loop3A_2027 = arith.index_cast %parallel_loop3A_2019 : i32 to index
        %parallel_loop3A_2028 = arith.constant 0 : index
        %parallel_loop3A_2029 = tpu.vector_load %arg9[%parallel_loop3A_2027, %parallel_loop3A_2028] {strides = array<i32>} : memref<96x128xf32, #tpu.memory_space<vmem>>, vector<16xf32>,
        %parallel_loop3A_2030 = arith.subf %parallel_loop3A_2026, %parallel_loop3A_2029 : vector<16xf32>
        %parallel_loop3A_2031 = arith.constant 9.99999997E-7 : f32
        %parallel_loop3A_2032 = vector.broadcast %parallel_loop3A_2031 : f32 to vector<16xf32>
        %parallel_loop3A_2033 = arith.addf %parallel_loop3A_2030, %parallel_loop3A_2032 : vector<16xf32>
        %parallel_loop3A_2034 = arith.mulf %parallel_loop3A_2033, %parallel_loop3A_2033 : vector<16xf32>
        %parallel_loop3A_2035 = arith.addf %parallel_loop3A_2021, %parallel_loop3A_2034 : vector<16xf32>
        %parallel_loop3A_2036 = arith.index_cast %parallel_loop3A_2019 : i32 to index
        %parallel_loop3A_2037 = arith.constant 16 : index
        %parallel_loop3A_2038 = tpu.vector_load %arg8[%parallel_loop3A_2036, %parallel_loop3A_2037] {strides = array<i32>} : memref<96x128xf32, #tpu.memory_space<vmem>>, vector<16xf32>,
        %parallel_loop3A_2039 = arith.index_cast %parallel_loop3A_2019 : i32 to index
        %parallel_loop3A_2040 = arith.constant 16 : index
        %parallel_loop3A_2041 = tpu.vector_load %arg9[%parallel_loop3A_2039, %parallel_loop3A_2040] {strides = array<i32>} : memref<96x128xf32, #tpu.memory_space<vmem>>, vector<16xf32>,
        %parallel_loop3A_2042 = arith.subf %parallel_loop3A_2038, %parallel_loop3A_2041 : vector<16xf32>
        %parallel_loop3A_2043 = arith.constant 9.99999997E-7 : f32
        %parallel_loop3A_2044 = vector.broadcast %parallel_loop3A_2043 : f32 to vector<16xf32>
        %parallel_loop3A_2045 = arith.addf %parallel_loop3A_2042, %parallel_loop3A_2044 : vector<16xf32>
        %parallel_loop3A_2046 = arith.mulf %parallel_loop3A_2045, %parallel_loop3A_2045 : vector<16xf32>
        %parallel_loop3A_2047 = arith.addf %parallel_loop3A_2023, %parallel_loop3A_2046 : vector<16xf32>
        %parallel_loop3A_2048 = arith.index_cast %parallel_loop3A_2019 : i32 to index
        %parallel_loop3A_2049 = arith.constant 32 : index
        %parallel_loop3A_2050 = tpu.vector_load %arg8[%parallel_loop3A_2048, %parallel_loop3A_2049] {strides = array<i32>} : memref<96x128xf32, #tpu.memory_space<vmem>>, vector<16xf32>,
        %parallel_loop3A_2051 = arith.index_cast %parallel_loop3A_2019 : i32 to index
        %parallel_loop3A_2052 = arith.constant 32 : index
        %parallel_loop3A_2053 = tpu.vector_load %arg9[%parallel_loop3A_2051, %parallel_loop3A_2052] {strides = array<i32>} : memref<96x128xf32, #tpu.memory_space<vmem>>, vector<16xf32>,
        %parallel_loop3A_2054 = arith.subf %parallel_loop3A_2050, %parallel_loop3A_2053 : vector<16xf32>
        %parallel_loop3A_2055 = arith.constant 9.99999997E-7 : f32
        %parallel_loop3A_2056 = vector.broadcast %parallel_loop3A_2055 : f32 to vector<16xf32>
        %parallel_loop3A_2057 = arith.addf %parallel_loop3A_2054, %parallel_loop3A_2056 : vector<16xf32>
        %parallel_loop3A_2058 = arith.mulf %parallel_loop3A_2057, %parallel_loop3A_2057 : vector<16xf32>
        %parallel_loop3A_2059 = arith.addf %parallel_loop3A_2035, %parallel_loop3A_2058 : vector<16xf32>
        %parallel_loop3A_2060 = arith.index_cast %parallel_loop3A_2019 : i32 to index
        %parallel_loop3A_2061 = arith.constant 48 : index
        %parallel_loop3A_2062 = tpu.vector_load %arg8[%parallel_loop3A_2060, %parallel_loop3A_2061] {strides = array<i32>} : memref<96x128xf32, #tpu.memory_space<vmem>>, vector<16xf32>,
        %parallel_loop3A_2063 = arith.index_cast %parallel_loop3A_2019 : i32 to index
        %parallel_loop3A_2064 = arith.constant 48 : index
        %parallel_loop3A_2065 = tpu.vector_load %arg9[%parallel_loop3A_2063, %parallel_loop3A_2064] {strides = array<i32>} : memref<96x128xf32, #tpu.memory_space<vmem>>, vector<16xf32>,
        %parallel_loop3A_2066 = arith.subf %parallel_loop3A_2062, %parallel_loop3A_2065 : vector<16xf32>
        %parallel_loop3A_2067 = arith.constant 9.99999997E-7 : f32
        %parallel_loop3A_2068 = vector.broadcast %parallel_loop3A_2067 : f32 to vector<16xf32>
        %parallel_loop3A_2069 = arith.addf %parallel_loop3A_2066, %parallel_loop3A_2068 : vector<16xf32>
        %parallel_loop3A_2070 = arith.mulf %parallel_loop3A_2069, %parallel_loop3A_2069 : vector<16xf32>
        %parallel_loop3A_2071 = arith.addf %parallel_loop3A_2047, %parallel_loop3A_2070 : vector<16xf32>
        %parallel_loop3A_2072 = arith.index_cast %parallel_loop3A_2019 : i32 to index
        %parallel_loop3A_2073 = arith.constant 64 : index
        %parallel_loop3A_2074 = tpu.vector_load %arg8[%parallel_loop3A_2072, %parallel_loop3A_2073] {strides = array<i32>} : memref<96x128xf32, #tpu.memory_space<vmem>>, vector<16xf32>,
        %parallel_loop3A_2075 = arith.index_cast %parallel_loop3A_2019 : i32 to index
        %parallel_loop3A_2076 = arith.constant 64 : index
        %parallel_loop3A_2077 = tpu.vector_load %arg9[%parallel_loop3A_2075, %parallel_loop3A_2076] {strides = array<i32>} : memref<96x128xf32, #tpu.memory_space<vmem>>, vector<16xf32>,
        %parallel_loop3A_2078 = arith.subf %parallel_loop3A_2074, %parallel_loop3A_2077 : vector<16xf32>
        %parallel_loop3A_2079 = arith.constant 9.99999997E-7 : f32
        %parallel_loop3A_2080 = vector.broadcast %parallel_loop3A_2079 : f32 to vector<16xf32>
        %parallel_loop3A_2081 = arith.addf %parallel_loop3A_2078, %parallel_loop3A_2080 : vector<16xf32>
        %parallel_loop3A_2082 = arith.mulf %parallel_loop3A_2081, %parallel_loop3A_2081 : vector<16xf32>
        %parallel_loop3A_2083 = arith.addf %parallel_loop3A_2059, %parallel_loop3A_2082 : vector<16xf32>
        %parallel_loop3A_2084 = arith.index_cast %parallel_loop3A_2019 : i32 to index
        %parallel_loop3A_2085 = arith.constant 80 : index
        %parallel_loop3A_2086 = tpu.vector_load %arg8[%parallel_loop3A_2084, %parallel_loop3A_2085] {strides = array<i32>} : memref<96x128xf32, #tpu.memory_space<vmem>>, vector<16xf32>,
        %parallel_loop3A_2087 = arith.index_cast %parallel_loop3A_2019 : i32 to index
        %parallel_loop3A_2088 = arith.constant 80 : index
        %parallel_loop3A_2089 = tpu.vector_load %arg9[%parallel_loop3A_2087, %parallel_loop3A_2088] {strides = array<i32>} : memref<96x128xf32, #tpu.memory_space<vmem>>, vector<16xf32>,
        %parallel_loop3A_2090 = arith.subf %parallel_loop3A_2086, %parallel_loop3A_2089 : vector<16xf32>
        %parallel_loop3A_2091 = arith.constant 9.99999997E-7 : f32
        %parallel_loop3A_2092 = vector.broadcast %parallel_loop3A_2091 : f32 to vector<16xf32>
        %parallel_loop3A_2093 = arith.addf %parallel_loop3A_2090, %parallel_loop3A_2092 : vector<16xf32>
        %parallel_loop3A_2094 = arith.mulf %parallel_loop3A_2093, %parallel_loop3A_2093 : vector<16xf32>
        %parallel_loop3A_2095 = arith.addf %parallel_loop3A_2071, %parallel_loop3A_2094 : vector<16xf32>
        %parallel_loop3A_2096 = arith.index_cast %parallel_loop3A_2019 : i32 to index
        %parallel_loop3A_2097 = arith.constant 96 : index
        %parallel_loop3A_2098 = tpu.vector_load %arg8[%parallel_loop3A_2096, %parallel_loop3A_2097] {strides = array<i32>} : memref<96x128xf32, #tpu.memory_space<vmem>>, vector<16xf32>,
        %parallel_loop3A_2099 = arith.index_cast %parallel_loop3A_2019 : i32 to index
        %parallel_loop3A_2100 = arith.constant 96 : index
        %parallel_loop3A_2101 = tpu.vector_load %arg9[%parallel_loop3A_2099, %parallel_loop3A_2100] {strides = array<i32>} : memref<96x128xf32, #tpu.memory_space<vmem>>, vector<16xf32>,
        %parallel_loop3A_2102 = arith.subf %parallel_loop3A_2098, %parallel_loop3A_2101 : vector<16xf32>
        %parallel_loop3A_2103 = arith.constant 9.99999997E-7 : f32
        %parallel_loop3A_2104 = vector.broadcast %parallel_loop3A_2103 : f32 to vector<16xf32>
        %parallel_loop3A_2105 = arith.addf %parallel_loop3A_2102, %parallel_loop3A_2104 : vector<16xf32>
        %parallel_loop3A_2106 = arith.mulf %parallel_loop3A_2105, %parallel_loop3A_2105 : vector<16xf32>
        %parallel_loop3A_2107 = arith.addf %parallel_loop3A_2083, %parallel_loop3A_2106 : vector<16xf32>
        %parallel_loop3A_2108 = arith.index_cast %parallel_loop3A_2019 : i32 to index
        %parallel_loop3A_2109 = arith.constant 112 : index
        %parallel_loop3A_2110 = tpu.vector_load %arg8[%parallel_loop3A_2108, %parallel_loop3A_2109] {strides = array<i32>} : memref<96x128xf32, #tpu.memory_space<vmem>>, vector<16xf32>,
        %parallel_loop3A_2111 = arith.index_cast %parallel_loop3A_2019 : i32 to index
        %parallel_loop3A_2112 = arith.constant 112 : index
        %parallel_loop3A_2113 = tpu.vector_load %arg9[%parallel_loop3A_2111, %parallel_loop3A_2112] {strides = array<i32>} : memref<96x128xf32, #tpu.memory_space<vmem>>, vector<16xf32>,
        %parallel_loop3A_2114 = arith.subf %parallel_loop3A_2110, %parallel_loop3A_2113 : vector<16xf32>
        %parallel_loop3A_2115 = arith.constant 9.99999997E-7 : f32
        %parallel_loop3A_2116 = vector.broadcast %parallel_loop3A_2115 : f32 to vector<16xf32>
        %parallel_loop3A_2117 = arith.addf %parallel_loop3A_2114, %parallel_loop3A_2116 : vector<16xf32>
        %parallel_loop3A_2118 = arith.mulf %parallel_loop3A_2117, %parallel_loop3A_2117 : vector<16xf32>
        %parallel_loop3A_2119 = arith.addf %parallel_loop3A_2095, %parallel_loop3A_2118 : vector<16xf32>
        %parallel_loop3A_2120 = arith.constant 15 : i32
        %parallel_loop3A_2121 = vector.broadcast %parallel_loop3A_2120 : i32 to vector<16xi32>
        %parallel_loop3A_2122 = arith.cmpi eq, %iota3A, %parallel_loop3A_2121 : vector<16xi32>
        %parallel_loop3A_2123 = arith.addf %parallel_loop3A_2107, %parallel_loop3A_2119 : vector<16xf32>
        %parallel_loop3A_2124 = arith.constant true
        %parallel_loop3A_2125 = vector.broadcast %parallel_loop3A_2124 : i1 to vector<16xi1>
        %parallel_loop3A_2126 = tpu.scan <sum>, %parallel_loop3A_2123 masked %parallel_loop3A_2125 : vector<16xf32>, vector<16xi1> -> vector<16xf32>
        %parallel_loop3A_2127 = vector.extract %parallel_loop3A_2126[15] : f32 from vector<16xf32>
        %parallel_loop3A_2128 = vector.broadcast %parallel_loop3A_2127 : f32 to vector<16xf32>
        %parallel_loop3A_2129 = arith.select %parallel_loop3A_2122, %parallel_loop3A_2128, %parallel_loop3A_1669 : vector<16xi1>, vector<16xf32>
        %parallel_loop3A_2130 = arith.addf %parallel_loop3A_1784, %parallel_loop3A_1899 : vector<16xf32>
        %parallel_loop3A_2131 = arith.addf %parallel_loop3A_2014, %parallel_loop3A_2129 : vector<16xf32>
        %parallel_loop3A_2132 = arith.addf %parallel_loop3A_2130, %parallel_loop3A_2131 : vector<16xf32>
        %parallel_loop3A_2133 = vector.bitcast %parallel_loop3A_2132 : vector<16xf32> to vector<16xi32>
        %parallel_loop3A_2134 = arith.constant 1 : i32
        %parallel_loop3A_2135 = vector.broadcast %parallel_loop3A_2134 : i32 to vector<16xi32>
        %parallel_loop3A_2136 = arith.shrsi %parallel_loop3A_2133, %parallel_loop3A_2135 : vector<16xi32>
        %parallel_loop3A_2137 = arith.constant 532487669 : i32
        %parallel_loop3A_2138 = vector.broadcast %parallel_loop3A_2137 : i32 to vector<16xi32>
        %parallel_loop3A_2139 = arith.addi %parallel_loop3A_2136, %parallel_loop3A_2138 : vector<16xi32>
        %parallel_loop3A_2140 = vector.bitcast %parallel_loop3A_2139 : vector<16xi32> to vector<16xf32>
        %parallel_loop3A_2141 = arith.divf %parallel_loop3A_2132, %parallel_loop3A_2140 : vector<16xf32>
        %parallel_loop3A_2142 = arith.addf %parallel_loop3A_2140, %parallel_loop3A_2141 : vector<16xf32>
        %parallel_loop3A_2143 = arith.constant 5.000000e-01 : f32
        %parallel_loop3A_2144 = vector.broadcast %parallel_loop3A_2143 : f32 to vector<16xf32>
        %parallel_loop3A_2145 = arith.mulf %parallel_loop3A_2144, %parallel_loop3A_2142 : vector<16xf32>
        %parallel_loop3A_2146 = arith.divf %parallel_loop3A_2132, %parallel_loop3A_2145 : vector<16xf32>
        %parallel_loop3A_2147 = arith.addf %parallel_loop3A_2145, %parallel_loop3A_2146 : vector<16xf32>
        %parallel_loop3A_2148 = arith.constant 5.000000e-01 : f32
        %parallel_loop3A_2149 = vector.broadcast %parallel_loop3A_2148 : f32 to vector<16xf32>
        %parallel_loop3A_2150 = arith.mulf %parallel_loop3A_2149, %parallel_loop3A_2147 : vector<16xf32>
        %parallel_loop3A_2151 = arith.constant 16 : i32
        %parallel_loop3A_2152 = arith.muli %parallel_loop3A_281, %parallel_loop3A_2151 : i32
        %parallel_loop3A_2153 = arith.addi %mul3A_262, %parallel_loop3A_2152 : i32
        %parallel_loop3A_2154 = arith.index_cast %parallel_loop3A_2153 : i32 to index
        %parallel_loop3A_2155 = tpu.vector_load %arg10[%parallel_loop3A_2154] {strides = array<i32>} : memref<512xf32, #tpu.memory_space<vmem>>, vector<16xf32>,
        tpu.vector_store %arg10[%parallel_loop3A_2154], %parallel_loop3A_2150 {strides = array<i32>} : memref<512xf32, #tpu.memory_space<vmem>>, vector<16xf32>,
      } {sc.loop_unroll_factor = 1 : i64, sc.parallel_access}
      %mul3A_265 = arith.constant 32 : i32
      %mul3A_266 = arith.muli %scan3A_226, %mul3A_265 : i32
      %mul3A_267 = arith.constant 32 : i32
      %mul3A_268 = arith.muli %scan3A_226, %mul3A_267 : i32
      %add3A_269 = arith.addi %mul3A_2, %mul3A_268 : i32
      %dma_start3A_270 = tpu.memref_slice %arg10[%mul3A_266] : memref<512xf32, #tpu.memory_space<vmem>> -> memref<32xf32, #tpu.memory_space<vmem>>
      %dma_start3A_271 = tpu.memref_slice %arg6[%add3A_269] : memref<16384xf32, #tpu.memory_space<hbm>> -> memref<32xf32, #tpu.memory_space<hbm>>
      %dma_start3A_272 = tpu.memref_slice %arg6[%add3A_269] : memref<16384xf32, #tpu.memory_space<hbm>> -> memref<32xf32, #tpu.memory_space<hbm>>
      %dma_start3A_273 = tpu.memref_slice %arg10[%mul3A_266] : memref<512xf32, #tpu.memory_space<vmem>> -> memref<32xf32, #tpu.memory_space<vmem>>
      tpu.enqueue_dma source(%dma_start3A_273 : memref<32xf32, #tpu.memory_space<vmem>>) target(%dma_start3A_272 : memref<32xf32, #tpu.memory_space<hbm>>) target_semaphore(%arg14 : memref<!tpu.dma_semaphore, #tpu.memory_space<semaphore_mem>>)
      %add3A_274 = arith.constant 3 : i32
      %add3A_275 = arith.addi %scan3A_226, %add3A_274 : i32
      %lt3A_276 = arith.constant 16 : i32
      %lt3A_277 = arith.cmpi slt, %add3A_275, %lt3A_276 : i32
      %convert_element_type3A_278 = arith.extui %lt3A_277 : i1 to i32
      %cond3A_279 = arith.constant 0 : i32
      %cond3A_280 = arith.cmpi ne, %convert_element_type3A_278, %cond3A_279 : i32
      scf.if %cond3A_280 {
        %add3A_281 = arith.constant 3 : i32
        %add3A_282 = arith.addi %scan3A_226, %add3A_281 : i32
        %mul3A_283 = arith.constant 32 : i32
        %mul3A_284 = arith.muli %add3A_282, %mul3A_283 : i32
        %add3A_285 = arith.addi %mul3A_2, %mul3A_284 : i32
        %mul3A_286 = arith.constant 32 : i32
        %mul3A_287 = arith.muli %rem3A_227, %mul3A_286 : i32
        %dma_start3A_288 = arith.constant 0 : i32
        %dma_start3A_289 = tpu.memref_slice %arg8[%mul3A_287, %dma_start3A_288] : memref<96x128xf32, #tpu.memory_space<vmem>> -> memref<32x128xf32, #tpu.memory_space<vmem>>
        %dma_start3A_290 = arith.constant 0 : i32
        %dma_start3A_291 = tpu.memref_slice %arg2[%add3A_285, %dma_start3A_290] : memref<16384x128xf32, #tpu.memory_space<hbm>> -> memref<32x128xf32, #tpu.memory_space<hbm>>
        %dma_start3A_292 = arith.constant 0 : i32
        %dma_start3A_293 = tpu.memref_slice %arg8[%mul3A_287, %dma_start3A_292] : memref<96x128xf32, #tpu.memory_space<vmem>> -> memref<32x128xf32, #tpu.memory_space<vmem>>
        %dma_start3A_294 = arith.constant 0 : i32
        %dma_start3A_295 = tpu.memref_slice %arg2[%add3A_285, %dma_start3A_294] : memref<16384x128xf32, #tpu.memory_space<hbm>> -> memref<32x128xf32, #tpu.memory_space<hbm>>
        tpu.enqueue_dma source(%dma_start3A_295 : memref<32x128xf32, #tpu.memory_space<hbm>>) target(%dma_start3A_293 : memref<32x128xf32, #tpu.memory_space<vmem>>) target_semaphore(%arg11 : memref<!tpu.dma_semaphore, #tpu.memory_space<semaphore_mem>>)
        %mul3A_296 = arith.constant 32 : i32
        %mul3A_297 = arith.muli %add3A_282, %mul3A_296 : i32
        %add3A_298 = arith.addi %mul3A_2, %mul3A_297 : i32
        %mul3A_299 = arith.constant 32 : i32
        %mul3A_300 = arith.muli %rem3A_227, %mul3A_299 : i32
        %dma_start3A_301 = arith.constant 0 : i32
        %dma_start3A_302 = tpu.memref_slice %arg9[%mul3A_300, %dma_start3A_301] : memref<96x128xf32, #tpu.memory_space<vmem>> -> memref<32x128xf32, #tpu.memory_space<vmem>>
        %dma_start3A_303 = arith.constant 0 : i32
        %dma_start3A_304 = tpu.memref_slice %arg3[%add3A_298, %dma_start3A_303] : memref<16384x128xf32, #tpu.memory_space<hbm>> -> memref<32x128xf32, #tpu.memory_space<hbm>>
        %dma_start3A_305 = arith.constant 0 : i32
        %dma_start3A_306 = tpu.memref_slice %arg9[%mul3A_300, %dma_start3A_305] : memref<96x128xf32, #tpu.memory_space<vmem>> -> memref<32x128xf32, #tpu.memory_space<vmem>>
        %dma_start3A_307 = arith.constant 0 : i32
        %dma_start3A_308 = tpu.memref_slice %arg3[%add3A_298, %dma_start3A_307] : memref<16384x128xf32, #tpu.memory_space<hbm>> -> memref<32x128xf32, #tpu.memory_space<hbm>>
        tpu.enqueue_dma source(%dma_start3A_308 : memref<32x128xf32, #tpu.memory_space<hbm>>) target(%dma_start3A_306 : memref<32x128xf32, #tpu.memory_space<vmem>>) target_semaphore(%arg12 : memref<!tpu.dma_semaphore, #tpu.memory_space<semaphore_mem>>)
      } else {
      }
    }
    %scan3A_97 = arith.constant 16 : i32
    %add3A_98 = arith.constant 0 : i32
    %add3A_99 = arith.addi %mul3A_2, %add3A_98 : i32
    %dma_wait3A_100 = arith.constant 0 : i32
    %dma_wait3A_101 = tpu.memref_slice %arg10[%dma_wait3A_100] : memref<512xf32, #tpu.memory_space<vmem>> -> memref<32xf32, #tpu.memory_space<vmem>>
    %dma_wait3A_102 = tpu.memref_slice %arg6[%add3A_99] : memref<16384xf32, #tpu.memory_space<hbm>> -> memref<32xf32, #tpu.memory_space<hbm>>
    %dma_wait3A_103 = tpu.memref_slice %arg6[%add3A_99] : memref<16384xf32, #tpu.memory_space<hbm>> -> memref<32xf32, #tpu.memory_space<hbm>>
    %dma_wait3A_104 = arith.constant 0 : i32
    %dma_wait3A_105 = tpu.memref_slice %arg10[%dma_wait3A_104] : memref<512xf32, #tpu.memory_space<vmem>> -> memref<32xf32, #tpu.memory_space<vmem>>
    tpu.wait_dma2 semaphore(%arg14 : memref<!tpu.dma_semaphore, #tpu.memory_space<semaphore_mem>>) src(%dma_wait3A_105 : memref<32xf32, #tpu.memory_space<vmem>>) dst(%dma_wait3A_103 : memref<32xf32, #tpu.memory_space<hbm>>)
    %add3A_106 = arith.constant 32 : i32
    %add3A_107 = arith.addi %mul3A_2, %add3A_106 : i32
    %dma_wait3A_108 = arith.constant 32 : i32
    %dma_wait3A_109 = tpu.memref_slice %arg10[%dma_wait3A_108] : memref<512xf32, #tpu.memory_space<vmem>> -> memref<32xf32, #tpu.memory_space<vmem>>
    %dma_wait3A_110 = tpu.memref_slice %arg6[%add3A_107] : memref<16384xf32, #tpu.memory_space<hbm>> -> memref<32xf32, #tpu.memory_space<hbm>>
    %dma_wait3A_111 = tpu.memref_slice %arg6[%add3A_107] : memref<16384xf32, #tpu.memory_space<hbm>> -> memref<32xf32, #tpu.memory_space<hbm>>
    %dma_wait3A_112 = arith.constant 32 : i32
    %dma_wait3A_113 = tpu.memref_slice %arg10[%dma_wait3A_112] : memref<512xf32, #tpu.memory_space<vmem>> -> memref<32xf32, #tpu.memory_space<vmem>>
    tpu.wait_dma2 semaphore(%arg14 : memref<!tpu.dma_semaphore, #tpu.memory_space<semaphore_mem>>) src(%dma_wait3A_113 : memref<32xf32, #tpu.memory_space<vmem>>) dst(%dma_wait3A_111 : memref<32xf32, #tpu.memory_space<hbm>>)
    %add3A_114 = arith.constant 64 : i32
    %add3A_115 = arith.addi %mul3A_2, %add3A_114 : i32
    %dma_wait3A_116 = arith.constant 64 : i32
    %dma_wait3A_117 = tpu.memref_slice %arg10[%dma_wait3A_116] : memref<512xf32, #tpu.memory_space<vmem>> -> memref<32xf32, #tpu.memory_space<vmem>>
    %dma_wait3A_118 = tpu.memref_slice %arg6[%add3A_115] : memref<16384xf32, #tpu.memory_space<hbm>> -> memref<32xf32, #tpu.memory_space<hbm>>
    %dma_wait3A_119 = tpu.memref_slice %arg6[%add3A_115] : memref<16384xf32, #tpu.memory_space<hbm>> -> memref<32xf32, #tpu.memory_space<hbm>>
    %dma_wait3A_120 = arith.constant 64 : i32
    %dma_wait3A_121 = tpu.memref_slice %arg10[%dma_wait3A_120] : memref<512xf32, #tpu.memory_space<vmem>> -> memref<32xf32, #tpu.memory_space<vmem>>
    tpu.wait_dma2 semaphore(%arg14 : memref<!tpu.dma_semaphore, #tpu.memory_space<semaphore_mem>>) src(%dma_wait3A_121 : memref<32xf32, #tpu.memory_space<vmem>>) dst(%dma_wait3A_119 : memref<32xf32, #tpu.memory_space<hbm>>)
    %add3A_122 = arith.constant 96 : i32
    %add3A_123 = arith.addi %mul3A_2, %add3A_122 : i32
    %dma_wait3A_124 = arith.constant 96 : i32
    %dma_wait3A_125 = tpu.memref_slice %arg10[%dma_wait3A_124] : memref<512xf32, #tpu.memory_space<vmem>> -> memref<32xf32, #tpu.memory_space<vmem>>
    %dma_wait3A_126 = tpu.memref_slice %arg6[%add3A_123] : memref<16384xf32, #tpu.memory_space<hbm>> -> memref<32xf32, #tpu.memory_space<hbm>>
    %dma_wait3A_127 = tpu.memref_slice %arg6[%add3A_123] : memref<16384xf32, #tpu.memory_space<hbm>> -> memref<32xf32, #tpu.memory_space<hbm>>
    %dma_wait3A_128 = arith.constant 96 : i32
    %dma_wait3A_129 = tpu.memref_slice %arg10[%dma_wait3A_128] : memref<512xf32, #tpu.memory_space<vmem>> -> memref<32xf32, #tpu.memory_space<vmem>>
    tpu.wait_dma2 semaphore(%arg14 : memref<!tpu.dma_semaphore, #tpu.memory_space<semaphore_mem>>) src(%dma_wait3A_129 : memref<32xf32, #tpu.memory_space<vmem>>) dst(%dma_wait3A_127 : memref<32xf32, #tpu.memory_space<hbm>>)
    %add3A_130 = arith.constant 128 : i32
    %add3A_131 = arith.addi %mul3A_2, %add3A_130 : i32
    %dma_wait3A_132 = arith.constant 128 : i32
    %dma_wait3A_133 = tpu.memref_slice %arg10[%dma_wait3A_132] : memref<512xf32, #tpu.memory_space<vmem>> -> memref<32xf32, #tpu.memory_space<vmem>>
    %dma_wait3A_134 = tpu.memref_slice %arg6[%add3A_131] : memref<16384xf32, #tpu.memory_space<hbm>> -> memref<32xf32, #tpu.memory_space<hbm>>
    %dma_wait3A_135 = tpu.memref_slice %arg6[%add3A_131] : memref<16384xf32, #tpu.memory_space<hbm>> -> memref<32xf32, #tpu.memory_space<hbm>>
    %dma_wait3A_136 = arith.constant 128 : i32
    %dma_wait3A_137 = tpu.memref_slice %arg10[%dma_wait3A_136] : memref<512xf32, #tpu.memory_space<vmem>> -> memref<32xf32, #tpu.memory_space<vmem>>
    tpu.wait_dma2 semaphore(%arg14 : memref<!tpu.dma_semaphore, #tpu.memory_space<semaphore_mem>>) src(%dma_wait3A_137 : memref<32xf32, #tpu.memory_space<vmem>>) dst(%dma_wait3A_135 : memref<32xf32, #tpu.memory_space<hbm>>)
    %add3A_138 = arith.constant 160 : i32
    %add3A_139 = arith.addi %mul3A_2, %add3A_138 : i32
    %dma_wait3A_140 = arith.constant 160 : i32
    %dma_wait3A_141 = tpu.memref_slice %arg10[%dma_wait3A_140] : memref<512xf32, #tpu.memory_space<vmem>> -> memref<32xf32, #tpu.memory_space<vmem>>
    %dma_wait3A_142 = tpu.memref_slice %arg6[%add3A_139] : memref<16384xf32, #tpu.memory_space<hbm>> -> memref<32xf32, #tpu.memory_space<hbm>>
    %dma_wait3A_143 = tpu.memref_slice %arg6[%add3A_139] : memref<16384xf32, #tpu.memory_space<hbm>> -> memref<32xf32, #tpu.memory_space<hbm>>
    %dma_wait3A_144 = arith.constant 160 : i32
    %dma_wait3A_145 = tpu.memref_slice %arg10[%dma_wait3A_144] : memref<512xf32, #tpu.memory_space<vmem>> -> memref<32xf32, #tpu.memory_space<vmem>>
    tpu.wait_dma2 semaphore(%arg14 : memref<!tpu.dma_semaphore, #tpu.memory_space<semaphore_mem>>) src(%dma_wait3A_145 : memref<32xf32, #tpu.memory_space<vmem>>) dst(%dma_wait3A_143 : memref<32xf32, #tpu.memory_space<hbm>>)
    %add3A_146 = arith.constant 192 : i32
    %add3A_147 = arith.addi %mul3A_2, %add3A_146 : i32
    %dma_wait3A_148 = arith.constant 192 : i32
    %dma_wait3A_149 = tpu.memref_slice %arg10[%dma_wait3A_148] : memref<512xf32, #tpu.memory_space<vmem>> -> memref<32xf32, #tpu.memory_space<vmem>>
    %dma_wait3A_150 = tpu.memref_slice %arg6[%add3A_147] : memref<16384xf32, #tpu.memory_space<hbm>> -> memref<32xf32, #tpu.memory_space<hbm>>
    %dma_wait3A_151 = tpu.memref_slice %arg6[%add3A_147] : memref<16384xf32, #tpu.memory_space<hbm>> -> memref<32xf32, #tpu.memory_space<hbm>>
    %dma_wait3A_152 = arith.constant 192 : i32
    %dma_wait3A_153 = tpu.memref_slice %arg10[%dma_wait3A_152] : memref<512xf32, #tpu.memory_space<vmem>> -> memref<32xf32, #tpu.memory_space<vmem>>
    tpu.wait_dma2 semaphore(%arg14 : memref<!tpu.dma_semaphore, #tpu.memory_space<semaphore_mem>>) src(%dma_wait3A_153 : memref<32xf32, #tpu.memory_space<vmem>>) dst(%dma_wait3A_151 : memref<32xf32, #tpu.memory_space<hbm>>)
    %add3A_154 = arith.constant 224 : i32
    %add3A_155 = arith.addi %mul3A_2, %add3A_154 : i32
    %dma_wait3A_156 = arith.constant 224 : i32
    %dma_wait3A_157 = tpu.memref_slice %arg10[%dma_wait3A_156] : memref<512xf32, #tpu.memory_space<vmem>> -> memref<32xf32, #tpu.memory_space<vmem>>
    %dma_wait3A_158 = tpu.memref_slice %arg6[%add3A_155] : memref<16384xf32, #tpu.memory_space<hbm>> -> memref<32xf32, #tpu.memory_space<hbm>>
    %dma_wait3A_159 = tpu.memref_slice %arg6[%add3A_155] : memref<16384xf32, #tpu.memory_space<hbm>> -> memref<32xf32, #tpu.memory_space<hbm>>
    %dma_wait3A_160 = arith.constant 224 : i32
    %dma_wait3A_161 = tpu.memref_slice %arg10[%dma_wait3A_160] : memref<512xf32, #tpu.memory_space<vmem>> -> memref<32xf32, #tpu.memory_space<vmem>>
    tpu.wait_dma2 semaphore(%arg14 : memref<!tpu.dma_semaphore, #tpu.memory_space<semaphore_mem>>) src(%dma_wait3A_161 : memref<32xf32, #tpu.memory_space<vmem>>) dst(%dma_wait3A_159 : memref<32xf32, #tpu.memory_space<hbm>>)
    %add3A_162 = arith.constant 256 : i32
    %add3A_163 = arith.addi %mul3A_2, %add3A_162 : i32
    %dma_wait3A_164 = arith.constant 256 : i32
    %dma_wait3A_165 = tpu.memref_slice %arg10[%dma_wait3A_164] : memref<512xf32, #tpu.memory_space<vmem>> -> memref<32xf32, #tpu.memory_space<vmem>>
    %dma_wait3A_166 = tpu.memref_slice %arg6[%add3A_163] : memref<16384xf32, #tpu.memory_space<hbm>> -> memref<32xf32, #tpu.memory_space<hbm>>
    %dma_wait3A_167 = tpu.memref_slice %arg6[%add3A_163] : memref<16384xf32, #tpu.memory_space<hbm>> -> memref<32xf32, #tpu.memory_space<hbm>>
    %dma_wait3A_168 = arith.constant 256 : i32
    %dma_wait3A_169 = tpu.memref_slice %arg10[%dma_wait3A_168] : memref<512xf32, #tpu.memory_space<vmem>> -> memref<32xf32, #tpu.memory_space<vmem>>
    tpu.wait_dma2 semaphore(%arg14 : memref<!tpu.dma_semaphore, #tpu.memory_space<semaphore_mem>>) src(%dma_wait3A_169 : memref<32xf32, #tpu.memory_space<vmem>>) dst(%dma_wait3A_167 : memref<32xf32, #tpu.memory_space<hbm>>)
    %add3A_170 = arith.constant 288 : i32
    %add3A_171 = arith.addi %mul3A_2, %add3A_170 : i32
    %dma_wait3A_172 = arith.constant 288 : i32
    %dma_wait3A_173 = tpu.memref_slice %arg10[%dma_wait3A_172] : memref<512xf32, #tpu.memory_space<vmem>> -> memref<32xf32, #tpu.memory_space<vmem>>
    %dma_wait3A_174 = tpu.memref_slice %arg6[%add3A_171] : memref<16384xf32, #tpu.memory_space<hbm>> -> memref<32xf32, #tpu.memory_space<hbm>>
    %dma_wait3A_175 = tpu.memref_slice %arg6[%add3A_171] : memref<16384xf32, #tpu.memory_space<hbm>> -> memref<32xf32, #tpu.memory_space<hbm>>
    %dma_wait3A_176 = arith.constant 288 : i32
    %dma_wait3A_177 = tpu.memref_slice %arg10[%dma_wait3A_176] : memref<512xf32, #tpu.memory_space<vmem>> -> memref<32xf32, #tpu.memory_space<vmem>>
    tpu.wait_dma2 semaphore(%arg14 : memref<!tpu.dma_semaphore, #tpu.memory_space<semaphore_mem>>) src(%dma_wait3A_177 : memref<32xf32, #tpu.memory_space<vmem>>) dst(%dma_wait3A_175 : memref<32xf32, #tpu.memory_space<hbm>>)
    %add3A_178 = arith.constant 320 : i32
    %add3A_179 = arith.addi %mul3A_2, %add3A_178 : i32
    %dma_wait3A_180 = arith.constant 320 : i32
    %dma_wait3A_181 = tpu.memref_slice %arg10[%dma_wait3A_180] : memref<512xf32, #tpu.memory_space<vmem>> -> memref<32xf32, #tpu.memory_space<vmem>>
    %dma_wait3A_182 = tpu.memref_slice %arg6[%add3A_179] : memref<16384xf32, #tpu.memory_space<hbm>> -> memref<32xf32, #tpu.memory_space<hbm>>
    %dma_wait3A_183 = tpu.memref_slice %arg6[%add3A_179] : memref<16384xf32, #tpu.memory_space<hbm>> -> memref<32xf32, #tpu.memory_space<hbm>>
    %dma_wait3A_184 = arith.constant 320 : i32
    %dma_wait3A_185 = tpu.memref_slice %arg10[%dma_wait3A_184] : memref<512xf32, #tpu.memory_space<vmem>> -> memref<32xf32, #tpu.memory_space<vmem>>
    tpu.wait_dma2 semaphore(%arg14 : memref<!tpu.dma_semaphore, #tpu.memory_space<semaphore_mem>>) src(%dma_wait3A_185 : memref<32xf32, #tpu.memory_space<vmem>>) dst(%dma_wait3A_183 : memref<32xf32, #tpu.memory_space<hbm>>)
    %add3A_186 = arith.constant 352 : i32
    %add3A_187 = arith.addi %mul3A_2, %add3A_186 : i32
    %dma_wait3A_188 = arith.constant 352 : i32
    %dma_wait3A_189 = tpu.memref_slice %arg10[%dma_wait3A_188] : memref<512xf32, #tpu.memory_space<vmem>> -> memref<32xf32, #tpu.memory_space<vmem>>
    %dma_wait3A_190 = tpu.memref_slice %arg6[%add3A_187] : memref<16384xf32, #tpu.memory_space<hbm>> -> memref<32xf32, #tpu.memory_space<hbm>>
    %dma_wait3A_191 = tpu.memref_slice %arg6[%add3A_187] : memref<16384xf32, #tpu.memory_space<hbm>> -> memref<32xf32, #tpu.memory_space<hbm>>
    %dma_wait3A_192 = arith.constant 352 : i32
    %dma_wait3A_193 = tpu.memref_slice %arg10[%dma_wait3A_192] : memref<512xf32, #tpu.memory_space<vmem>> -> memref<32xf32, #tpu.memory_space<vmem>>
    tpu.wait_dma2 semaphore(%arg14 : memref<!tpu.dma_semaphore, #tpu.memory_space<semaphore_mem>>) src(%dma_wait3A_193 : memref<32xf32, #tpu.memory_space<vmem>>) dst(%dma_wait3A_191 : memref<32xf32, #tpu.memory_space<hbm>>)
    %add3A_194 = arith.constant 384 : i32
    %add3A_195 = arith.addi %mul3A_2, %add3A_194 : i32
    %dma_wait3A_196 = arith.constant 384 : i32
    %dma_wait3A_197 = tpu.memref_slice %arg10[%dma_wait3A_196] : memref<512xf32, #tpu.memory_space<vmem>> -> memref<32xf32, #tpu.memory_space<vmem>>
    %dma_wait3A_198 = tpu.memref_slice %arg6[%add3A_195] : memref<16384xf32, #tpu.memory_space<hbm>> -> memref<32xf32, #tpu.memory_space<hbm>>
    %dma_wait3A_199 = tpu.memref_slice %arg6[%add3A_195] : memref<16384xf32, #tpu.memory_space<hbm>> -> memref<32xf32, #tpu.memory_space<hbm>>
    %dma_wait3A_200 = arith.constant 384 : i32
    %dma_wait3A_201 = tpu.memref_slice %arg10[%dma_wait3A_200] : memref<512xf32, #tpu.memory_space<vmem>> -> memref<32xf32, #tpu.memory_space<vmem>>
    tpu.wait_dma2 semaphore(%arg14 : memref<!tpu.dma_semaphore, #tpu.memory_space<semaphore_mem>>) src(%dma_wait3A_201 : memref<32xf32, #tpu.memory_space<vmem>>) dst(%dma_wait3A_199 : memref<32xf32, #tpu.memory_space<hbm>>)
    %add3A_202 = arith.constant 416 : i32
    %add3A_203 = arith.addi %mul3A_2, %add3A_202 : i32
    %dma_wait3A_204 = arith.constant 416 : i32
    %dma_wait3A_205 = tpu.memref_slice %arg10[%dma_wait3A_204] : memref<512xf32, #tpu.memory_space<vmem>> -> memref<32xf32, #tpu.memory_space<vmem>>
    %dma_wait3A_206 = tpu.memref_slice %arg6[%add3A_203] : memref<16384xf32, #tpu.memory_space<hbm>> -> memref<32xf32, #tpu.memory_space<hbm>>
    %dma_wait3A_207 = tpu.memref_slice %arg6[%add3A_203] : memref<16384xf32, #tpu.memory_space<hbm>> -> memref<32xf32, #tpu.memory_space<hbm>>
    %dma_wait3A_208 = arith.constant 416 : i32
    %dma_wait3A_209 = tpu.memref_slice %arg10[%dma_wait3A_208] : memref<512xf32, #tpu.memory_space<vmem>> -> memref<32xf32, #tpu.memory_space<vmem>>
    tpu.wait_dma2 semaphore(%arg14 : memref<!tpu.dma_semaphore, #tpu.memory_space<semaphore_mem>>) src(%dma_wait3A_209 : memref<32xf32, #tpu.memory_space<vmem>>) dst(%dma_wait3A_207 : memref<32xf32, #tpu.memory_space<hbm>>)
    %add3A_210 = arith.constant 448 : i32
    %add3A_211 = arith.addi %mul3A_2, %add3A_210 : i32
    %dma_wait3A_212 = arith.constant 448 : i32
    %dma_wait3A_213 = tpu.memref_slice %arg10[%dma_wait3A_212] : memref<512xf32, #tpu.memory_space<vmem>> -> memref<32xf32, #tpu.memory_space<vmem>>
    %dma_wait3A_214 = tpu.memref_slice %arg6[%add3A_211] : memref<16384xf32, #tpu.memory_space<hbm>> -> memref<32xf32, #tpu.memory_space<hbm>>
    %dma_wait3A_215 = tpu.memref_slice %arg6[%add3A_211] : memref<16384xf32, #tpu.memory_space<hbm>> -> memref<32xf32, #tpu.memory_space<hbm>>
    %dma_wait3A_216 = arith.constant 448 : i32
    %dma_wait3A_217 = tpu.memref_slice %arg10[%dma_wait3A_216] : memref<512xf32, #tpu.memory_space<vmem>> -> memref<32xf32, #tpu.memory_space<vmem>>
    tpu.wait_dma2 semaphore(%arg14 : memref<!tpu.dma_semaphore, #tpu.memory_space<semaphore_mem>>) src(%dma_wait3A_217 : memref<32xf32, #tpu.memory_space<vmem>>) dst(%dma_wait3A_215 : memref<32xf32, #tpu.memory_space<hbm>>)
    %add3A_218 = arith.constant 480 : i32
    %add3A_219 = arith.addi %mul3A_2, %add3A_218 : i32
    %dma_wait3A_220 = arith.constant 480 : i32
    %dma_wait3A_221 = tpu.memref_slice %arg10[%dma_wait3A_220] : memref<512xf32, #tpu.memory_space<vmem>> -> memref<32xf32, #tpu.memory_space<vmem>>
    %dma_wait3A_222 = tpu.memref_slice %arg6[%add3A_219] : memref<16384xf32, #tpu.memory_space<hbm>> -> memref<32xf32, #tpu.memory_space<hbm>>
    %dma_wait3A_223 = tpu.memref_slice %arg6[%add3A_219] : memref<16384xf32, #tpu.memory_space<hbm>> -> memref<32xf32, #tpu.memory_space<hbm>>
    %dma_wait3A_224 = arith.constant 480 : i32
    %dma_wait3A_225 = tpu.memref_slice %arg10[%dma_wait3A_224] : memref<512xf32, #tpu.memory_space<vmem>> -> memref<32xf32, #tpu.memory_space<vmem>>
    tpu.wait_dma2 semaphore(%arg14 : memref<!tpu.dma_semaphore, #tpu.memory_space<semaphore_mem>>) src(%dma_wait3A_225 : memref<32xf32, #tpu.memory_space<vmem>>) dst(%dma_wait3A_223 : memref<32xf32, #tpu.memory_space<hbm>>)
    return
  }
}

</mosaic_0001>

<sc_bundles>
// kernel: kernel.3.cloned.1.call-start
scs
__scs_entry_jumppad:
0x0: {  	(pc) =	sbr.rel $0x88, $3  }
0x1: {  	(tag) =	ssettag $0x0;
	lr =	simm.s32 $0x1  }
0x2: {  	[smem:$0x3F9D] =	sst lr;
	_ =	strace $0xD0000000  }
0x3: {  	_ = 	snop  }
0x4: {  	_ = 	snop  }
0x5: {  	_ = 	snop  }
0x6: {  	_ = 	snop  }
0x7: {  	_ = 	snop  }
__scs_overlays_trampoline_lowered:
0x8: {  	[smem:$0x3FAC] =	sst s0  }
0x9: {  	[smem:$0x3FAD] =	sst s1  }
0xa: {  	[smem:$0x3FAE] =	sst s2  }
0xb: {  	[smem:$0x3FAF] =	sst s3  }
0xc: {  	[smem:$0x3FB0] =	sst s4  }
0xd: {  	[smem:$0x3FB1] =	sst s5  }
0xe: {  	[smem:$0x3FB2] =	sst s6  }
0xf: {  	[smem:$0x3FB3] =	sst s7  }
0x10: {  	[smem:$0x3FB4] =	sst s8  }
0x11: {  	[smem:$0x3FB5] =	sst s9;
	s0 =	simm.s32 @!p0 $0x0  }
0x12: {  	s1 =	sld [smem:$0x3F9B];
	s0 =	simm.s32 @p0 $0x1  }
0x13: {  	[smem:$0x3FB6] =	sst s0;
	s0 =	simm.s32 @!p1 $0x0  }
0x14: {  	s2 =	sld [smem:$0x3F9A];
	s0 =	simm.s32 @p1 $0x1  }
0x15: {  	[smem:$0x3FB7] =	sst s0;
	s0 =	simm.s32 @!p2 $0x0  }
0x16: {  	s3 =	sld [smem:$0x3FDB];
	s0 =	simm.s32 @p2 $0x1  }
0x17: {  	s4 =	simm.s32 $0x1BF5;
	[smem:$0x3FB9] =	sst s0  }
0x18: {  	s0 =	sld [smem:$0x3F9C];
	_ =	swait.ge [sflag:s4], $0x0  }
0x19: {  	s7 =	sld [smem:$0x3F9D]  }
0x1a: {  	s8 =	sadd.s32 $0xFFFFE003, lr  }
0x1b: {  	s9 =	sadd.s32 $0xFFFFFEF7, lr;
	s5 =	simm.s32 $0xFFFFFFFF;
	p2 =	slt.u32 s8, $0xFFFFF086  }
0x1c: {  	p1 =	slt.u32 s9, $0xF7A;
	s5 =	simm.s32 @!p2 $0x0  }
0x1d: {  	s5 =	simm.s32 @p1 $0x1;
	p0 =	seq.s32 s7, s2  }
0x1e: {  	s7 =	smul.u32 @!p0 $0xF7A, s2;
	p2 =	seq.s32 @!p0 s5, $0x0  }
0x1f: {  	s9 =	smul.u32 $0xF7A, s1;
	s8 =	simm.s32 @!p0 $0x1BF5;
	p2 =	por !p2, p0  }
0x20: {  	[sflag:s8] =	ssyncset.s32 @!p0 $0xFFFFF086;
	s6 =	sadd.s32 @!p0 s3, s7;
	s7 =	simm.s32 @!p0 $0x108  }
0x21: {  	s3 =	sadd.s32 s3, s9;
	s6 =	sadd.s32 @!p0 $0x88, s6;
	s7 =	simm.s32 @p2 $0x1082  }
0x22: {  	[simem:s7], [sflag:s8] =	dma.local @!p0 [hbm:s6], $0xF7A  }
0x23: {  	s9 =	sor.u32 $0xD0000000, s2;
	s6 =	simm.s32 $0x108;
	_ =	swait.ge @!p0 [sflag:s8], $0x0  }
0x24: {  	s3 =	sadd.s32 $0x88, s3;
	s6 =	simm.s32 @!p1 $0x1082;
	[sflag:s4] =	ssyncset.s32 $0xFFFFF086  }
0x25: {  	[simem:s6], [sflag:s4] =	dma.local [hbm:s3], $0xF7A  }
0x26: {  	[smem:$0x3F9D] =	sst s1;
	(tag) =	ssettag s2;
	_ =	strace s9  }
0x27: {  	s1 =	sld [smem:$0x3FAD]  }
0x28: {  	s2 =	sld [smem:$0x3FAE]  }
0x29: {  	s4 =	sld [smem:$0x3FB0]  }
0x2a: {  	p0 =	seq.s32 s5, $0x0;
	s5 =	sld [smem:$0x3FB1]  }
0x2b: {  	s6 =	sld [smem:$0x3FB2]  }
0x2c: {  	s7 =	sld [smem:$0x3FB3]  }
0x2d: {  	s3 =	simm.s32 $0x108;
	s8 =	sld [smem:$0x3FB4]  }
0x2e: {  	s3 =	simm.s32 @!p0 $0x1082;
	s9 =	sld [smem:$0x3FB5]  }
0x2f: {  	lr =	sadd.s32 s0, s3;
	s0 =	sld [smem:$0x3FAC]  }
0x30: {  	s3 =	sld [smem:$0x3FAF]  }
0x31: {  	[smem:$0x3FB8] =	sst s10  }
0x32: {  	s10 =	sld [smem:$0x3FB6];
	_ =	sdelay $0x3  }
0x33: {  	p0 =	seq.s32 s10, $0x1;
	s10 =	sld [smem:$0x3FB8];
	_ =	sdelay $0x3  }
0x34: {  	[smem:$0x3FB8] =	sst s10  }
0x35: {  	s10 =	sld [smem:$0x3FB7];
	_ =	sdelay $0x3  }
0x36: {  	p1 =	seq.s32 s10, $0x1;
	s10 =	sld [smem:$0x3FB8];
	_ =	sdelay $0x3  }
0x37: {  	[smem:$0x3FB8] =	sst s10  }
0x38: {  	s10 =	sld [smem:$0x3FB9]  }
0x39: {  	_ = 	snop;
	(pc) =	sbr.ind lr, $3  }
0x3a: {  	_ = 	snop  }
0x3b: {  	_ = 	snop  }
0x3c: {  	p2 =	seq.s32 s10, $0x1;
	s10 =	sld [smem:$0x3FB8]  }
0x3d: {  	_ =	shalt  }
0x3e: {  	_ =	shalt  }
0x3f: {  	_ =	shalt  }
0x40: {  	_ =	shalt  }
0x41: {  	_ =	shalt  }
0x42: {  	_ =	shalt  }
0x43: {  	_ =	shalt  }
0x44: {  	_ =	shalt  }
0x45: {  	_ =	shalt  }
0x46: {  	_ =	shalt  }
0x47: {  	_ =	shalt  }
0x48: {  	_ =	shalt  }
0x49: {  	_ =	shalt  }
0x4a: {  	_ =	shalt  }
0x4b: {  	_ =	shalt  }
0x4c: {  	_ =	shalt  }
0x4d: {  	_ =	shalt  }
0x4e: {  	_ =	shalt  }
0x4f: {  	_ =	shalt  }
0x50: {  	_ =	shalt  }
0x51: {  	_ =	shalt  }
0x52: {  	_ =	shalt  }
0x53: {  	_ =	shalt  }
0x54: {  	_ =	shalt  }
0x55: {  	_ =	shalt  }
0x56: {  	_ =	shalt  }
0x57: {  	_ =	shalt  }
0x58: {  	_ =	shalt  }
0x59: {  	_ =	shalt  }
0x5a: {  	_ =	shalt  }
0x5b: {  	_ =	shalt  }
0x5c: {  	_ =	shalt  }
0x5d: {  	_ =	shalt  }
0x5e: {  	_ =	shalt  }
0x5f: {  	_ =	shalt  }
0x60: {  	_ =	shalt  }
0x61: {  	_ =	shalt  }
0x62: {  	_ =	shalt  }
0x63: {  	_ =	shalt  }
0x64: {  	_ =	shalt  }
0x65: {  	_ =	shalt  }
0x66: {  	_ =	shalt  }
0x67: {  	_ =	shalt  }
0x68: {  	_ =	shalt  }
0x69: {  	_ =	shalt  }
0x6a: {  	_ =	shalt  }
0x6b: {  	_ =	shalt  }
0x6c: {  	_ =	shalt  }
0x6d: {  	_ =	shalt  }
0x6e: {  	_ =	shalt  }
0x6f: {  	_ =	shalt  }
0x70: {  	_ =	shalt  }
0x71: {  	_ =	shalt  }
0x72: {  	_ =	shalt  }
0x73: {  	_ =	shalt  }
0x74: {  	_ =	shalt  }
0x75: {  	_ =	shalt  }
0x76: {  	_ =	shalt  }
0x77: {  	_ =	shalt  }
0x78: {  	_ =	shalt  }
0x79: {  	_ =	shalt  }
0x7a: {  	_ =	shalt  }
0x7b: {  	_ =	shalt  }
0x7c: {  	_ =	shalt  }
0x7d: {  	_ =	shalt  }
0x7e: {  	_ =	shalt  }
0x7f: {  	_ =	shalt  }
0x80: {  	_ =	shalt  }
0x81: {  	_ =	shalt  }
0x82: {  	_ =	shalt  }
0x83: {  	_ =	shalt  }
0x84: {  	_ =	shalt  }
0x85: {  	_ =	shalt  }
0x86: {  	_ =	shalt  }
0x87: {  	_ =	shalt  }
.Lfunc_end0:
.L_simem_size_0:
called_computation_lowered:
.L_overlay_start_0:
0x88: {  	s2 =	sld [smem:$0x3FD9]  }
0x89: {  	s3 =	sld [smem:$0x3FFE];
	_ =	sdelay $0x1  }
0x8a: {  	s1 =	srdreg.scid  }
0x8b: {  	s0 =	sand.u32 $0x1, s1  }
0x8c: {  	s18 =	sshll.u32 s0, $0xA;
	s2 =	sadd.s32 s3, s2  }
0x8d: {  	s2 =	sadd.s32 s2, s18  }
0x8e: {  	[smem:$0x3FC4] =	sst s2  }
0x8f: {  	_ = 	snop  }
0x90: {  	s2 =	sld [smem:$0x3FC9]  }
0x91: {  	s19 =	sld [smem:$0x3FC8]  }
0x92: {  	s4 =	sld [smem:$0x3FC7]  }
0x93: {  	s5 =	sld [smem:$0x3FC6]  }
0x94: {  	s6 =	sld [smem:$0x3FD0];
	(tm) =	ssettm $0x1  }
0x95: {  	s7 =	sld [smem:$0x3FFB];
	_ =	sdelay $0x3  }
0x96: {  	_ =	strace s7  }
0x97: {  	s7 =	sld [smem:$0x3FFC];
	_ =	sdelay $0x3  }
0x98: {  	_ =	strace s7  }
0x99: {  	s7 =	sld [smem:$0x3FFD];
	_ =	sdelay $0x3  }
0x9a: {  	_ =	strace s7  }
0x9b: {  	_ =	strace $0x8FFFFFFF  }
0x9c: {  	s20 =	sld [smem:$0x3FDB];
	_ =	sdelay $0x1  }
0x9d: {  	s8 =	simm.s32 $_scs_section_size  }
0x9e: {  	s9 =	simm.s32 $_size__tile_overlayer_lowered;
	s10 =	simm.s32 $_tile_overlayer_lowered  }
0x9f: {  	s23 =	simm.s32 $0x1BFF;
	s22 =	sshll.u32 s10, $0x1;
	s7 =	sadd.s32 s8, s20  }
0xa0: {  	s11 =	simm.s32 $0x0;
	s21 =	sshll.u32 s9, $0x1;
	s9 =	sadd.s32 s22, s7  }
0xa1: {  	[timem:s11], [sflag:s23] =	dma.local [hbm:s9], s21  }
0xa2: {  	_ =	swait.ge [sflag:s23], s21  }
0xa3: {  	s8 =	ssub.s32 $0x0, s21;
	[sflag:s23] =	ssyncset.done $0x0  }
0xa4: {  	[sflag:s23] =	ssyncadd.s32 s8;
	_ =	sdelay $0x1  }
0xa5: {  	s24 =	simm.s32 $0x1B8B  }
0xa6: {  	_ =	swait.ge [sflag:s24], $0x1  }
0xa7: {  	[sflag:s24] =	ssyncset.done $0x0  }
0xa8: {  	s25 =	simm.s32 $0x1B8E;
	[sflag:s24] =	ssyncadd.s32 $0xFFFFFFFF  }
0xa9: {  	s26 =	simm.s32 $execute0_lowered;
	[smem:$0x3FD2] =	sst s25  }
0xaa: {  	s8 =	sshll.u32 s26, $0x1;
	_ =	strace $0x80000046;
	[dreg:$0x1] =	wrdreg $0xFFFFFFFF  }
0xab: {  	s28 =	simm.s32 $_size_execute0_lowered;
	s7 =	sadd.s32 s7, s8;
	[dreg:$0x0] =	wrdreg $0x0  }
0xac: {  	s8 =	sshll.u32 s28, $0x1;
	[dreg:$0x2] =	wrdreg s7  }
0xad: {  	[dreg:$0x3] =	wrdreg s8  }
0xae: {  	[dreg:$0x4] =	wrdreg $0xC0  }
0xaf: {  	_ =	task [dreg:s11], $0x5FFFF  }
0xb0: {  	[dreg:$0x1] =	wrdreg $0xFFFFFFFF  }
0xb1: {  	[dreg:$0x0] =	wrdreg $0x60  }
0xb2: {  	[dreg:$0x2] =	wrdreg s2  }
0xb3: {  	[dreg:$0x3] =	wrdreg s19  }
0xb4: {  	[dreg:$0x4] =	wrdreg s4  }
0xb5: {  	[dreg:$0x5] =	wrdreg s5  }
0xb6: {  	[dreg:$0x6] =	wrdreg s6  }
0xb7: {  	[dreg:$0x7] =	wrdreg $0x9  }
0xb8: {  	_ =	task.clear_ibuf [dreg:s11], $0x8FFFF;
	_ =	strace $0x90000046  }
0xb9: {  	s29 =	simm.s32 $0x9;
	_ =	strace $0x80000048  }
0xba: {  	_ =	swait.ge [sflag:s29], $0x1  }
0xbb: {  	[sflag:s29] =	ssyncadd.s32 $0xFFFFFFFF  }
0xbc: {  	_ =	strace $0x90000048  }
0xbd: {  	_ =	sfence  }
0xbe: {  	s30 =	sld [smem:$0x0];
	_ =	sdelay $0x2  }
0xbf: {  	s31 =	sshll.u32 s1, $0xD;
	s1 =	sshrl.u32 s1, $0x2  }
0xc0: {  	s3 =	sand.u32 $0x4000, s31;
	s1 =	sadd.s32 s1, s30  }
0xc1: {  	s0 =	sor.u32 s3, s0;
	s1 =	sshll.u32 s1, $0x11  }
0xc2: {  	s0 =	sor.u32 s1, s0  }
0xc3: {  	s0 =	sadd.s32 $0x8F2B, s0  }
0xc4: {  	[sflag:s0] =	ssyncadd.remote.s32 $0x1  }
0xc5: {  	_ =	sfence.sel $0xFFFF  }
0xc6: {  	[dreg:$0x0] =	wrdreg $0xFFFFFFFF;
	(pc) =	sbr.abs _section_cstart, $3  }
0xc7: {  	[dreg:$0x1] =	wrdreg $0xFFFFFFFF  }
0xc8: {  	_ =	task.clear_ibuf [dreg:s11], $0x2FFFF;
	_ =	strace $0x9FFFFFFF  }
0xc9: {  	(tm) =	ssettm $0x7FFFFFFF  }
tec
execute0_lowered:
.L_overlay_start_1:
0x0: {  	(tag) =	ssettag $0x1  }
0x1: {  	s0 =	rddreg [dreg:$0x0]  }
0x2: {  	s1 =	rddreg [dreg:$0x1]  }
0x3: {  	s2 =	rddreg [dreg:$0x2]  }
0x4: {  	s4 =	rddreg [dreg:$0x3]  }
0x5: {  	s3 =	srdreg.scid;
	s5 =	rddreg [dreg:$0x4];
	vm0 =	vmmov $0x1;
	vm3 =	vcmask $0x1F14;
	vm4 =	vcmask $0xF34  }
0x6: {  	s6 =	stileid.u32;
	vm1 =	vcmask $0x704;
	vm2 =	vcmask $0xB08;
	vm8 =	vcmask $0x2F24;
	s17 =	simm.s32 $0x200;
	s21 =	simm.s32 $0x5  }
0x7: {  	vm5 =	vcmask $0x2318;
	vm6 =	vcmask $0x1338;
	vm9 =	vcmask $0x3328;
	s22 =	simm.s32 $0x1;
	s24 =	simm.s32 $0x2200;
	s25 =	simm.s32 $0x5200  }
0x8: {  	vm7 =	vcmask $0x173C;
	vm10 =	vcmask $0x372C;
	vm11 =	vcmask $0x1B00;
	s26 =	simm.s32 $0x3;
	s28 =	simm.s32 $0x2;
	s29 =	simm.s32 $0x4  }
0x9: {  	vm12 =	vcmask $0x1F34;
	vm13 =	vcmask $0x2B00;
	vm14 =	vcmask $0x373C;
	s30 =	simm.s32 $0x0;
	s3 =	sand.u32 $0x1, s3;
	s7 =	sshll.u32 s6, $0xA  }
0xa: {  	vm15 =	vmmov $0x7fff;
	s6 =	simm.s32 $0x0;
	vm4 =	vmor vm4, vm3;
	vm3 =	vcmask $0xF0C;
	s8 =	sshll.u32 s3, $0x9;
	s3 =	ssub.s32 $0x2, s3  }
0xb: {  	vm5 =	vmor vm6, vm5;
	vm6 =	vcmask $0x271C;
	[smem:$0x7FF] =	sst s6;
	vm4 =	vmor vm4, vm8;
	s7 =	sor.u32 s8, s7;
	s31 =	sshrl.u32 s3, $0x1  }
0xc: {  	vm5 =	vmor vm5, vm9;
	vm6 =	vmor vm7, vm6;
	vm7 =	vcmask $0x2B20;
	_ =	strace $0x80000047;
	s15 =	sshll.u32 s7, $0x4;
	s3 =	ssub.s32 s3, s31  }
0xd: {  	vm8 =	vmor vm12, vm8;
	vm12 =	vcmask $0x2338;
	vm7 =	vmor vm11, vm7;
	s12 =	sshrl.u32 s7, $0x3;
	s11 =	sor.u32 $0x200, s15;
	s8 =	sadd.s32 s0, s15  }
0xe: {  	vm11 =	vcmask $0x3B30;
	vm9 =	vmor vm12, vm9;
	vm12 =	vcmask $0x273C;
	s9 =	sadd.s32 s1, s15;
	s14 =	sor.u32 $0x400, s15;
	s12 =	sadd.s32 s2, s12  }
0xf: {  	vm6 =	vmor vm6, vm10;
	vm7 =	vmor vm7, vm11;
	vm10 =	vmor vm12, vm10;
	s15 =	sor.u32 $0x600, s15;
	s16 =	smax.u32 s3, $0x1;
	s10 =	sadd.s32 s0, s11  }
0x10: {  	vm11 =	vmor vm13, vm11;
	vm12 =	vcmask $0x2F34;
	vm13 =	vcmask $0x3338;
	s11 =	sadd.s32 s1, s11;
	s13 =	sadd.s32 s0, s14;
	s14 =	sadd.s32 s1, s14  }
.LBB2_1:
0x11: {  	[tilespmem:s17], [sflag:$0x1] =	stream.linear.gather [hbm4b:s8+s6], $0x1000, $0x38;
	[tilespmem:$0x6400] =	vst v63  }
0x12: {  	s2 =	simm.s32 $0x3200  }
0x13: {  	[tilespmem:s2], [sflag:$0x2] =	stream.linear.gather [hbm4b:s9+s6], $0x1000, $0x38;
	[tilespmem:$0x6400] =	vst v63  }
0x14: {  	s19 =	simm.s32 $0x1200  }
0x15: {  	[tilespmem:s19], [sflag:$0x1] =	stream.linear.gather [hbm4b:s10+s6], $0x1000, $0x38;
	[tilespmem:$0x6400] =	vst v63  }
0x16: {  	s20 =	simm.s32 $0x4200  }
0x17: {  	[tilespmem:s20], [sflag:$0x2] =	stream.linear.gather [hbm4b:s11+s6], $0x1000, $0x38;
	[tilespmem:$0x6400] =	vst v63  }
0x18: {  	_ = 	snop  }
0x19: {  	[tilespmem:s6], [sflag:$0x5] =	stream.linear.gather [hbm4b:s12+s6], $0x200, $0x38;
	[tilespmem:$0x6400] =	vst v63  }
0x1a: {  	_ =	swait.ge [sflag:s21], $0x200  }
0x1b: {  	[sflag:s21] =	ssyncset.done $0x0  }
0x1c: {  	[sflag:s21] =	ssyncadd.s32 $0xFFFFFE00  }
0x1d: {  	_ =	swait.ge [sflag:s22], $0x1000  }
0x1e: {  	[sflag:s22] =	ssyncset.done $0x0  }
0x1f: {  	s23 =	simm.s32 $0x20;
	[sflag:s22] =	ssyncadd.s32 $0xFFFFF000  }
0x20: {  	[tilespmem:s17], [sflag:$0x3] =	stream.indirect.gather.add.f32 [hbm:s4], $0x80, s6, s23, $0xb8;
	[tilespmem:$0x6400] =	vst v63  }
0x21: {  	_ = 	snop  }
0x22: {  	[tilespmem:s24], [sflag:$0x1] =	stream.linear.gather [hbm4b:s13+s6], $0x1000, $0x38;
	[tilespmem:$0x6400] =	vst v63  }
0x23: {  	s31 =	simm.s32 $0x0  }
0x24: {  	[tilespmem:s25], [sflag:$0x2] =	stream.linear.gather [hbm4b:s14+s6], $0x1000, $0x38;
	[tilespmem:$0x6400] =	vst v63  }
.LBB2_2:
0x25: {  	s2 =	sadd.s32 $0x1, s31;
	p0 =	seq.s32 s31, $0xF  }
0x26: {  	s3 =	smul.u32 @!p0 $0xAB, s2;
	_ =	sdelay $0x1  }
0x27: {  	s3 =	sshrl.u32 @!p0 s3, $0x9  }
0x28: {  	s3 =	sand.u32 @!p0 $0x7F, s3  }
0x29: {  	s3 =	smul.u32 @!p0 $0x3, s3  }
0x2a: {  	s18 =	simm.s32 @!p0 $0x1  }
0x2b: {  	s19 =	smul.u32 $0xAB, s31;
	_ =	swait.ge @!p0 [sflag:s18], $0x1000;
	s3 =	ssub.s32 @!p0 s2, s3  }
0x2c: {  	s20 =	sshll.u32 @!p0 s2, $0x5;
	[sflag:s18] =	ssyncset.done @!p0 $0x0;
	s3 =	sand.u32 @!p0 $0xFF, s3  }
0x2d: {  	s23 =	sshrl.u32 s19, $0x9;
	[sflag:s18] =	ssyncadd.s32 @!p0 $0xFFFFF000;
	s3 =	sshll.u32 @!p0 s3, $0xC  }
0x2e: {  	s18 =	sand.u32 @!p0 $0x3FFFFFE0, s20;
	s20 =	simm.s32 @!p0 $0x20;
	s3 =	sor.u32 @!p0 $0x200, s3  }
0x2f: {  	[tilespmem:s3], [sflag:$0x3] =	stream.indirect.gather.add.f32 @!p0 [hbm:s4], $0x80, s18, s20, $0xb8;
	[tilespmem:$0x6400] =	vst v63  }
0x30: {  	s3 =	sand.u32 $0x7F, s23;
	_ =	swait.ge [sflag:s26], $0x1000  }
0x31: {  	s3 =	smul.u32 $0x3, s3;
	[sflag:s26] =	ssyncset.done $0x0  }
0x32: {  	s18 =	sshll.u32 s31, $0x5;
	[sflag:s26] =	ssyncadd.s32 $0xFFFFF000  }
0x33: {  	s19 =	sadd.s32 $0x6200, s18;
	s3 =	ssub.s32 s31, s3;
	_ =	swait.ge [sflag:s28], $0x1000  }
0x34: {  	s20 =	simm.s32 $0x0;
	v0 =	vmov s19;
	s3 =	sand.u32 $0xFF, s3;
	[sflag:s28] =	ssyncset.done $0x0  }
0x35: {  	p0 =	por $0x1, $0x1;
	s3 =	sshll.u32 s3, $0xC;
	[tilespmem:$0x1FFF0] =	vst v0;
	[sflag:s28] =	ssyncadd.s32 $0xFFFFF000  }
.LBB2_3:
0x36: {  	s23 =	sshll.u32 s20, $0xB  }
0x37: {  	s23 =	sor.u32 s3, s23  }
0x38: {  	v1 =	vld [tilespmem:s23+$0x200]  }
0x39: {  	v6 =	vld [tilespmem:s23+$0x3200]  }
0x3a: {  	v7 =	vld [tilespmem:s23+$0x210]  }
0x3b: {  	v13 =	vld [tilespmem:s23+$0x3210]  }
0x3c: {  	v15 =	vld [tilespmem:s23+$0x220]  }
0x3d: {  	v16 =	vld [tilespmem:s23+$0x3220]  }
0x3e: {  	v17 =	vld [tilespmem:s23+$0x230]  }
0x3f: {  	v18 =	vld [tilespmem:s23+$0x3230]  }
0x40: {  	v19 =	vld [tilespmem:s23+$0x240]  }
0x41: {  	v20 =	vld [tilespmem:s23+$0x3240]  }
0x42: {  	v21 =	vld [tilespmem:s23+$0x250]  }
0x43: {  	v22 =	vld [tilespmem:s23+$0x3250]  }
0x44: {  	v23 =	vld [tilespmem:s23+$0x260]  }
0x45: {  	v24 =	vld [tilespmem:s23+$0x3260]  }
0x46: {  	v25 =	vld [tilespmem:s23+$0x270]  }
0x47: {  	v26 =	vld [tilespmem:s23+$0x3270]  }
0x48: {  	v27 =	vld [tilespmem:s23+$0x280]  }
0x49: {  	v29 =	vld [tilespmem:s23+$0x3280]  }
0x4a: {  	v32 =	vld [tilespmem:s23+$0x290]  }
0x4b: {  	v33 =	vld [tilespmem:s23+$0x3290]  }
0x4c: {  	v34 =	vld [tilespmem:s23+$0x2A0]  }
0x4d: {  	v38 =	vld [tilespmem:s23+$0x32A0]  }
0x4e: {  	v39 =	vld [tilespmem:s23+$0x2B0]  }
0x4f: {  	v43 =	vld [tilespmem:s23+$0x32B0]  }
0x50: {  	v44 =	vld [tilespmem:s23+$0x2C0]  }
0x51: {  	v48 =	vld [tilespmem:s23+$0x32C0]  }
0x52: {  	v49 =	vld [tilespmem:s23+$0x2D0]  }
0x53: {  	v57 =	vld [tilespmem:s23+$0x32D0]  }
0x54: {  	v35 =	vld [tilespmem:s23+$0x2E0]  }
0x55: {  	v40 =	vld [tilespmem:s23+$0x32E0]  }
0x56: {  	v41 =	vld [tilespmem:s23+$0x2F0]  }
0x57: {  	v42 =	vld [tilespmem:s23+$0x32F0]  }
0x58: {  	v58 =	vld [tilespmem:s23+$0x300]  }
0x59: {  	v59 =	vld [tilespmem:s23+$0x3300]  }
0x5a: {  	v60 =	vld [tilespmem:s23+$0x310]  }
0x5b: {  	v61 =	vld [tilespmem:s23+$0x3310]  }
0x5c: {  	v62 =	vld [tilespmem:s23+$0x320]  }
0x5d: {  	v63 =	vld [tilespmem:s23+$0x3320]  }
0x5e: {  	v2 =	vld [tilespmem:s23+$0x330]  }
0x5f: {  	v0 =	vld [tilespmem:s23+$0x3330]  }
0x60: {  	v10 =	vld [tilespmem:s23+$0x340]  }
0x61: {  	v5 =	vld [tilespmem:s23+$0x3340]  }
0x62: {  	v4 =	vld [tilespmem:s23+$0x350]  }
0x63: {  	v3 =	vld [tilespmem:s23+$0x3350]  }
0x64: {  	v9 =	vld [tilespmem:s23+$0x360]  }
0x65: {  	v8 =	vld [tilespmem:s23+$0x3360]  }
0x66: {  	v12 =	vld [tilespmem:s23+$0x370]  }
0x67: {  	v11 =	vld [tilespmem:s23+$0x3370]  }
0x68: {  	v54 =	vld [tilespmem:s23+$0x380]  }
0x69: {  	v56 =	vld [tilespmem:s23+$0x3380]  }
0x6a: {  	v52 =	vld [tilespmem:s23+$0x390]  }
0x6b: {  	v55 =	vld [tilespmem:s23+$0x3390]  }
0x6c: {  	v50 =	vld [tilespmem:s23+$0x3A0]  }
0x6d: {  	v53 =	vld [tilespmem:s23+$0x33A0]  }
0x6e: {  	v46 =	vld [tilespmem:s23+$0x3B0]  }
0x6f: {  	v51 =	vld [tilespmem:s23+$0x33B0]  }
0x70: {  	v14 =	vld [tilespmem:s23+$0x3C0]  }
0x71: {  	v47 =	vld [tilespmem:s23+$0x33C0]  }
0x72: {  	v36 =	vld [tilespmem:s23+$0x33E0]  }
0x73: {  	v37 =	vld [tilespmem:s23+$0x3F0]  }
0x74: {  	v28 =	vld [tilespmem:s23+$0x3D0]  }
0x75: {  	v45 =	vld [tilespmem:s23+$0x33D0]  }
0x76: {  	v30 =	vld [tilespmem:s23+$0x3E0]  }
0x77: {  	[tilespmem:$0x1FF70] =	vst v36;
	v36 =	vld [tilespmem:s23+$0x33F0]  }
0x78: {  	[tilespmem:$0x1FF80] =	vst v37;
	v37 =	vld [tilespmem:s23+$0x400]  }
0x79: {  	v1 =	vsub.f32 v1, v6;
	v6 =	vld [tilespmem:s23+$0x3410]  }
0x7a: {  	v16 =	vsub.f32 v15, v16;
	v15 =	vld [tilespmem:s23+$0x3420]  }
0x7b: {  	v7 =	vsub.f32 v7, v13;
	v13 =	vld [tilespmem:s23+$0x430]  }
0x7c: {  	[tilespmem:$0x1FF90] =	vst v36;
	v36 =	vld [tilespmem:s23+$0x3400]  }
0x7d: {  	[tilespmem:$0x1FF60] =	vst v30;
	v30 =	vsub.f32 v21, v22;
	v22 =	vld [tilespmem:s23+$0x3440]  }
0x7e: {  	[tilespmem:$0x1FFA0] =	vst v37;
	v37 =	vld [tilespmem:s23+$0x410]  }
0x7f: {  	v31 =	vsub.f32 v23, v24;
	v23 =	vld [tilespmem:s23+$0x450]  }
0x80: {  	v46 =	vsub.f32 v46, v51;
	v51 =	vld [tilespmem:s23+$0x570]  }
0x81: {  	v1 =	vadd.f32 $9.999999970e-07, v1;
	v16 =	vadd.f32 $9.999999970e-07, v16;
	[tilespmem:$0x1FFB0] =	vst v36;
	v36 =	vld [tilespmem:s23+$0x420]  }
0x82: {  	v21 =	vadd.f32 $9.999999970e-07, v31;
	v31 =	vld [tilespmem:s23+$0x470]  }
0x83: {  	v1 =	vmul.f32 v1, v1;
	v16 =	vmul.f32 v16, v16;
	[tilespmem:$0x1FFC0] =	vst v37;
	v37 =	vsub.f32 v19, v20;
	v20 =	vld [tilespmem:s23+$0x3430]  }
0x84: {  	v17 =	vsub.f32 v17, v18;
	v47 =	vsub.f32 v14, v47;
	v24 =	vmul.f32 v21, v21;
	v21 =	vld [tilespmem:s23+$0x3490]  }
0x85: {  	v16 =	vadd.f32 v16, v1;
	v1 =	vld [tilespmem:s23+$0x460];
	v18 =	vadd.f32 $9.999999970e-07, v37  }
0x86: {  	v7 =	vadd.f32 $9.999999970e-07, v7;
	v14 =	vld [tilespmem:$0x1FFA0];
	[tilespmem:$0x1FFD0] =	vst v36;
	v36 =	vadd.f32 $9.999999970e-07, v17  }
0x87: {  	v19 =	vadd.f32 $9.999999970e-07, v30;
	v30 =	vld [tilespmem:s23+$0x3450];
	v18 =	vmul.f32 v18, v18  }
0x88: {  	v7 =	vmul.f32 v7, v7;
	v17 =	vld [tilespmem:s23+$0x440];
	v13 =	vsub.f32 v13, v20;
	v37 =	vmul.f32 v36, v36  }
0x89: {  	v20 =	vld [tilespmem:s23+$0x35C0];
	v16 =	vadd.f32 v18, v16;
	v18 =	vsub.f32 v27, v29  }
0x8a: {  	v19 =	vmul.f32 v19, v19;
	v36 =	vld [tilespmem:s23+$0x3460];
	v7 =	vadd.f32 v37, v7  }
0x8b: {  	v29 =	vadd.f32 $9.999999970e-07, v18;
	v18 =	vld [tilespmem:s23+$0x490]  }
0x8c: {  	v37 =	vld [tilespmem:s23+$0x3470];
	v19 =	vadd.f32 v19, v7  }
0x8d: {  	v7 =	vsub.f32 v25, v26;
	v25 =	vadd.f32 v24, v16;
	v16 =	vld [tilespmem:s23+$0x3480]  }
0x8e: {  	v26 =	vsub.f32 v34, v38;
	v38 =	vsub.f32 v39, v43;
	v39 =	vmul.f32 v29, v29;
	v29 =	vld [tilespmem:s23+$0x34A0]  }
0x8f: {  	v32 =	vsub.f32 v32, v33;
	v33 =	vadd.f32 $9.999999970e-07, v7;
	v7 =	vld [tilespmem:s23+$0x480]  }
0x90: {  	v27 =	vadd.f32 $9.999999970e-07, v38;
	v38 =	vld [tilespmem:s23+$0x34C0]  }
0x91: {  	v18 =	vsub.f32 v18, v21;
	v21 =	vld [tilespmem:s23+$0x3610]  }
0x92: {  	v32 =	vadd.f32 $9.999999970e-07, v32;
	v31 =	vsub.f32 v31, v37;
	v37 =	vld [tilespmem:s23+$0x640]  }
0x93: {  	v26 =	vadd.f32 $9.999999970e-07, v26;
	v24 =	vmul.f32 v33, v33;
	v43 =	vmul.f32 v27, v27;
	v27 =	vld [tilespmem:s23+$0x4B0]  }
0x94: {  	v32 =	vmul.f32 v32, v32;
	v33 =	vld [tilespmem:s23+$0x4C0]  }
0x95: {  	v26 =	vmul.f32 v26, v26;
	v19 =	vadd.f32 v24, v19;
	v24 =	vld [tilespmem:s23+$0x4A0]  }
0x96: {  	v34 =	vadd.f32 v43, v32;
	v32 =	vld [tilespmem:s23+$0x34B0]  }
0x97: {  	v26 =	vadd.f32 v26, v39;
	v39 =	vld [tilespmem:s23+$0x4D0]  }
0x98: {  	v43 =	vld [tilespmem:s23+$0x34D0];
	v19 =	vadd.f32 v19, v25  }
0x99: {  	v57 =	vsub.f32 v49, v57;
	v7 =	vsub.f32 v7, v16;
	v16 =	vld [tilespmem:s23+$0x610]  }
0x9a: {  	v25 =	vld [tilespmem:s23+$0x34E0];
	[tilespmem:$0x1FFE0] =	vst v19;
	v19 =	vsub.f32 v44, v48;
	v48 =	vsub.f32 v60, v61  }
0x9b: {  	v61 =	vadd.f32 $9.999999970e-07, v57;
	v57 =	vsub.f32 v35, v40;
	v35 =	vld [tilespmem:s23+$0x500]  }
0x9c: {  	v40 =	vld [tilespmem:s23+$0x3500]  }
0x9d: {  	v44 =	vsub.f32 v58, v59;
	v59 =	vsub.f32 v41, v42;
	v41 =	vld [tilespmem:s23+$0x510]  }
0x9e: {  	v42 =	vld [tilespmem:s23+$0x520]  }
0x9f: {  	v60 =	vsub.f32 v62, v63;
	v24 =	vsub.f32 v24, v29;
	v29 =	vld [tilespmem:s23+$0x3620]  }
0xa0: {  	v27 =	vsub.f32 v27, v32;
	v32 =	vld [tilespmem:s23+$0x630];
	v63 =	vadd.f32 $9.999999970e-07, v57  }
0xa1: {  	v57 =	vsub.f32 v12, v11;
	v12 =	vsub.f32 v50, v53;
	v53 =	vld [tilespmem:s23+$0x3560]  }
0xa2: {  	v19 =	vadd.f32 $9.999999970e-07, v19;
	v11 =	vadd.f32 $9.999999970e-07, v47;
	v47 =	vld [tilespmem:s23+$0x590]  }
0xa3: {  	v0 =	vsub.f32 v2, v0;
	v5 =	vsub.f32 v10, v5;
	v2 =	vmul.f32 v61, v61;
	v50 =	vld [tilespmem:s23+$0x3590]  }
0xa4: {  	v3 =	vsub.f32 v4, v3;
	v8 =	vsub.f32 v9, v8;
	v62 =	vmul.f32 v19, v19;
	v19 =	vld [tilespmem:s23+$0x4E0]  }
0xa5: {  	v59 =	vadd.f32 $9.999999970e-07, v59;
	v2 =	vadd.f32 v2, v34;
	v34 =	vld [tilespmem:s23+$0x34F0]  }
0xa6: {  	v0 =	vadd.f32 $9.999999970e-07, v0;
	v9 =	vadd.f32 $9.999999970e-07, v57;
	v57 =	vld [tilespmem:s23+$0x3530]  }
0xa7: {  	v44 =	vadd.f32 $9.999999970e-07, v44;
	v49 =	vadd.f32 $9.999999970e-07, v60;
	v10 =	vmul.f32 v59, v59;
	v59 =	vld [tilespmem:s23+$0x3540]  }
0xa8: {  	v48 =	vadd.f32 $9.999999970e-07, v48;
	v4 =	vmul.f32 v63, v63;
	v63 =	vsub.f32 v52, v55;
	v55 =	vld [tilespmem:s23+$0x3550]  }
0xa9: {  	v5 =	vadd.f32 $9.999999970e-07, v5;
	v44 =	vmul.f32 v44, v44;
	v49 =	vmul.f32 v49, v49;
	v52 =	vld [tilespmem:s23+$0x560]  }
0xaa: {  	v0 =	vmul.f32 v0, v0;
	v48 =	vmul.f32 v48, v48;
	v58 =	vadd.f32 v62, v26;
	v26 =	vld [tilespmem:s23+$0x4F0]  }
0xab: {  	v3 =	vadd.f32 $9.999999970e-07, v3;
	v60 =	vadd.f32 v49, v44;
	v44 =	vld [tilespmem:s23+$0x3510]  }
0xac: {  	v8 =	vadd.f32 $9.999999970e-07, v8;
	v0 =	vadd.f32 v0, v48;
	v48 =	vld [tilespmem:s23+$0x3520]  }
0xad: {  	v5 =	vmul.f32 v5, v5;
	v3 =	vmul.f32 v3, v3;
	v49 =	vld [tilespmem:s23+$0x530];
	v2 =	vadd.f32 v10, v2  }
0xae: {  	v61 =	vmul.f32 v9, v9;
	v62 =	vsub.f32 v54, v56;
	v54 =	vld [tilespmem:s23+$0x550];
	v9 =	vadd.f32 $9.999999970e-07, v12  }
0xaf: {  	v10 =	vadd.f32 $9.999999970e-07, v46;
	v56 =	vld [tilespmem:s23+$0x3570];
	v4 =	vadd.f32 v4, v58  }
0xb0: {  	v8 =	vmul.f32 v8, v8;
	v46 =	vld [tilespmem:s23+$0x3580];
	v5 =	vadd.f32 v5, v60;
	v0 =	vadd.f32 v3, v0  }
0xb1: {  	v58 =	vld [tilespmem:s23+$0x540];
	v3 =	vadd.f32 $9.999999970e-07, v63;
	v60 =	vsub.f32 v28, v45  }
0xb2: {  	v45 =	vld [tilespmem:s23+$0x580];
	v10 =	vmul.f32 v10, v10;
	v63 =	vmul.f32 v11, v11;
	v5 =	vadd.f32 v8, v5  }
0xb3: {  	v11 =	vld [tilespmem:s23+$0x5A0];
	v0 =	vadd.f32 v61, v0;
	v61 =	vmul.f32 v3, v3;
	v12 =	vadd.f32 $9.999999970e-07, v60  }
0xb4: {  	v8 =	vadd.f32 $9.999999970e-07, v62;
	v44 =	vsub.f32 v41, v44;
	v41 =	vld [tilespmem:s23+$0x3680]  }
0xb5: {  	v28 =	vadd.f32 v10, v61;
	v60 =	vmul.f32 v12, v12;
	v61 =	vld [tilespmem:$0x1FF60]  }
0xb6: {  	v9 =	vmul.f32 v9, v9;
	v8 =	vmul.f32 v8, v8;
	v12 =	vld [tilespmem:$0x1FF90]  }
0xb7: {  	v3 =	vadd.f32 v0, v5;
	v0 =	vadd.f32 v60, v28;
	v28 =	vld [tilespmem:$0x1FFB0]  }
0xb8: {  	v62 =	vadd.f32 v9, v8;
	v60 =	vld [tilespmem:$0x1FFC0]  }
0xb9: {  	v9 =	vld [tilespmem:s23+$0x5B0]  }
0xba: {  	v2 =	vadd.f32 v2, v4;
	v4 =	vadd.f32 v63, v62;
	v62 =	vld [tilespmem:$0x1FF70]  }
0xbb: {  	v63 =	vld [tilespmem:$0x1FF80]  }
0xbc: {  	v10 =	vsub.f32 v14, v28;
	v14 =	vld [tilespmem:s23+$0x35B0]  }
0xbd: {  	v28 =	vsub.f32 v60, v6;
	v6 =	vld [tilespmem:s23+$0x5C0]  }
0xbe: {  	v51 =	vsub.f32 v51, v56;
	v56 =	vsub.f32 v45, v46;
	v46 =	vld [tilespmem:s23+$0x700]  }
0xbf: {  	v13 =	vadd.f32 $9.999999970e-07, v13;
	v8 =	vsub.f32 v61, v62;
	v61 =	vld [tilespmem:$0x1FFD0]  }
0xc0: {  	v1 =	vsub.f32 v1, v36;
	v5 =	vsub.f32 v63, v12;
	v12 =	vld [tilespmem:s23+$0x35A0]  }
0xc1: {  	v8 =	vadd.f32 $9.999999970e-07, v8;
	v9 =	vsub.f32 v9, v14;
	v14 =	vld [tilespmem:s23+$0x36E0]  }
0xc2: {  	v63 =	vadd.f32 $9.999999970e-07, v28;
	v6 =	vsub.f32 v6, v20;
	v20 =	vld [tilespmem:s23+$0x6F0]  }
0xc3: {  	v1 =	vadd.f32 $9.999999970e-07, v1;
	v60 =	vmul.f32 v8, v8;
	v8 =	vadd.f32 $9.999999970e-07, v10;
	v10 =	vld [tilespmem:s23+$0x35E0]  }
0xc4: {  	v62 =	vsub.f32 v61, v15;
	v15 =	vmul.f32 v63, v63;
	v63 =	vmul.f32 v13, v13;
	v13 =	vld [tilespmem:s23+$0x5F0]  }
0xc5: {  	v18 =	vadd.f32 $9.999999970e-07, v18;
	v11 =	vsub.f32 v11, v12;
	v12 =	vld [tilespmem:s23+$0x6E0]  }
0xc6: {  	v28 =	vmul.f32 v8, v8;
	v8 =	vld [tilespmem:s23+$0x5E0];
	v4 =	vadd.f32 v60, v4;
	v60 =	vsub.f32 v39, v43  }
0xc7: {  	v39 =	vsub.f32 v26, v34;
	v43 =	vsub.f32 v35, v40;
	v34 =	vld [tilespmem:s23+$0x3670]  }
0xc8: {  	v61 =	vadd.f32 $9.999999970e-07, v62;
	v62 =	vsub.f32 v17, v22;
	v22 =	vld [tilespmem:s23+$0x5D0]  }
0xc9: {  	v31 =	vadd.f32 $9.999999970e-07, v31;
	v17 =	vsub.f32 v23, v30;
	v23 =	vld [tilespmem:s23+$0x35D0]  }
0xca: {  	v36 =	vadd.f32 v63, v15;
	v15 =	vld [tilespmem:s23+$0x35F0];
	v26 =	vadd.f32 $9.999999970e-07, v43  }
0xcb: {  	v43 =	vld [tilespmem:s23+$0x690];
	v30 =	vmul.f32 v61, v61;
	v61 =	vadd.f32 $9.999999970e-07, v62;
	v17 =	vadd.f32 $9.999999970e-07, v17  }
0xcc: {  	v1 =	vmul.f32 v1, v1;
	v7 =	vadd.f32 $9.999999970e-07, v7;
	v12 =	vsub.f32 v12, v14;
	v14 =	vld [tilespmem:s23+$0x7E0]  }
0xcd: {  	v28 =	vadd.f32 v30, v28;
	v62 =	vmul.f32 v61, v61;
	v63 =	vmul.f32 v17, v17;
	v17 =	vld [tilespmem:s23+$0x600]  }
0xce: {  	v18 =	vmul.f32 v18, v18;
	v16 =	vsub.f32 v16, v21;
	v22 =	vsub.f32 v22, v23;
	v23 =	vld [tilespmem:s23+$0x36F0]  }
0xcf: {  	v5 =	vadd.f32 $9.999999970e-07, v5;
	v28 =	vadd.f32 v62, v28;
	v62 =	vmul.f32 v31, v31;
	v31 =	vld [tilespmem:s23+$0x3600]  }
0xd0: {  	v7 =	vmul.f32 v7, v7;
	v24 =	vadd.f32 $9.999999970e-07, v24;
	v61 =	vadd.f32 v63, v36;
	v36 =	vld [tilespmem:s23+$0x3630]  }
0xd1: {  	v27 =	vadd.f32 $9.999999970e-07, v27;
	v5 =	vmul.f32 v5, v5;
	v63 =	vsub.f32 v33, v38;
	v38 =	vld [tilespmem:s23+$0x3640]  }
0xd2: {  	v24 =	vmul.f32 v24, v24;
	v33 =	vadd.f32 $9.999999970e-07, v60;
	v60 =	vsub.f32 v42, v48;
	v48 =	vld [tilespmem:s23+$0x3690]  }
0xd3: {  	v27 =	vmul.f32 v27, v27;
	v0 =	vadd.f32 v5, v0;
	v1 =	vadd.f32 v1, v28;
	v28 =	vld [tilespmem:s23+$0x620]  }
0xd4: {  	v5 =	vadd.f32 v62, v61;
	v61 =	vadd.f32 v24, v7;
	v24 =	vld [tilespmem:s23+$0x650]  }
0xd5: {  	v30 =	vadd.f32 $9.999999970e-07, v63;
	v63 =	vadd.f32 v27, v18;
	v27 =	vld [tilespmem:s23+$0x3650]  }
0xd6: {  	v16 =	vadd.f32 $9.999999970e-07, v16;
	v18 =	vadd.f32 $9.999999970e-07, v39;
	v39 =	vld [tilespmem:s23+$0x680]  }
0xd7: {  	v62 =	vmul.f32 v30, v30;
	v30 =	vmul.f32 v33, v33;
	v33 =	vsub.f32 v19, v25;
	v19 =	vld [tilespmem:s23+$0x660]  }
0xd8: {  	v11 =	vadd.f32 $9.999999970e-07, v11;
	v4 =	vadd.f32 v0, v4;
	v25 =	vld [tilespmem:s23+$0x3660]  }
0xd9: {  	v35 =	vadd.f32 $9.999999970e-07, v60;
	v31 =	vsub.f32 v17, v31;
	v17 =	vld [tilespmem:s23+$0x730]  }
0xda: {  	v5 =	vadd.f32 v5, v1;
	v36 =	vsub.f32 v32, v36;
	v32 =	vld [tilespmem:s23+$0x750]  }
0xdb: {  	v0 =	vadd.f32 v62, v61;
	v1 =	vadd.f32 v30, v63;
	v30 =	vld [tilespmem:s23+$0x670]  }
0xdc: {  	v61 =	vsub.f32 v49, v57;
	v57 =	vsub.f32 v52, v53;
	v52 =	vld [tilespmem:s23+$0x6A0]  }
0xdd: {  	v26 =	vmul.f32 v26, v26;
	v35 =	vmul.f32 v35, v35;
	v7 =	vadd.f32 $9.999999970e-07, v33;
	v53 =	vld [tilespmem:s23+$0x36A0]  }
0xde: {  	v33 =	vadd.f32 $9.999999970e-07, v44;
	v62 =	vsub.f32 v58, v59;
	v49 =	vld [tilespmem:s23+$0x6B0]  }
0xdf: {  	v63 =	vsub.f32 v54, v55;
	v26 =	vadd.f32 v35, v26;
	v35 =	vld [tilespmem:s23+$0x6C0]  }
0xe0: {  	v24 =	vsub.f32 v24, v27;
	v27 =	vld [tilespmem:s23+$0x3750];
	v40 =	vadd.f32 $9.999999970e-07, v61  }
0xe1: {  	v42 =	vadd.f32 $9.999999970e-07, v62;
	v61 =	vadd.f32 $9.999999970e-07, v51;
	v51 =	vld [tilespmem:s23+$0x36B0]  }
0xe2: {  	v59 =	vadd.f32 $9.999999970e-07, v57;
	v57 =	vsub.f32 v47, v50;
	v47 =	vld [tilespmem:s23+$0x3700]  }
0xe3: {  	v7 =	vmul.f32 v7, v7;
	v44 =	vadd.f32 $9.999999970e-07, v63;
	v19 =	vsub.f32 v19, v25;
	v25 =	vld [tilespmem:s23+$0x760]  }
0xe4: {  	v22 =	vadd.f32 $9.999999970e-07, v22;
	v33 =	vmul.f32 v33, v33;
	v58 =	vmul.f32 v42, v42;
	v42 =	vld [tilespmem:s23+$0x6D0]  }
0xe5: {  	v40 =	vmul.f32 v40, v40;
	v60 =	vmul.f32 v44, v44;
	v0 =	vadd.f32 v7, v0;
	v44 =	vld [tilespmem:s23+$0x36D0]  }
0xe6: {  	v55 =	vmul.f32 v61, v61;
	v61 =	vmul.f32 v22, v22;
	v22 =	vld [tilespmem:s23+$0x3710];
	v30 =	vsub.f32 v30, v34  }
0xe7: {  	v33 =	vadd.f32 v40, v33;
	v62 =	vadd.f32 v58, v26;
	v40 =	vld [tilespmem:s23+$0x36C0]  }
0xe8: {  	v63 =	vmul.f32 v59, v59;
	v26 =	vadd.f32 $9.999999970e-07, v56;
	v27 =	vsub.f32 v32, v27;
	v32 =	vld [tilespmem:s23+$0x3810]  }
0xe9: {  	v58 =	vadd.f32 $9.999999970e-07, v6;
	v50 =	vadd.f32 $9.999999970e-07, v30;
	v30 =	vld [tilespmem:s23+$0x3770]  }
0xea: {  	v18 =	vmul.f32 v18, v18;
	v7 =	vadd.f32 v63, v62;
	v62 =	vsub.f32 v8, v10;
	v10 =	vld [tilespmem:s23+$0x720]  }
0xeb: {  	v54 =	vadd.f32 v60, v33;
	v60 =	vmul.f32 v58, v58;
	v58 =	vsub.f32 v39, v41;
	v39 =	vld [tilespmem:s23+$0x7B0]  }
0xec: {  	v9 =	vadd.f32 $9.999999970e-07, v9;
	v11 =	vmul.f32 v11, v11;
	v26 =	vmul.f32 v26, v26;
	v41 =	vld [tilespmem:s23+$0x37B0]  }
0xed: {  	v1 =	vadd.f32 v18, v1;
	v33 =	vadd.f32 $9.999999970e-07, v57;
	v57 =	vmul.f32 v50, v50;
	v50 =	vld [tilespmem:s23+$0x37D0]  }
0xee: {  	v19 =	vadd.f32 $9.999999970e-07, v19;
	v59 =	vadd.f32 v11, v26;
	v11 =	vld [tilespmem:s23+$0x710]  }
0xef: {  	v38 =	vsub.f32 v37, v38;
	v26 =	vsub.f32 v13, v15;
	v13 =	vld [tilespmem:s23+$0x3720]  }
0xf0: {  	v6 =	vadd.f32 v1, v0;
	v18 =	vadd.f32 v55, v54;
	v55 =	vmul.f32 v19, v19;
	v19 =	vld [tilespmem:s23+$0x780]  }
0xf1: {  	v9 =	vmul.f32 v9, v9;
	v15 =	vadd.f32 $9.999999970e-07, v31;
	v31 =	vadd.f32 $9.999999970e-07, v38;
	v38 =	vld [tilespmem:s23+$0x37A0]  }
0xf2: {  	v33 =	vmul.f32 v33, v33;
	v1 =	vadd.f32 $9.999999970e-07, v62;
	v62 =	vsub.f32 v42, v44;
	v42 =	vld [tilespmem:s23+$0x7C0]  }
0xf3: {  	v12 =	vadd.f32 $9.999999970e-07, v12;
	v7 =	vadd.f32 v18, v7;
	v18 =	vld [tilespmem:s23+$0x3730]  }
0xf4: {  	v9 =	vadd.f32 v9, v33;
	v33 =	vsub.f32 v28, v29;
	v29 =	vld [tilespmem:s23+$0x3740]  }
0xf5: {  	v24 =	vadd.f32 $9.999999970e-07, v24;
	v27 =	vadd.f32 $9.999999970e-07, v27;
	v45 =	vmul.f32 v31, v31;
	v31 =	vld [tilespmem:s23+$0x770]  }
0xf6: {  	v35 =	vsub.f32 v35, v40;
	v28 =	vadd.f32 $9.999999970e-07, v36;
	v36 =	vld [tilespmem:s23+$0x7A0]  }
0xf7: {  	v0 =	vadd.f32 v60, v59;
	v59 =	vsub.f32 v43, v48;
	v43 =	vld [tilespmem:s23+$0x37C0]  }
0xf8: {  	v60 =	vsub.f32 v52, v53;
	v40 =	vadd.f32 $9.999999970e-07, v62;
	v52 =	vld [tilespmem:s23+$0x37E0]  }
0xf9: {  	v53 =	vsub.f32 v46, v47;
	v41 =	vsub.f32 v39, v41;
	v39 =	vld [tilespmem:s23+$0x880]  }
0xfa: {  	v16 =	vmul.f32 v16, v16;
	v63 =	vadd.f32 v61, v9;
	v9 =	vadd.f32 $9.999999970e-07, v26;
	v26 =	vld [tilespmem:s23+$0x740]  }
0xfb: {  	v1 =	vmul.f32 v1, v1;
	v21 =	vadd.f32 $9.999999970e-07, v33;
	v33 =	vld [tilespmem:s23+$0x3760];
	v61 =	vsub.f32 v49, v51  }
0xfc: {  	v28 =	vmul.f32 v28, v28;
	v51 =	vsub.f32 v20, v23;
	v20 =	vadd.f32 $9.999999970e-07, v53;
	v53 =	vld [tilespmem:s23+$0x8A0]  }
0xfd: {  	v35 =	vadd.f32 $9.999999970e-07, v35;
	v10 =	vsub.f32 v10, v13;
	v13 =	vld [tilespmem:s23+$0x800]  }
0xfe: {  	v0 =	vadd.f32 v1, v0;
	v16 =	vadd.f32 v28, v16;
	v28 =	vld [tilespmem:s23+$0x3790]  }
0xff: {  	v15 =	vmul.f32 v15, v15;
	v34 =	vadd.f32 $9.999999970e-07, v60;
	v17 =	vsub.f32 v17, v18;
	v18 =	vld [tilespmem:s23+$0x3800]  }
0x100: {  	v49 =	vmul.f32 v40, v40;
	v11 =	vsub.f32 v11, v22;
	v30 =	vsub.f32 v31, v30;
	v31 =	vld [tilespmem:s23+$0x3820]  }
0x101: {  	v21 =	vmul.f32 v21, v21;
	v37 =	vadd.f32 $9.999999970e-07, v61;
	v40 =	vsub.f32 v36, v38;
	v38 =	vld [tilespmem:s23+$0x38E0]  }
0x102: {  	v24 =	vmul.f32 v24, v24;
	v11 =	vadd.f32 $9.999999970e-07, v11;
	v43 =	vsub.f32 v42, v43;
	v42 =	vld [tilespmem:s23+$0x38F0]  }
0x103: {  	v9 =	vmul.f32 v9, v9;
	v10 =	vadd.f32 $9.999999970e-07, v10;
	v15 =	vadd.f32 v21, v15;
	v21 =	vld [tilespmem:s23+$0x3780]  }
0x104: {  	v52 =	vsub.f32 v14, v52;
	v56 =	vadd.f32 v24, v16;
	v24 =	vld [tilespmem:s23+$0x790]  }
0x105: {  	v34 =	vmul.f32 v34, v34;
	v8 =	vadd.f32 v9, v63;
	v26 =	vsub.f32 v26, v29;
	v29 =	vld [tilespmem:s23+$0x810]  }
0x106: {  	v20 =	vmul.f32 v20, v20;
	v16 =	vadd.f32 $9.999999970e-07, v59;
	v25 =	vsub.f32 v25, v33;
	v33 =	vld [tilespmem:s23+$0x820]  }
0x107: {  	v17 =	vadd.f32 $9.999999970e-07, v17;
	v10 =	vmul.f32 v10, v10;
	v54 =	vadd.f32 v45, v15;
	v45 =	vld [tilespmem:s23+$0x7D0]  }
0x108: {  	v37 =	vmul.f32 v37, v37;
	v15 =	vadd.f32 $9.999999970e-07, v58;
	v58 =	vadd.f32 $9.999999970e-07, v30;
	v30 =	vld [tilespmem:s23+$0x3830]  }
0x109: {  	v11 =	vmul.f32 v11, v11;
	v36 =	vadd.f32 $9.999999970e-07, v43;
	v10 =	vadd.f32 v10, v20;
	v20 =	vld [tilespmem:s23+$0x840]  }
0x10a: {  	v9 =	vadd.f32 v57, v56;
	v16 =	vmul.f32 v16, v16;
	v1 =	vadd.f32 v55, v54;
	v54 =	vld [tilespmem:s23+$0x7F0]  }
0x10b: {  	v8 =	vadd.f32 v8, v0;
	v57 =	vmul.f32 v27, v27;
	v26 =	vadd.f32 $9.999999970e-07, v26;
	v55 =	vld [tilespmem:s23+$0x37F0]  }
0x10c: {  	v27 =	vadd.f32 $9.999999970e-07, v41;
	v17 =	vmul.f32 v17, v17;
	v60 =	vmul.f32 v58, v58;
	v58 =	vld [tilespmem:s23+$0x38B0]  }
0x10d: {  	v25 =	vadd.f32 $9.999999970e-07, v25;
	v48 =	vadd.f32 v37, v16;
	v56 =	vmul.f32 v26, v26;
	v26 =	vld [tilespmem:s23+$0x830]  }
0x10e: {  	v15 =	vmul.f32 v15, v15;
	v13 =	vsub.f32 v13, v18;
	v11 =	vadd.f32 v17, v11;
	v17 =	vld [tilespmem:s23+$0x3840]  }
0x10f: {  	v61 =	vsub.f32 v19, v21;
	v19 =	vld [tilespmem:s23+$0x850];
	v62 =	vsub.f32 v24, v28  }
0x110: {  	v59 =	vmul.f32 v25, v25;
	v25 =	vld [tilespmem:s23+$0x860];
	v24 =	vadd.f32 $9.999999970e-07, v40;
	v63 =	vadd.f32 v34, v15  }
0x111: {  	v28 =	vld [tilespmem:s23+$0x3860];
	v9 =	vadd.f32 v9, v1;
	v1 =	vadd.f32 v49, v48  }
0x112: {  	v40 =	vld [tilespmem:s23+$0x3880];
	v15 =	vadd.f32 $9.999999970e-07, v51;
	v13 =	vadd.f32 $9.999999970e-07, v13  }
0x113: {  	v44 =	vmul.f32 v35, v35;
	v51 =	vld [tilespmem:s23+$0x3890];
	v10 =	vadd.f32 v56, v10;
	v11 =	vadd.f32 v57, v11  }
0x114: {  	v48 =	vmul.f32 v36, v36;
	v36 =	vld [tilespmem:s23+$0x8E0];
	v34 =	vsub.f32 v45, v50;
	v57 =	vsub.f32 v29, v32  }
0x115: {  	v12 =	vmul.f32 v12, v12;
	v45 =	vld [tilespmem:s23+$0x3870];
	v0 =	vadd.f32 v44, v63;
	v11 =	vadd.f32 v60, v11  }
0x116: {  	v56 =	vld [tilespmem:s23+$0x8B0];
	v15 =	vmul.f32 v15, v15;
	v34 =	vadd.f32 $9.999999970e-07, v34;
	v54 =	vsub.f32 v54, v55  }
0x117: {  	v63 =	vld [tilespmem:s23+$0x3850];
	v22 =	vadd.f32 $9.999999970e-07, v57;
	v0 =	vadd.f32 v12, v0  }
0x118: {  	v44 =	vld [tilespmem:s23+$0x870];
	v1 =	vadd.f32 v15, v1;
	v12 =	vadd.f32 v59, v10  }
0x119: {  	v55 =	vld [tilespmem:s23+$0x38A0];
	v10 =	vadd.f32 $9.999999970e-07, v61;
	v15 =	vadd.f32 $9.999999970e-07, v62  }
0x11a: {  	v60 =	vld [tilespmem:s23+$0x8C0];
	v59 =	vsub.f32 v33, v31;
	v26 =	vsub.f32 v26, v30  }
0x11b: {  	v57 =	vld [tilespmem:s23+$0x3940];
	v17 =	vsub.f32 v20, v17;
	v25 =	vsub.f32 v25, v28  }
0x11c: {  	v61 =	vld [tilespmem:s23+$0x38C0];
	v28 =	vsub.f32 v36, v38;
	v46 =	vmul.f32 v10, v10;
	v10 =	vadd.f32 v1, v0  }
0x11d: {  	v27 =	vmul.f32 v27, v27;
	v62 =	vld [tilespmem:s23+$0x8D0];
	v11 =	vadd.f32 v11, v12;
	v1 =	vadd.f32 $9.999999970e-07, v52  }
0x11e: {  	v50 =	vmul.f32 v34, v34;
	v34 =	vld [tilespmem:s23+$0x3960];
	v29 =	vadd.f32 $9.999999970e-07, v59;
	v26 =	vadd.f32 $9.999999970e-07, v26  }
0x11f: {  	v24 =	vmul.f32 v24, v24;
	v38 =	vld [tilespmem:s23+$0x970];
	v17 =	vadd.f32 $9.999999970e-07, v17;
	v25 =	vadd.f32 $9.999999970e-07, v25  }
0x120: {  	v15 =	vmul.f32 v15, v15;
	v18 =	vsub.f32 v56, v58;
	v52 =	vld [tilespmem:s23+$0x3920];
	v19 =	vsub.f32 v19, v63  }
0x121: {  	v56 =	vld [tilespmem:s23+$0x940];
	v37 =	vsub.f32 v44, v45;
	v47 =	vadd.f32 v24, v46  }
0x122: {  	v13 =	vmul.f32 v13, v13;
	v58 =	vld [tilespmem:s23+$0x950];
	v49 =	vadd.f32 v27, v15;
	v15 =	vadd.f32 $9.999999970e-07, v54  }
0x123: {  	v22 =	vmul.f32 v22, v22;
	v63 =	vld [tilespmem:s23+$0x38D0];
	v14 =	vsub.f32 v53, v55;
	v18 =	vadd.f32 $9.999999970e-07, v18  }
0x124: {  	v44 =	vld [tilespmem:s23+$0x900];
	v29 =	vmul.f32 v29, v29;
	v19 =	vadd.f32 $9.999999970e-07, v19;
	v41 =	vadd.f32 $9.999999970e-07, v37  }
0x125: {  	v24 =	vld [tilespmem:s23+$0x890];
	v26 =	vmul.f32 v26, v26;
	v54 =	vsub.f32 v60, v61;
	v0 =	vadd.f32 v48, v47  }
0x126: {  	v1 =	vmul.f32 v1, v1;
	v53 =	vld [tilespmem:s23+$0x930];
	v12 =	vadd.f32 v50, v49;
	v13 =	vadd.f32 v29, v13  }
0x127: {  	v17 =	vmul.f32 v17, v17;
	v55 =	vld [tilespmem:s23+$0x3930];
	v22 =	vadd.f32 v26, v22;
	v49 =	vsub.f32 v39, v40  }
0x128: {  	v60 =	vld [tilespmem:s23+$0x3950];
	v15 =	vmul.f32 v15, v15;
	v14 =	vadd.f32 $9.999999970e-07, v14;
	v27 =	vadd.f32 $9.999999970e-07, v54  }
0x129: {  	v29 =	vld [tilespmem:s23+$0x8F0];
	v21 =	vsub.f32 v56, v57;
	v13 =	vadd.f32 v17, v13  }
0x12a: {  	v47 =	vld [tilespmem:s23+$0x3900];
	v19 =	vmul.f32 v19, v19;
	v0 =	vadd.f32 v1, v0;
	v12 =	vadd.f32 v15, v12  }
0x12b: {  	v48 =	vld [tilespmem:s23+$0x910];
	v17 =	vadd.f32 $9.999999970e-07, v49;
	v20 =	vsub.f32 v62, v63  }
0x12c: {  	v43 =	vmul.f32 v25, v25;
	v50 =	vld [tilespmem:s23+$0x3910];
	v62 =	vadd.f32 $9.999999970e-07, v28;
	v45 =	vadd.f32 v19, v22  }
0x12d: {  	v46 =	vmul.f32 v41, v41;
	v41 =	vld [tilespmem:s23+$0x980];
	v24 =	vsub.f32 v24, v51;
	v26 =	vsub.f32 v53, v55  }
0x12e: {  	v63 =	vld [tilespmem:s23+$0x960];
	v21 =	vadd.f32 $9.999999970e-07, v21;
	v13 =	vadd.f32 v43, v13  }
0x12f: {  	v49 =	vld [tilespmem:s23+$0x39B0];
	v20 =	vadd.f32 $9.999999970e-07, v20;
	v0 =	vadd.f32 v12, v0  }
0x130: {  	v14 =	vmul.f32 v14, v14;
	v51 =	vld [tilespmem:s23+$0x920];
	v1 =	vadd.f32 v46, v45;
	v24 =	vadd.f32 $9.999999970e-07, v24  }
0x131: {  	v17 =	vmul.f32 v17, v17;
	v43 =	vld [tilespmem:s23+$0x990];
	v22 =	vsub.f32 v44, v47;
	v40 =	vsub.f32 v29, v42  }
0x132: {  	v42 =	vld [tilespmem:s23+$0x3980];
	v15 =	vsub.f32 v48, v50;
	v46 =	vadd.f32 $9.999999970e-07, v26  }
0x133: {  	v18 =	vmul.f32 v18, v18;
	v44 =	vld [tilespmem:s23+$0x9A0];
	v14 =	vadd.f32 v14, v17;
	v1 =	vadd.f32 v1, v13  }
0x134: {  	v61 =	vmul.f32 v27, v27;
	v45 =	vld [tilespmem:s23+$0x39A0];
	v22 =	vadd.f32 $9.999999970e-07, v22;
	v17 =	vadd.f32 $9.999999970e-07, v40  }
0x135: {  	v47 =	vld [tilespmem:s23+$0x3990];
	v24 =	vmul.f32 v24, v24;
	v15 =	vadd.f32 $9.999999970e-07, v15;
	v12 =	vsub.f32 v63, v34  }
0x136: {  	v37 =	vmul.f32 v62, v62;
	v48 =	vld [tilespmem:s23+$0x9B0];
	v35 =	vadd.f32 v61, v14;
	v16 =	vsub.f32 v51, v52  }
0x137: {  	v39 =	vld [tilespmem:s23+$0x3970];
	v59 =	vadd.f32 v18, v24;
	v18 =	vsub.f32 v58, v60  }
0x138: {  	v50 =	vld [tilespmem:s23+$0x9C0];
	v12 =	vadd.f32 $9.999999970e-07, v12;
	v13 =	vadd.f32 v37, v35  }
0x139: {  	v20 =	vmul.f32 v20, v20;
	v51 =	vld [tilespmem:s23+$0x39C0];
	v16 =	vadd.f32 $9.999999970e-07, v16;
	v24 =	vsub.f32 v41, v42  }
0x13a: {  	v21 =	vmul.f32 v21, v21;
	v60 =	vld [tilespmem:$0x1FFE0];
	v27 =	vsub.f32 v44, v45;
	v19 =	vsub.f32 v43, v47  }
0x13b: {  	v56 =	vld [tilespmem:s23+$0x9E0];
	v22 =	vmul.f32 v22, v22;
	v63 =	vsub.f32 v48, v49;
	v36 =	vadd.f32 v20, v59  }
0x13c: {  	v55 =	vld [tilespmem:s23+$0x39D0];
	v17 =	vmul.f32 v17, v17;
	v18 =	vadd.f32 $9.999999970e-07, v18;
	v20 =	vsub.f32 v38, v39  }
0x13d: {  	v52 =	vld [tilespmem:s23+$0x9D0];
	v16 =	vmul.f32 v16, v16;
	v53 =	vadd.f32 $9.999999970e-07, v24;
	v54 =	vadd.f32 $9.999999970e-07, v27  }
0x13e: {  	v61 =	vld [tilespmem:s23+$0x9F0];
	v15 =	vmul.f32 v15, v15;
	v28 =	vadd.f32 $9.999999970e-07, v19;
	v14 =	vadd.f32 v17, v36  }
0x13f: {  	v59 =	vld [tilespmem:s23+$0x39E0];
	v26 =	vsub.f32 v50, v51;
	v16 =	vadd.f32 v16, v22;
	v22 =	vmul.f32 v46, v46;
	(xrf2) =	vadd.scan.msk.f32 $0xffff, v60  }
0x140: {  	v24 =	vld [tilespmem:s23+$0x39F0];
	v30 =	vadd.f32 $9.999999970e-07, v20;
	v57 =	vmul.f32 v53, v53;
	v58 =	vmul.f32 v54, v54;
	(xrf2) =	vadd.scan.msk.f32 $0xffff, v2  }
0x141: {  	v12 =	vmul.f32 v12, v12;
	v15 =	vadd.f32 v22, v15;
	v16 =	vadd.f32 v21, v16;
	(xrf2) =	vadd.scan.msk.f32 $0xffff, v3  }
0x142: {  	v18 =	vmul.f32 v18, v18;
	v62 =	vadd.f32 v58, v57;
	v21 =	vsub.f32 v52, v55;
	(xrf2) =	vadd.scan.msk.f32 $0xffff, v4  }
0x143: {  	v34 =	vmul.f32 v30, v30;
	v12 =	vadd.f32 v12, v16;
	v16 =	vadd.f32 $9.999999970e-07, v63;
	(xrf2) =	vadd.scan.msk.f32 $0xffff, v5  }
0x144: {  	v29 =	vsub.f32 v56, v59;
	v3 =	vadd.f32 $9.999999970e-07, v26;
	v4 =	vmul.f32 v28, v28;
	(xrf2) =	vadd.scan.msk.f32 $0xffff, v6  }
0x145: {  	v32 =	vsub.f32 v61, v24;
	v33 =	vadd.f32 $9.999999970e-07, v21;
	v31 =	vmul.f32 v16, v16;
	(xrf2) =	vadd.scan.msk.f32 $0xffff, v7  }
0x146: {  	v15 =	vadd.f32 v18, v15;
	v3 =	vmul.f32 v3, v3;
	v5 =	vadd.f32 $9.999999970e-07, v29;
	(xrf2) =	vadd.scan.msk.f32 $0xffff, v8  }
0x147: {  	v35 =	vmul.f32 v33, v33;
	v7 =	vadd.f32 $9.999999970e-07, v32;
	v4 =	vadd.f32 v31, v4;
	(xrf2) =	vadd.scan.msk.f32 $0xffff, v9  }
0x148: {  	v6 =	vadd.f32 v34, v15;
	v2 =	vadd.f32 v3, v62;
	(xrf2) =	vadd.scan.msk.f32 $0xffff, v10  }
0x149: {  	v5 =	vmul.f32 v5, v5;
	v7 =	vmul.f32 v7, v7;
	v36, _, _ =	vpop (xrf2);
	(xrf2) =	vadd.scan.msk.f32 $0xffff, v11;
	v4 =	vadd.f32 v35, v4  }
0x14a: {  	v38 =	vadd.f32 v14, v13;
	v6 =	vadd.f32 v6, v12;
	v37, _, _ =	vpop (xrf2);
	(xrf2) =	vadd.scan.msk.f32 $0xffff, v0  }
0x14b: {  	v40 =	vadd.f32 v5, v2;
	v39, _, _ =	vpop (xrf2);
	(xrf2) =	vadd.scan.msk.f32 $0xffff, v1;
	v41 =	vadd.f32 v7, v4  }
0x14c: {  	v42, _, _ =	vpop (xrf2);
	(xrf2) =	vadd.scan.msk.f32 $0xffff, v38  }
0x14d: {  	v43, _, _ =	vpop (xrf2);
	(xrf2) =	vadd.scan.msk.f32 $0xffff, v6;
	v1 =	vadd.f32 v41, v40  }
0x14e: {  	v44, _, _ =	vpop (xrf2)  }
0x14f: {  	v3 =	vbroadcast v36, $0xF;
	v45, _, _ =	vpop (xrf2);
	(xrf2) =	vadd.scan.msk.f32 $0xffff, v1  }
0x150: {  	v47 =	vbroadcast v37, $0xF;
	v46, _, _ =	vpop (xrf2)  }
0x151: {  	v3 =	vnsel vm0, $0x0, v3;
	v9 =	vbroadcast v39, $0xF;
	v48, _, _ =	vpop (xrf2)  }
0x152: {  	v6 =	vnsel vm1, $0x0, v47;
	v4 =	vbroadcast v42, $0xF;
	v0 =	vbroadcast v43, $0xF;
	v49, _, _ =	vpop (xrf2)  }
0x153: {  	v9 =	vnsel vm2, $0x0, v9;
	v2 =	vbroadcast v44, $0xF;
	v51 =	vbroadcast v45, $0xF;
	v50, _, _ =	vpop (xrf2)  }
0x154: {  	v4 =	vnsel vm3, $0x0, v4;
	v0 =	vsel vm4, v3, v0;
	v1 =	vbroadcast v46, $0xF;
	v52, _, _ =	vpop (xrf2)  }
0x155: {  	v2 =	vsel vm5, v6, v2;
	v3 =	vsel vm6, v9, v51;
	v7 =	vbroadcast v48, $0xF;
	v53, _, _ =	vpop (xrf2)  }
0x156: {  	v1 =	vsel vm7, v4, v1;
	v55 =	vbroadcast v49, $0xF;
	v56 =	vbroadcast v50, $0xF;
	v54, _, _ =	vpop (xrf2)  }
0x157: {  	v0 =	vsel vm8, v0, v7;
	v5 =	vbroadcast v52, $0xF;
	v6 =	vbroadcast v53, $0xF;
	v57, _, _ =	vpop (xrf2)  }
0x158: {  	v2 =	vsel vm9, v2, v55;
	v58 =	vbroadcast v54, $0xF;
	v59 =	vbroadcast v57, $0xF  }
0x159: {  	v3 =	vsel vm10, v3, v56;
	v1 =	vsel vm11, v1, v5;
	v0 =	vsel vm12, v0, v6;
	v60, _, _ =	vpop (xrf2)  }
0x15a: {  	v2 =	vsel vm13, v2, v58;
	v3 =	vsel vm14, v3, v59;
	v1 =	vsel vm15, v1, v60  }
0x15b: {  	v0 =	vadd.f32 v2, v0;
	v1 =	vadd.f32 v1, v3;
	_ =	sdelay $0x1  }
0x15c: {  	v0 =	vadd.f32 v1, v0;
	_ =	sdelay $0x1  }
0x15d: {  	v1 =	vshra.s32 v0, $0x1  }
0x15e: {  	v1 =	vadd.s32 $0x1FBD1DF5, v1  }
0x15f: {  	(erf) = vrcp.f32 v1;
	_ =	sdelay $0x8  }
0x160: {  	v61 =	vpop (erf)  }
0x161: {  	v2 =	vmul.f32 v61, v0;
	_ =	sdelay $0x1  }
0x162: {  	v1 =	vadd.f32 v1, v2;
	_ =	sdelay $0x1  }
0x163: {  	v1 =	vmul.f32 $5.000000000e-01, v1;
	_ =	sdelay $0x1  }
0x164: {  	(erf) = vrcp.f32 v1;
	_ =	sdelay $0x7  }
0x165: {  	v63 =	vld [tilespmem:$0x1FFF0]  }
0x166: {  	v62 =	vpop (erf)  }
0x167: {  	v0 =	vmul.f32 v62, v0  }
0x168: {  	p1 =	por p0, p0  }
.Ltmp0:
0x169: {  	v0 =	vadd.f32 v0, v1;
	(pc) =	sbr.rel @p1 .LBB2_3-.Ltmp0, $4  }
0x16a: {  	_ = 	snop  }
0x16b: {  	s23 =	sshll.u32 s20, $0x4;
	v0 =	vmul.f32 $5.000000000e-01, v0  }
0x16c: {  	s20 =	sand.u32 $0x3FFFFFF0, s23  }
0x16d: {  	p0 =	por $0x0, $0x0;
	[tilespmem:v63+s20+$0x0 ss:$0x1] =	vst.idx.msk $0xffff, v0;
	s20 =	simm.s32 $0x1  }
0x16e: {  	s18 =	sor.u32 s7, s18  }
0x16f: {  	s18 =	sshrl.u32 s18, $0x3  }
0x170: {  	p0 =	sgt.u32 s31, $0xC;
	s18 =	sadd.s32 s5, s18  }
0x171: {  	[hbm4b:s18+s6] =	stream.linear.scatter [tilespmem:s19], [sflag:$0x4], $0x20, $0x38;
	[tilespmem:$0x6400] =	vst v63  }
0x172: {  	s18 =	sshll.u32 @!p0 s31, $0x9  }
0x173: {  	s18 =	sadd.s32 @!p0 s18, s15  }
0x174: {  	s23 =	simm.s32 @!p0 $0x0;
	s19 =	sadd.s32 @!p0 $0x200, s3;
	s20 =	sadd.s32 @!p0 s0, s18  }
0x175: {  	[tilespmem:s19], [sflag:$0x1] =	stream.linear.gather @!p0 [hbm4b:s20+s23], $0x1000, $0x38;
	[tilespmem:$0x6400] =	vst v63  }
0x176: {  	s3 =	sadd.s32 @!p0 $0x3200, s3;
	s18 =	sadd.s32 @!p0 s1, s18  }
0x177: {  	[tilespmem:s3], [sflag:$0x2] =	stream.linear.gather @!p0 [hbm4b:s18+s23], $0x1000, $0x38;
	[tilespmem:$0x6400] =	vst v63  }
0x178: {  	p0 =	sne.s32 s2, $0x10  }
.Ltmp1:
0x179: {  	_ = 	snop;
	(pc) =	sbr.rel @p0 .LBB2_2-.Ltmp1, $2  }
0x17a: {  	_ =	sdelay $0x2  }
0x17b: {  	s31 =	smov.u32 s2  }
0x17c: {  	_ =	swait.ge [sflag:s29], $0x20  }
0x17d: {  	[sflag:s29] =	ssyncset.done $0x0  }
0x17e: {  	[sflag:s29] =	ssyncadd.s32 $0xFFFFFFE0  }
0x17f: {  	_ =	swait.ge [sflag:s29], $0x20  }
0x180: {  	[sflag:s29] =	ssyncset.done $0x0  }
0x181: {  	[sflag:s29] =	ssyncadd.s32 $0xFFFFFFE0  }
0x182: {  	_ =	swait.ge [sflag:s29], $0x20  }
0x183: {  	[sflag:s29] =	ssyncset.done $0x0  }
0x184: {  	[sflag:s29] =	ssyncadd.s32 $0xFFFFFFE0  }
0x185: {  	_ =	swait.ge [sflag:s29], $0x20  }
0x186: {  	[sflag:s29] =	ssyncset.done $0x0  }
0x187: {  	[sflag:s29] =	ssyncadd.s32 $0xFFFFFFE0  }
0x188: {  	_ =	swait.ge [sflag:s29], $0x20  }
0x189: {  	[sflag:s29] =	ssyncset.done $0x0  }
0x18a: {  	[sflag:s29] =	ssyncadd.s32 $0xFFFFFFE0  }
0x18b: {  	_ =	swait.ge [sflag:s29], $0x20  }
0x18c: {  	[sflag:s29] =	ssyncset.done $0x0  }
0x18d: {  	[sflag:s29] =	ssyncadd.s32 $0xFFFFFFE0  }
0x18e: {  	_ =	swait.ge [sflag:s29], $0x20  }
0x18f: {  	[sflag:s29] =	ssyncset.done $0x0  }
0x190: {  	[sflag:s29] =	ssyncadd.s32 $0xFFFFFFE0  }
0x191: {  	_ =	swait.ge [sflag:s29], $0x20  }
0x192: {  	[sflag:s29] =	ssyncset.done $0x0  }
0x193: {  	[sflag:s29] =	ssyncadd.s32 $0xFFFFFFE0  }
0x194: {  	_ =	swait.ge [sflag:s29], $0x20  }
0x195: {  	[sflag:s29] =	ssyncset.done $0x0  }
0x196: {  	[sflag:s29] =	ssyncadd.s32 $0xFFFFFFE0  }
0x197: {  	_ =	swait.ge [sflag:s29], $0x20  }
0x198: {  	[sflag:s29] =	ssyncset.done $0x0  }
0x199: {  	[sflag:s29] =	ssyncadd.s32 $0xFFFFFFE0  }
0x19a: {  	_ =	swait.ge [sflag:s29], $0x20  }
0x19b: {  	[sflag:s29] =	ssyncset.done $0x0  }
0x19c: {  	[sflag:s29] =	ssyncadd.s32 $0xFFFFFFE0  }
0x19d: {  	_ =	swait.ge [sflag:s29], $0x20  }
0x19e: {  	[sflag:s29] =	ssyncset.done $0x0  }
0x19f: {  	[sflag:s29] =	ssyncadd.s32 $0xFFFFFFE0  }
0x1a0: {  	_ =	swait.ge [sflag:s29], $0x20  }
0x1a1: {  	[sflag:s29] =	ssyncset.done $0x0  }
0x1a2: {  	[sflag:s29] =	ssyncadd.s32 $0xFFFFFFE0  }
0x1a3: {  	_ =	swait.ge [sflag:s29], $0x20  }
0x1a4: {  	[sflag:s29] =	ssyncset.done $0x0  }
0x1a5: {  	s30 =	sadd.s32 $0x1, s30;
	[sflag:s29] =	ssyncadd.s32 $0xFFFFFFE0  }
0x1a6: {  	p0 =	sne.s32 s30, s16;
	_ =	swait.ge [sflag:s29], $0x20  }
.Ltmp2:
0x1a7: {  	[sflag:s29] =	ssyncset.done $0x0;
	(pc) =	sbr.rel @p0 .LBB2_1-.Ltmp2, $4  }
0x1a8: {  	[sflag:s29] =	ssyncadd.s32 $0xFFFFFFE0  }
0x1a9: {  	_ =	swait.ge [sflag:s29], $0x20  }
0x1aa: {  	[sflag:s29] =	ssyncset.done $0x0  }
0x1ab: {  	[sflag:s29] =	ssyncadd.s32 $0xFFFFFFE0  }
0x1ac: {  	_ =	sfence.sel $0x180000  }
0x1ad: {  	[bflag:$0x0] =	sbarrier.arrive $0xFFFF  }
0x1ae: {  	_ =	strace $0x90000047  }
0x1af: {  	s0 =	stileid.u32;
	[bflag:$0x2] =	sbarrier.arrive $0xFFFF  }
0x1b0: {  	p0 =	sne.s32 s0, $0x0;
	s0 =	rddreg [dreg:$0x5]  }
0x1b1: {  	s0 =	sadd.s32 @!p0 $0x100000, s0  }
0x1b2: {  	[sflag:s0] =	ssyncadd.tile.s32 @!p0 $0x1;
	_ =	shalt  }
.Lfunc_end2:
_tile_overlayer_lowered:
.L_overlay_start_2:
0x1b3: {  	(tag) =	ssettag $0x2  }
0x1b4: {  	s0 =	rddreg [dreg:$0x0];
	s2 =	stileid.u32  }
0x1b5: {  	s1 =	rddreg [dreg:$0x1];
	p0 =	sne.s32 s2, $0x0  }
0x1b6: {  	s3 =	rddreg [dreg:$0x2];
	[bflag:$0x3] =	sbarrier.arrive $0xFFFF;
	s2 =	simm.s32 @!p0 $0x1C05  }
0x1b7: {  	[timem:s3], [sflag:s2] =	dma.local @!p0 [hbm:s0], s1  }
0x1b8: {  	s0 =	simm.s32 @!p0 $0x5  }
0x1b9: {  	_ =	swait.ge @!p0 [sflag:s0], s1  }
0x1ba: {  	s1 =	ssub.s32 @!p0 $0x0, s1;
	[sflag:s0] =	ssyncset.done @!p0 $0x0  }
0x1bb: {  	[sflag:s0] =	ssyncadd.s32 @!p0 s1  }
0x1bc: {  	[bflag:$0x3] =	sbarrier.arrive $0xFFFF  }
0x1bd: {  	_ =	shalt  }

</sc_bundles>
